<compile_context>
chip_gen: v7x
topology: tpu7x:2x2x1
jax: 0.10.2.dev20260603
libtpu: 0.0.44.dev20260713+nightly
codegen_flags: <defaults>
</compile_context>

<pallas_src>
import functools

import jax
import jax.numpy as jnp
from jax import lax
from jax.experimental import pallas as pl
from jax.experimental.pallas import tpu as pltpu
from jax.experimental.pallas import tpu_sc as plsc

N = 32768
D = 512
B = 16
L = 16
CH = 512
G = CH // 8
NBUF = 4


def _body(x_hbm, len_hbm, out_hbm, len_v, buf, res, sem):
    s = lax.axis_index("s")
    c = lax.axis_index("c")
    tc = c * 2 + lax.div(s, 8)
    j16 = lax.rem(s, 8) * L

    pltpu.sync_copy(len_hbm, len_v)
    lenv = len_v[...]
    scs = []
    run = jnp.int32(0)
    for j in range(B):
        run = run + lenv[j]
        scs.append(run)
    total = scs[B - 1]
    nch = (total + CH - 1) // CH

    zero = jnp.zeros((L,), jnp.float32)
    for b in range(B):
        res[b, :] = zero

    def dcopy(ci, slot):
        return pltpu.make_async_copy(
            x_hbm.at[pl.ds(ci * G, G), pl.ds(tc, 1), :, pl.ds(j16, L)],
            buf.at[pl.ds(slot * G, G)],
            sem.at[slot],
        )

    for k in range(NBUF):
        @pl.when(k < nch)
        def _():
            dcopy(jnp.int32(k), jnp.int32(k)).start()

    def chunk_step(ci, carry):
        slot = lax.rem(ci, NBUF)
        dcopy(ci, slot).wait()
        g0 = ci * CH
        g1 = jnp.minimum(g0 + CH, total)
        bg = slot * G - ci * G

        def accum(rl, rh):
            mid0 = jnp.minimum((rl + 7) & ~7, rh)
            mid1 = jnp.maximum(rh & ~7, mid0)

            def head(r, t):
                return t + buf[bg + (r >> 3), 0, r & 7]

            t0 = lax.fori_loop(rl, mid0, head, zero)

            def blk(gg, a):
                g = bg + gg
                return tuple(a[k] + buf[g, 0, k] for k in range(8))

            a = lax.fori_loop(mid0 >> 3, mid1 >> 3, blk, (t0,) + (zero,) * 7)

            def tail(r, t):
                return t + buf[bg + (r >> 3), 0, r & 7]

            s4 = ((a[0] + a[1]) + (a[2] + a[3])) + \
                 ((a[4] + a[5]) + (a[6] + a[7]))
            return lax.fori_loop(mid1, rh, tail, s4)

        seg0 = jnp.int32(0)
        segN = jnp.int32(0)
        for j in range(B):
            seg0 = seg0 + (scs[j] <= g0).astype(jnp.int32)
            segN = segN + (scs[j] < g1).astype(jnp.int32)

        def seg_body(b, pos):
            e_b = scs[0]
            for j in range(1, B):
                e_b = jnp.where(b == j, scs[j], e_b)
            hi = jnp.minimum(jnp.maximum(e_b, pos), g1)
            res[b] = res[b] + accum(pos, hi)
            return hi

        lax.fori_loop(seg0, segN + 1, seg_body, g0)

        @pl.when(ci + NBUF < nch)
        def _():
            dcopy(ci + NBUF, slot).start()

        return carry

    lax.fori_loop(0, nch, chunk_step, jnp.int32(0))

    for b in range(B):
        n_b = scs[b] - (scs[b - 1] if b else jnp.int32(0))
        res[b, :] = res[b, :] / n_b.astype(jnp.float32)

    pltpu.sync_copy(res, out_hbm.at[:, pl.ds(tc * 128 + j16, L)])


def kernel(x, lengths):
    f = functools.partial(
        pl.kernel,
        mesh=plsc.VectorSubcoreMesh(core_axis_name="c", subcore_axis_name="s"),
        out_type=jax.ShapeDtypeStruct((B, D), jnp.float32),
        scratch_types=[
            pltpu.VMEM((B,), jnp.int32),
            pltpu.VMEM((NBUF * G, 1, 8, L), jnp.float32),
            pltpu.VMEM((B, L), jnp.float32),
            pltpu.SemaphoreType.DMA((NBUF,)),
        ],
        compiler_params=pltpu.CompilerParams(use_tc_tiling_on_sc=False),
    )(_body)
    x4 = jnp.transpose(jnp.reshape(x, (N // 8, 8, 4, 128)), (0, 2, 1, 3))
    return f(x4, lengths)

# --- scband reference (transcript-rebuilt; emitter-appended) ---
"""Pipeline reference for scband-global-average-block-3444563772232 (READ-ONLY COPY).

The authoritative reference and input builder live on the scoring server;
editing this copy changes nothing except your own understanding.
"""

import jax, jax.numpy as jnp
import numpy as np


def setup_inputs(seed: int = 0) -> dict:
    key = jax.random.key(seed)
    k1, k2 = jax.random.split(key)
    x = jax.random.normal(k1, (32768, 512), dtype=jnp.float32)
    lengths = jax.random.randint(k2, (16,), 0, 2048, dtype=jnp.int32)
    return {"x": x, "lengths": lengths}


def reference(x, lengths):
    # Faithful translation of global_avgpool: contiguous variable-length
    # segments of x are mean-pooled; tokens beyond sum(lengths) are ignored.
    B = lengths.shape[0]
    N = x.shape[0]
    cum = jnp.cumsum(lengths)
    idx = jnp.arange(N)
    # segment id for each token: number of cumulative boundaries <= idx
    seg = jnp.searchsorted(cum, idx, side='right')  # values in [0, B]
    valid = seg < B
    seg_clipped = jnp.where(valid, seg, B)
    sums = jax.ops.segment_sum(
        jnp.where(valid[:, None], x, jnp.zeros_like(x)),
        seg_clipped, num_segments=B + 1)[:B]
    counts = jax.ops.segment_sum(
        jnp.where(valid, jnp.ones((N,), x.dtype), jnp.zeros((N,), x.dtype)),
        seg_clipped, num_segments=B + 1)[:B]
    return sums / counts[:, None]

if __name__ == "__main__":
    import jax
    _d = setup_inputs()
    print(jax.jit(kernel)(*tuple(_d.values())))

</pallas_src>

<mosaic_0001>
#map = affine_map<(d0, d1) -> (0, 0, 0, 0)>
#map1 = affine_map<(d0, d1) -> (0)>
#map2 = affine_map<(d0, d1) -> (0, 0)>
module attributes {stable_mosaic.version = 14 : i64} {
  func.func @_body(%arg0: i32, %arg1: i32, %arg2: memref<4096x4x8x128xf32, #tpu.memory_space<hbm>>, %arg3: memref<16xi32, #tpu.memory_space<hbm>>, %arg4: memref<16x512xf32, #tpu.memory_space<hbm>>, %arg5: memref<16xi32, #tpu.memory_space<vmem>>, %arg6: memref<256x1x8x16xf32, #tpu.memory_space<vmem>>, %arg7: memref<16x16xf32, #tpu.memory_space<vmem>>, %arg8: memref<4x!tpu.dma_semaphore, #tpu.memory_space<semaphore_mem>>) attributes {dimension_semantics = [#tpu.dimension_semantics<core_parallel>, #tpu.dimension_semantics<subcore_parallel>], iteration_bounds = array<i64: 2, 16>, scalar_prefetch = 0 : i64, scratch_operands = 4 : i64, tpu.core_type = #tpu.core_type<sc_vector_subcore>, window_params = [{transform_indices = #map}, {transform_indices = #map1}, {transform_indices = #map2}]} {
    %mul3A = arith.constant 2 : i32
    %mul3A_0 = arith.muli %arg0, %mul3A : i32
    %div3A = arith.constant 8 : i32
    %div3A_1 = arith.divsi %arg1, %div3A : i32
    %add3A = arith.addi %mul3A_0, %div3A_1 : i32
    %rem3A = arith.constant 8 : i32
    %rem3A_2 = arith.remsi %arg1, %rem3A : i32
    %mul3A_3 = arith.constant 16 : i32
    %mul3A_4 = arith.muli %rem3A_2, %mul3A_3 : i32
    "tpu.region"() ({
      %run_scoped3A = tpu.sem_alloc : memref<!tpu.dma_semaphore, #tpu.memory_space<semaphore_mem>>
      tpu.enqueue_dma source(%arg3 : memref<16xi32, #tpu.memory_space<hbm>>) target(%arg5 : memref<16xi32, #tpu.memory_space<vmem>>) target_semaphore(%run_scoped3A : memref<!tpu.dma_semaphore, #tpu.memory_space<semaphore_mem>>)
      tpu.wait_dma2 semaphore(%run_scoped3A : memref<!tpu.dma_semaphore, #tpu.memory_space<semaphore_mem>>) src(%arg3 : memref<16xi32, #tpu.memory_space<hbm>>) dst(%arg5 : memref<16xi32, #tpu.memory_space<vmem>>)
      tpu.yield
    }) : () -> ()
    %get3A = arith.constant 0 : index
    %get3A_5 = tpu.vector_load %arg5[%get3A] {strides = array<i32>} : memref<16xi32, #tpu.memory_space<vmem>>, vector<16xi32>,
    %get3A_6 = vector.shape_cast %get3A_5 : vector<16xi32> to vector<16xi32>
    %slice3A = vector.extract_strided_slice %get3A_6 {offsets = [0], sizes = [1], strides = [1]} : vector<16xi32> to vector<1xi32>
    %squeeze3A = vector.extract %slice3A[0] : i32 from vector<1xi32>
    %add3A_7 = arith.constant 0 : i32
    %add3A_8 = arith.addi %add3A_7, %squeeze3A : i32
    %slice3A_9 = vector.extract_strided_slice %get3A_6 {offsets = [1], sizes = [1], strides = [1]} : vector<16xi32> to vector<1xi32>
    %squeeze3A_10 = vector.extract %slice3A_9[0] : i32 from vector<1xi32>
    %add3A_11 = arith.addi %add3A_8, %squeeze3A_10 : i32
    %slice3A_12 = vector.extract_strided_slice %get3A_6 {offsets = [2], sizes = [1], strides = [1]} : vector<16xi32> to vector<1xi32>
    %squeeze3A_13 = vector.extract %slice3A_12[0] : i32 from vector<1xi32>
    %add3A_14 = arith.addi %add3A_11, %squeeze3A_13 : i32
    %slice3A_15 = vector.extract_strided_slice %get3A_6 {offsets = [3], sizes = [1], strides = [1]} : vector<16xi32> to vector<1xi32>
    %squeeze3A_16 = vector.extract %slice3A_15[0] : i32 from vector<1xi32>
    %add3A_17 = arith.addi %add3A_14, %squeeze3A_16 : i32
    %slice3A_18 = vector.extract_strided_slice %get3A_6 {offsets = [4], sizes = [1], strides = [1]} : vector<16xi32> to vector<1xi32>
    %squeeze3A_19 = vector.extract %slice3A_18[0] : i32 from vector<1xi32>
    %add3A_20 = arith.addi %add3A_17, %squeeze3A_19 : i32
    %slice3A_21 = vector.extract_strided_slice %get3A_6 {offsets = [5], sizes = [1], strides = [1]} : vector<16xi32> to vector<1xi32>
    %squeeze3A_22 = vector.extract %slice3A_21[0] : i32 from vector<1xi32>
    %add3A_23 = arith.addi %add3A_20, %squeeze3A_22 : i32
    %slice3A_24 = vector.extract_strided_slice %get3A_6 {offsets = [6], sizes = [1], strides = [1]} : vector<16xi32> to vector<1xi32>
    %squeeze3A_25 = vector.extract %slice3A_24[0] : i32 from vector<1xi32>
    %add3A_26 = arith.addi %add3A_23, %squeeze3A_25 : i32
    %slice3A_27 = vector.extract_strided_slice %get3A_6 {offsets = [7], sizes = [1], strides = [1]} : vector<16xi32> to vector<1xi32>
    %squeeze3A_28 = vector.extract %slice3A_27[0] : i32 from vector<1xi32>
    %add3A_29 = arith.addi %add3A_26, %squeeze3A_28 : i32
    %slice3A_30 = vector.extract_strided_slice %get3A_6 {offsets = [8], sizes = [1], strides = [1]} : vector<16xi32> to vector<1xi32>
    %squeeze3A_31 = vector.extract %slice3A_30[0] : i32 from vector<1xi32>
    %add3A_32 = arith.addi %add3A_29, %squeeze3A_31 : i32
    %slice3A_33 = vector.extract_strided_slice %get3A_6 {offsets = [9], sizes = [1], strides = [1]} : vector<16xi32> to vector<1xi32>
    %squeeze3A_34 = vector.extract %slice3A_33[0] : i32 from vector<1xi32>
    %add3A_35 = arith.addi %add3A_32, %squeeze3A_34 : i32
    %slice3A_36 = vector.extract_strided_slice %get3A_6 {offsets = [10], sizes = [1], strides = [1]} : vector<16xi32> to vector<1xi32>
    %squeeze3A_37 = vector.extract %slice3A_36[0] : i32 from vector<1xi32>
    %add3A_38 = arith.addi %add3A_35, %squeeze3A_37 : i32
    %slice3A_39 = vector.extract_strided_slice %get3A_6 {offsets = [11], sizes = [1], strides = [1]} : vector<16xi32> to vector<1xi32>
    %squeeze3A_40 = vector.extract %slice3A_39[0] : i32 from vector<1xi32>
    %add3A_41 = arith.addi %add3A_38, %squeeze3A_40 : i32
    %slice3A_42 = vector.extract_strided_slice %get3A_6 {offsets = [12], sizes = [1], strides = [1]} : vector<16xi32> to vector<1xi32>
    %squeeze3A_43 = vector.extract %slice3A_42[0] : i32 from vector<1xi32>
    %add3A_44 = arith.addi %add3A_41, %squeeze3A_43 : i32
    %slice3A_45 = vector.extract_strided_slice %get3A_6 {offsets = [13], sizes = [1], strides = [1]} : vector<16xi32> to vector<1xi32>
    %squeeze3A_46 = vector.extract %slice3A_45[0] : i32 from vector<1xi32>
    %add3A_47 = arith.addi %add3A_44, %squeeze3A_46 : i32
    %slice3A_48 = vector.extract_strided_slice %get3A_6 {offsets = [14], sizes = [1], strides = [1]} : vector<16xi32> to vector<1xi32>
    %squeeze3A_49 = vector.extract %slice3A_48[0] : i32 from vector<1xi32>
    %add3A_50 = arith.addi %add3A_47, %squeeze3A_49 : i32
    %slice3A_51 = vector.extract_strided_slice %get3A_6 {offsets = [15], sizes = [1], strides = [1]} : vector<16xi32> to vector<1xi32>
    %squeeze3A_52 = vector.extract %slice3A_51[0] : i32 from vector<1xi32>
    %add3A_53 = arith.addi %add3A_50, %squeeze3A_52 : i32
    %add3A_54 = arith.constant 512 : i32
    %add3A_55 = arith.addi %add3A_53, %add3A_54 : i32
    %sub3A = arith.constant 1 : i32
    %sub3A_56 = arith.subi %add3A_55, %sub3A : i32
    %jit3A = arith.constant 512 : i32
    %div3A_57 = arith.divsi %sub3A_56, %jit3A : i32
    %sign3A = arith.constant 0 : i32
    %sign3A_58 = arith.cmpi sgt, %sub3A_56, %sign3A : i32
    %sign3A_59 = arith.extui %sign3A_58 : i1 to i32
    %sign3A_60 = arith.constant 0 : i32
    %sign3A_61 = arith.cmpi slt, %sub3A_56, %sign3A_60 : i32
    %sign3A_62 = arith.extui %sign3A_61 : i1 to i32
    %sign3A_63 = arith.subi %sign3A_59, %sign3A_62 : i32
    %sign3A_64 = arith.constant 0 : i32
    %sign3A_65 = arith.cmpi sgt, %jit3A, %sign3A_64 : i32
    %sign3A_66 = arith.extui %sign3A_65 : i1 to i32
    %sign3A_67 = arith.constant 0 : i32
    %sign3A_68 = arith.cmpi slt, %jit3A, %sign3A_67 : i32
    %sign3A_69 = arith.extui %sign3A_68 : i1 to i32
    %sign3A_70 = arith.subi %sign3A_66, %sign3A_69 : i32
    %ne3A = arith.cmpi ne, %sign3A_63, %sign3A_70 : i32
    %rem3A_71 = arith.remsi %sub3A_56, %jit3A : i32
    %ne3A_72 = arith.constant 0 : i32
    %ne3A_73 = arith.cmpi ne, %rem3A_71, %ne3A_72 : i32
    %and3A = arith.andi %ne3A, %ne3A_73 : i1
    %sub3A_74 = arith.constant 1 : i32
    %sub3A_75 = arith.subi %div3A_57, %sub3A_74 : i32
    %select_n3A = arith.select %and3A, %sub3A_75, %div3A_57 : i32
    %broadcast_in_dim3A = arith.constant 0.000000e+00 : f32
    %broadcast_in_dim3A_76 = vector.broadcast %broadcast_in_dim3A : f32 to vector<16xf32>
    %swap3A = arith.constant 0 : i32
    %swap3A_77 = arith.index_cast %swap3A : i32 to index
    %swap3A_78 = arith.constant 0 : index
    %swap3A_79 = tpu.vector_load %arg7[%swap3A_77, %swap3A_78] {strides = array<i32>} : memref<16x16xf32, #tpu.memory_space<vmem>>, vector<1x16xf32>,
    %swap3A_80 = vector.shape_cast %swap3A_79 : vector<1x16xf32> to vector<16xf32>
    %swap3A_81 = vector.shape_cast %broadcast_in_dim3A_76 : vector<16xf32> to vector<1x16xf32>
    tpu.vector_store %arg7[%swap3A_77, %swap3A_78], %swap3A_81 {strides = array<i32>} : memref<16x16xf32, #tpu.memory_space<vmem>>, vector<1x16xf32>,
    %swap3A_82 = arith.constant 1 : i32
    %swap3A_83 = arith.index_cast %swap3A_82 : i32 to index
    %swap3A_84 = arith.constant 0 : index
    %swap3A_85 = tpu.vector_load %arg7[%swap3A_83, %swap3A_84] {strides = array<i32>} : memref<16x16xf32, #tpu.memory_space<vmem>>, vector<1x16xf32>,
    %swap3A_86 = vector.shape_cast %swap3A_85 : vector<1x16xf32> to vector<16xf32>
    %swap3A_87 = vector.shape_cast %broadcast_in_dim3A_76 : vector<16xf32> to vector<1x16xf32>
    tpu.vector_store %arg7[%swap3A_83, %swap3A_84], %swap3A_87 {strides = array<i32>} : memref<16x16xf32, #tpu.memory_space<vmem>>, vector<1x16xf32>,
    %swap3A_88 = arith.constant 2 : i32
    %swap3A_89 = arith.index_cast %swap3A_88 : i32 to index
    %swap3A_90 = arith.constant 0 : index
    %swap3A_91 = tpu.vector_load %arg7[%swap3A_89, %swap3A_90] {strides = array<i32>} : memref<16x16xf32, #tpu.memory_space<vmem>>, vector<1x16xf32>,
    %swap3A_92 = vector.shape_cast %swap3A_91 : vector<1x16xf32> to vector<16xf32>
    %swap3A_93 = vector.shape_cast %broadcast_in_dim3A_76 : vector<16xf32> to vector<1x16xf32>
    tpu.vector_store %arg7[%swap3A_89, %swap3A_90], %swap3A_93 {strides = array<i32>} : memref<16x16xf32, #tpu.memory_space<vmem>>, vector<1x16xf32>,
    %swap3A_94 = arith.constant 3 : i32
    %swap3A_95 = arith.index_cast %swap3A_94 : i32 to index
    %swap3A_96 = arith.constant 0 : index
    %swap3A_97 = tpu.vector_load %arg7[%swap3A_95, %swap3A_96] {strides = array<i32>} : memref<16x16xf32, #tpu.memory_space<vmem>>, vector<1x16xf32>,
    %swap3A_98 = vector.shape_cast %swap3A_97 : vector<1x16xf32> to vector<16xf32>
    %swap3A_99 = vector.shape_cast %broadcast_in_dim3A_76 : vector<16xf32> to vector<1x16xf32>
    tpu.vector_store %arg7[%swap3A_95, %swap3A_96], %swap3A_99 {strides = array<i32>} : memref<16x16xf32, #tpu.memory_space<vmem>>, vector<1x16xf32>,
    %swap3A_100 = arith.constant 4 : i32
    %swap3A_101 = arith.index_cast %swap3A_100 : i32 to index
    %swap3A_102 = arith.constant 0 : index
    %swap3A_103 = tpu.vector_load %arg7[%swap3A_101, %swap3A_102] {strides = array<i32>} : memref<16x16xf32, #tpu.memory_space<vmem>>, vector<1x16xf32>,
    %swap3A_104 = vector.shape_cast %swap3A_103 : vector<1x16xf32> to vector<16xf32>
    %swap3A_105 = vector.shape_cast %broadcast_in_dim3A_76 : vector<16xf32> to vector<1x16xf32>
    tpu.vector_store %arg7[%swap3A_101, %swap3A_102], %swap3A_105 {strides = array<i32>} : memref<16x16xf32, #tpu.memory_space<vmem>>, vector<1x16xf32>,
    %swap3A_106 = arith.constant 5 : i32
    %swap3A_107 = arith.index_cast %swap3A_106 : i32 to index
    %swap3A_108 = arith.constant 0 : index
    %swap3A_109 = tpu.vector_load %arg7[%swap3A_107, %swap3A_108] {strides = array<i32>} : memref<16x16xf32, #tpu.memory_space<vmem>>, vector<1x16xf32>,
    %swap3A_110 = vector.shape_cast %swap3A_109 : vector<1x16xf32> to vector<16xf32>
    %swap3A_111 = vector.shape_cast %broadcast_in_dim3A_76 : vector<16xf32> to vector<1x16xf32>
    tpu.vector_store %arg7[%swap3A_107, %swap3A_108], %swap3A_111 {strides = array<i32>} : memref<16x16xf32, #tpu.memory_space<vmem>>, vector<1x16xf32>,
    %swap3A_112 = arith.constant 6 : i32
    %swap3A_113 = arith.index_cast %swap3A_112 : i32 to index
    %swap3A_114 = arith.constant 0 : index
    %swap3A_115 = tpu.vector_load %arg7[%swap3A_113, %swap3A_114] {strides = array<i32>} : memref<16x16xf32, #tpu.memory_space<vmem>>, vector<1x16xf32>,
    %swap3A_116 = vector.shape_cast %swap3A_115 : vector<1x16xf32> to vector<16xf32>
    %swap3A_117 = vector.shape_cast %broadcast_in_dim3A_76 : vector<16xf32> to vector<1x16xf32>
    tpu.vector_store %arg7[%swap3A_113, %swap3A_114], %swap3A_117 {strides = array<i32>} : memref<16x16xf32, #tpu.memory_space<vmem>>, vector<1x16xf32>,
    %swap3A_118 = arith.constant 7 : i32
    %swap3A_119 = arith.index_cast %swap3A_118 : i32 to index
    %swap3A_120 = arith.constant 0 : index
    %swap3A_121 = tpu.vector_load %arg7[%swap3A_119, %swap3A_120] {strides = array<i32>} : memref<16x16xf32, #tpu.memory_space<vmem>>, vector<1x16xf32>,
    %swap3A_122 = vector.shape_cast %swap3A_121 : vector<1x16xf32> to vector<16xf32>
    %swap3A_123 = vector.shape_cast %broadcast_in_dim3A_76 : vector<16xf32> to vector<1x16xf32>
    tpu.vector_store %arg7[%swap3A_119, %swap3A_120], %swap3A_123 {strides = array<i32>} : memref<16x16xf32, #tpu.memory_space<vmem>>, vector<1x16xf32>,
    %swap3A_124 = arith.constant 8 : i32
    %swap3A_125 = arith.index_cast %swap3A_124 : i32 to index
    %swap3A_126 = arith.constant 0 : index
    %swap3A_127 = tpu.vector_load %arg7[%swap3A_125, %swap3A_126] {strides = array<i32>} : memref<16x16xf32, #tpu.memory_space<vmem>>, vector<1x16xf32>,
    %swap3A_128 = vector.shape_cast %swap3A_127 : vector<1x16xf32> to vector<16xf32>
    %swap3A_129 = vector.shape_cast %broadcast_in_dim3A_76 : vector<16xf32> to vector<1x16xf32>
    tpu.vector_store %arg7[%swap3A_125, %swap3A_126], %swap3A_129 {strides = array<i32>} : memref<16x16xf32, #tpu.memory_space<vmem>>, vector<1x16xf32>,
    %swap3A_130 = arith.constant 9 : i32
    %swap3A_131 = arith.index_cast %swap3A_130 : i32 to index
    %swap3A_132 = arith.constant 0 : index
    %swap3A_133 = tpu.vector_load %arg7[%swap3A_131, %swap3A_132] {strides = array<i32>} : memref<16x16xf32, #tpu.memory_space<vmem>>, vector<1x16xf32>,
    %swap3A_134 = vector.shape_cast %swap3A_133 : vector<1x16xf32> to vector<16xf32>
    %swap3A_135 = vector.shape_cast %broadcast_in_dim3A_76 : vector<16xf32> to vector<1x16xf32>
    tpu.vector_store %arg7[%swap3A_131, %swap3A_132], %swap3A_135 {strides = array<i32>} : memref<16x16xf32, #tpu.memory_space<vmem>>, vector<1x16xf32>,
    %swap3A_136 = arith.constant 10 : i32
    %swap3A_137 = arith.index_cast %swap3A_136 : i32 to index
    %swap3A_138 = arith.constant 0 : index
    %swap3A_139 = tpu.vector_load %arg7[%swap3A_137, %swap3A_138] {strides = array<i32>} : memref<16x16xf32, #tpu.memory_space<vmem>>, vector<1x16xf32>,
    %swap3A_140 = vector.shape_cast %swap3A_139 : vector<1x16xf32> to vector<16xf32>
    %swap3A_141 = vector.shape_cast %broadcast_in_dim3A_76 : vector<16xf32> to vector<1x16xf32>
    tpu.vector_store %arg7[%swap3A_137, %swap3A_138], %swap3A_141 {strides = array<i32>} : memref<16x16xf32, #tpu.memory_space<vmem>>, vector<1x16xf32>,
    %swap3A_142 = arith.constant 11 : i32
    %swap3A_143 = arith.index_cast %swap3A_142 : i32 to index
    %swap3A_144 = arith.constant 0 : index
    %swap3A_145 = tpu.vector_load %arg7[%swap3A_143, %swap3A_144] {strides = array<i32>} : memref<16x16xf32, #tpu.memory_space<vmem>>, vector<1x16xf32>,
    %swap3A_146 = vector.shape_cast %swap3A_145 : vector<1x16xf32> to vector<16xf32>
    %swap3A_147 = vector.shape_cast %broadcast_in_dim3A_76 : vector<16xf32> to vector<1x16xf32>
    tpu.vector_store %arg7[%swap3A_143, %swap3A_144], %swap3A_147 {strides = array<i32>} : memref<16x16xf32, #tpu.memory_space<vmem>>, vector<1x16xf32>,
    %swap3A_148 = arith.constant 12 : i32
    %swap3A_149 = arith.index_cast %swap3A_148 : i32 to index
    %swap3A_150 = arith.constant 0 : index
    %swap3A_151 = tpu.vector_load %arg7[%swap3A_149, %swap3A_150] {strides = array<i32>} : memref<16x16xf32, #tpu.memory_space<vmem>>, vector<1x16xf32>,
    %swap3A_152 = vector.shape_cast %swap3A_151 : vector<1x16xf32> to vector<16xf32>
    %swap3A_153 = vector.shape_cast %broadcast_in_dim3A_76 : vector<16xf32> to vector<1x16xf32>
    tpu.vector_store %arg7[%swap3A_149, %swap3A_150], %swap3A_153 {strides = array<i32>} : memref<16x16xf32, #tpu.memory_space<vmem>>, vector<1x16xf32>,
    %swap3A_154 = arith.constant 13 : i32
    %swap3A_155 = arith.index_cast %swap3A_154 : i32 to index
    %swap3A_156 = arith.constant 0 : index
    %swap3A_157 = tpu.vector_load %arg7[%swap3A_155, %swap3A_156] {strides = array<i32>} : memref<16x16xf32, #tpu.memory_space<vmem>>, vector<1x16xf32>,
    %swap3A_158 = vector.shape_cast %swap3A_157 : vector<1x16xf32> to vector<16xf32>
    %swap3A_159 = vector.shape_cast %broadcast_in_dim3A_76 : vector<16xf32> to vector<1x16xf32>
    tpu.vector_store %arg7[%swap3A_155, %swap3A_156], %swap3A_159 {strides = array<i32>} : memref<16x16xf32, #tpu.memory_space<vmem>>, vector<1x16xf32>,
    %swap3A_160 = arith.constant 14 : i32
    %swap3A_161 = arith.index_cast %swap3A_160 : i32 to index
    %swap3A_162 = arith.constant 0 : index
    %swap3A_163 = tpu.vector_load %arg7[%swap3A_161, %swap3A_162] {strides = array<i32>} : memref<16x16xf32, #tpu.memory_space<vmem>>, vector<1x16xf32>,
    %swap3A_164 = vector.shape_cast %swap3A_163 : vector<1x16xf32> to vector<16xf32>
    %swap3A_165 = vector.shape_cast %broadcast_in_dim3A_76 : vector<16xf32> to vector<1x16xf32>
    tpu.vector_store %arg7[%swap3A_161, %swap3A_162], %swap3A_165 {strides = array<i32>} : memref<16x16xf32, #tpu.memory_space<vmem>>, vector<1x16xf32>,
    %swap3A_166 = arith.constant 15 : i32
    %swap3A_167 = arith.index_cast %swap3A_166 : i32 to index
    %swap3A_168 = arith.constant 0 : index
    %swap3A_169 = tpu.vector_load %arg7[%swap3A_167, %swap3A_168] {strides = array<i32>} : memref<16x16xf32, #tpu.memory_space<vmem>>, vector<1x16xf32>,
    %swap3A_170 = vector.shape_cast %swap3A_169 : vector<1x16xf32> to vector<16xf32>
    %swap3A_171 = vector.shape_cast %broadcast_in_dim3A_76 : vector<16xf32> to vector<1x16xf32>
    tpu.vector_store %arg7[%swap3A_167, %swap3A_168], %swap3A_171 {strides = array<i32>} : memref<16x16xf32, #tpu.memory_space<vmem>>, vector<1x16xf32>,
    %gt3A = arith.constant 0 : i32
    %gt3A_172 = arith.cmpi sgt, %select_n3A, %gt3A : i32
    %convert_element_type3A = arith.extui %gt3A_172 : i1 to i32
    %cond3A = arith.constant 0 : i32
    %cond3A_173 = arith.cmpi ne, %convert_element_type3A, %cond3A : i32
    scf.if %cond3A_173 {
      %mul3A_442 = arith.constant 0 : i32
      %mul3A_443 = arith.constant 64 : i32
      %mul3A_444 = arith.muli %mul3A_442, %mul3A_443 : i32
      %mul3A_445 = arith.constant 0 : i32
      %mul3A_446 = arith.constant 64 : i32
      %mul3A_447 = arith.muli %mul3A_445, %mul3A_446 : i32
      %dma_start3A = arith.constant 0 : i32
      %dma_start3A_448 = arith.constant 0 : i32
      %dma_start3A_449 = arith.constant 0 : i32
      %dma_start3A_450 = arith.constant 0 : i32
      %dma_start3A_451 = tpu.memref_slice %arg6[%mul3A_447, %dma_start3A_448, %dma_start3A_449, %dma_start3A_450] : memref<256x1x8x16xf32, #tpu.memory_space<vmem>> -> memref<64x1x8x16xf32, #tpu.memory_space<vmem>>
      %dma_start3A_452 = arith.constant 0 : i32
      %dma_start3A_453 = tpu.memref_slice %arg2[%mul3A_444, %add3A, %dma_start3A_452, %mul3A_4] : memref<4096x4x8x128xf32, #tpu.memory_space<hbm>> -> memref<64x1x8x16xf32, #tpu.memory_space<hbm>>
      %dma_start3A_454 = tpu.memref_slice %arg8[%dma_start3A] : memref<4x!tpu.dma_semaphore, #tpu.memory_space<semaphore_mem>> -> memref<1x!tpu.dma_semaphore, #tpu.memory_space<semaphore_mem>>
      %dma_start3A_455 = tpu.memref_squeeze %dma_start3A_454 : memref<1x!tpu.dma_semaphore, #tpu.memory_space<semaphore_mem>> -> memref<!tpu.dma_semaphore, #tpu.memory_space<semaphore_mem>>
      %dma_start3A_456 = arith.constant 0 : i32
      %dma_start3A_457 = arith.constant 0 : i32
      %dma_start3A_458 = arith.constant 0 : i32
      %dma_start3A_459 = tpu.memref_slice %arg6[%mul3A_447, %dma_start3A_456, %dma_start3A_457, %dma_start3A_458] : memref<256x1x8x16xf32, #tpu.memory_space<vmem>> -> memref<64x1x8x16xf32, #tpu.memory_space<vmem>>
      %dma_start3A_460 = arith.constant 0 : i32
      %dma_start3A_461 = tpu.memref_slice %arg2[%mul3A_444, %add3A, %dma_start3A_460, %mul3A_4] : memref<4096x4x8x128xf32, #tpu.memory_space<hbm>> -> memref<64x1x8x16xf32, #tpu.memory_space<hbm>>
      tpu.enqueue_dma source(%dma_start3A_461 : memref<64x1x8x16xf32, #tpu.memory_space<hbm>>) target(%dma_start3A_459 : memref<64x1x8x16xf32, #tpu.memory_space<vmem>>) target_semaphore(%dma_start3A_455 : memref<!tpu.dma_semaphore, #tpu.memory_space<semaphore_mem>>)
    } else {
    }
    %gt3A_174 = arith.constant 1 : i32
    %gt3A_175 = arith.cmpi sgt, %select_n3A, %gt3A_174 : i32
    %convert_element_type3A_176 = arith.extui %gt3A_175 : i1 to i32
    %cond3A_177 = arith.constant 0 : i32
    %cond3A_178 = arith.cmpi ne, %convert_element_type3A_176, %cond3A_177 : i32
    scf.if %cond3A_178 {
      %mul3A_442 = arith.constant 1 : i32
      %mul3A_443 = arith.constant 64 : i32
      %mul3A_444 = arith.muli %mul3A_442, %mul3A_443 : i32
      %mul3A_445 = arith.constant 1 : i32
      %mul3A_446 = arith.constant 64 : i32
      %mul3A_447 = arith.muli %mul3A_445, %mul3A_446 : i32
      %dma_start3A = arith.constant 1 : i32
      %dma_start3A_448 = arith.constant 0 : i32
      %dma_start3A_449 = arith.constant 0 : i32
      %dma_start3A_450 = arith.constant 0 : i32
      %dma_start3A_451 = tpu.memref_slice %arg6[%mul3A_447, %dma_start3A_448, %dma_start3A_449, %dma_start3A_450] : memref<256x1x8x16xf32, #tpu.memory_space<vmem>> -> memref<64x1x8x16xf32, #tpu.memory_space<vmem>>
      %dma_start3A_452 = arith.constant 0 : i32
      %dma_start3A_453 = tpu.memref_slice %arg2[%mul3A_444, %add3A, %dma_start3A_452, %mul3A_4] : memref<4096x4x8x128xf32, #tpu.memory_space<hbm>> -> memref<64x1x8x16xf32, #tpu.memory_space<hbm>>
      %dma_start3A_454 = tpu.memref_slice %arg8[%dma_start3A] : memref<4x!tpu.dma_semaphore, #tpu.memory_space<semaphore_mem>> -> memref<1x!tpu.dma_semaphore, #tpu.memory_space<semaphore_mem>>
      %dma_start3A_455 = tpu.memref_squeeze %dma_start3A_454 : memref<1x!tpu.dma_semaphore, #tpu.memory_space<semaphore_mem>> -> memref<!tpu.dma_semaphore, #tpu.memory_space<semaphore_mem>>
      %dma_start3A_456 = arith.constant 0 : i32
      %dma_start3A_457 = arith.constant 0 : i32
      %dma_start3A_458 = arith.constant 0 : i32
      %dma_start3A_459 = tpu.memref_slice %arg6[%mul3A_447, %dma_start3A_456, %dma_start3A_457, %dma_start3A_458] : memref<256x1x8x16xf32, #tpu.memory_space<vmem>> -> memref<64x1x8x16xf32, #tpu.memory_space<vmem>>
      %dma_start3A_460 = arith.constant 0 : i32
      %dma_start3A_461 = tpu.memref_slice %arg2[%mul3A_444, %add3A, %dma_start3A_460, %mul3A_4] : memref<4096x4x8x128xf32, #tpu.memory_space<hbm>> -> memref<64x1x8x16xf32, #tpu.memory_space<hbm>>
      tpu.enqueue_dma source(%dma_start3A_461 : memref<64x1x8x16xf32, #tpu.memory_space<hbm>>) target(%dma_start3A_459 : memref<64x1x8x16xf32, #tpu.memory_space<vmem>>) target_semaphore(%dma_start3A_455 : memref<!tpu.dma_semaphore, #tpu.memory_space<semaphore_mem>>)
    } else {
    }
    %gt3A_179 = arith.constant 2 : i32
    %gt3A_180 = arith.cmpi sgt, %select_n3A, %gt3A_179 : i32
    %convert_element_type3A_181 = arith.extui %gt3A_180 : i1 to i32
    %cond3A_182 = arith.constant 0 : i32
    %cond3A_183 = arith.cmpi ne, %convert_element_type3A_181, %cond3A_182 : i32
    scf.if %cond3A_183 {
      %mul3A_442 = arith.constant 2 : i32
      %mul3A_443 = arith.constant 64 : i32
      %mul3A_444 = arith.muli %mul3A_442, %mul3A_443 : i32
      %mul3A_445 = arith.constant 2 : i32
      %mul3A_446 = arith.constant 64 : i32
      %mul3A_447 = arith.muli %mul3A_445, %mul3A_446 : i32
      %dma_start3A = arith.constant 2 : i32
      %dma_start3A_448 = arith.constant 0 : i32
      %dma_start3A_449 = arith.constant 0 : i32
      %dma_start3A_450 = arith.constant 0 : i32
      %dma_start3A_451 = tpu.memref_slice %arg6[%mul3A_447, %dma_start3A_448, %dma_start3A_449, %dma_start3A_450] : memref<256x1x8x16xf32, #tpu.memory_space<vmem>> -> memref<64x1x8x16xf32, #tpu.memory_space<vmem>>
      %dma_start3A_452 = arith.constant 0 : i32
      %dma_start3A_453 = tpu.memref_slice %arg2[%mul3A_444, %add3A, %dma_start3A_452, %mul3A_4] : memref<4096x4x8x128xf32, #tpu.memory_space<hbm>> -> memref<64x1x8x16xf32, #tpu.memory_space<hbm>>
      %dma_start3A_454 = tpu.memref_slice %arg8[%dma_start3A] : memref<4x!tpu.dma_semaphore, #tpu.memory_space<semaphore_mem>> -> memref<1x!tpu.dma_semaphore, #tpu.memory_space<semaphore_mem>>
      %dma_start3A_455 = tpu.memref_squeeze %dma_start3A_454 : memref<1x!tpu.dma_semaphore, #tpu.memory_space<semaphore_mem>> -> memref<!tpu.dma_semaphore, #tpu.memory_space<semaphore_mem>>
      %dma_start3A_456 = arith.constant 0 : i32
      %dma_start3A_457 = arith.constant 0 : i32
      %dma_start3A_458 = arith.constant 0 : i32
      %dma_start3A_459 = tpu.memref_slice %arg6[%mul3A_447, %dma_start3A_456, %dma_start3A_457, %dma_start3A_458] : memref<256x1x8x16xf32, #tpu.memory_space<vmem>> -> memref<64x1x8x16xf32, #tpu.memory_space<vmem>>
      %dma_start3A_460 = arith.constant 0 : i32
      %dma_start3A_461 = tpu.memref_slice %arg2[%mul3A_444, %add3A, %dma_start3A_460, %mul3A_4] : memref<4096x4x8x128xf32, #tpu.memory_space<hbm>> -> memref<64x1x8x16xf32, #tpu.memory_space<hbm>>
      tpu.enqueue_dma source(%dma_start3A_461 : memref<64x1x8x16xf32, #tpu.memory_space<hbm>>) target(%dma_start3A_459 : memref<64x1x8x16xf32, #tpu.memory_space<vmem>>) target_semaphore(%dma_start3A_455 : memref<!tpu.dma_semaphore, #tpu.memory_space<semaphore_mem>>)
    } else {
    }
    %gt3A_184 = arith.constant 3 : i32
    %gt3A_185 = arith.cmpi sgt, %select_n3A, %gt3A_184 : i32
    %convert_element_type3A_186 = arith.extui %gt3A_185 : i1 to i32
    %cond3A_187 = arith.constant 0 : i32
    %cond3A_188 = arith.cmpi ne, %convert_element_type3A_186, %cond3A_187 : i32
    scf.if %cond3A_188 {
      %mul3A_442 = arith.constant 3 : i32
      %mul3A_443 = arith.constant 64 : i32
      %mul3A_444 = arith.muli %mul3A_442, %mul3A_443 : i32
      %mul3A_445 = arith.constant 3 : i32
      %mul3A_446 = arith.constant 64 : i32
      %mul3A_447 = arith.muli %mul3A_445, %mul3A_446 : i32
      %dma_start3A = arith.constant 3 : i32
      %dma_start3A_448 = arith.constant 0 : i32
      %dma_start3A_449 = arith.constant 0 : i32
      %dma_start3A_450 = arith.constant 0 : i32
      %dma_start3A_451 = tpu.memref_slice %arg6[%mul3A_447, %dma_start3A_448, %dma_start3A_449, %dma_start3A_450] : memref<256x1x8x16xf32, #tpu.memory_space<vmem>> -> memref<64x1x8x16xf32, #tpu.memory_space<vmem>>
      %dma_start3A_452 = arith.constant 0 : i32
      %dma_start3A_453 = tpu.memref_slice %arg2[%mul3A_444, %add3A, %dma_start3A_452, %mul3A_4] : memref<4096x4x8x128xf32, #tpu.memory_space<hbm>> -> memref<64x1x8x16xf32, #tpu.memory_space<hbm>>
      %dma_start3A_454 = tpu.memref_slice %arg8[%dma_start3A] : memref<4x!tpu.dma_semaphore, #tpu.memory_space<semaphore_mem>> -> memref<1x!tpu.dma_semaphore, #tpu.memory_space<semaphore_mem>>
      %dma_start3A_455 = tpu.memref_squeeze %dma_start3A_454 : memref<1x!tpu.dma_semaphore, #tpu.memory_space<semaphore_mem>> -> memref<!tpu.dma_semaphore, #tpu.memory_space<semaphore_mem>>
      %dma_start3A_456 = arith.constant 0 : i32
      %dma_start3A_457 = arith.constant 0 : i32
      %dma_start3A_458 = arith.constant 0 : i32
      %dma_start3A_459 = tpu.memref_slice %arg6[%mul3A_447, %dma_start3A_456, %dma_start3A_457, %dma_start3A_458] : memref<256x1x8x16xf32, #tpu.memory_space<vmem>> -> memref<64x1x8x16xf32, #tpu.memory_space<vmem>>
      %dma_start3A_460 = arith.constant 0 : i32
      %dma_start3A_461 = tpu.memref_slice %arg2[%mul3A_444, %add3A, %dma_start3A_460, %mul3A_4] : memref<4096x4x8x128xf32, #tpu.memory_space<hbm>> -> memref<64x1x8x16xf32, #tpu.memory_space<hbm>>
      tpu.enqueue_dma source(%dma_start3A_461 : memref<64x1x8x16xf32, #tpu.memory_space<hbm>>) target(%dma_start3A_459 : memref<64x1x8x16xf32, #tpu.memory_space<vmem>>) target_semaphore(%dma_start3A_455 : memref<!tpu.dma_semaphore, #tpu.memory_space<semaphore_mem>>)
    } else {
    }
    %while3A = arith.constant 0 : i32
    %while3A_189 = arith.constant 0 : i32
    %while3A_190 = arith.subi %select_n3A, %while3A_189 : i32
    %while3A_191 = arith.addi %while3A_189, %while3A_190 : i32
    %while3A_192 = arith.constant 1 : i32
    %while3A_193 = arith.divsi %while3A_190, %while3A_192 : i32
    %while3A_194 = arith.muli %while3A_193, %while3A_192 : i32
    %while3A_195 = arith.addi %while3A_189, %while3A_194 : i32
    %while3A_196 = arith.constant 1 : i32
    scf.for %while3A_442 = %while3A_189 to %while3A_195 step %while3A_196  : i32 {
      %rem3A_443 = arith.constant 4 : i32
      %rem3A_444 = arith.remsi %while3A_442, %rem3A_443 : i32
      %mul3A_445 = arith.constant 64 : i32
      %mul3A_446 = arith.muli %while3A_442, %mul3A_445 : i32
      %mul3A_447 = arith.constant 64 : i32
      %mul3A_448 = arith.muli %rem3A_444, %mul3A_447 : i32
      %dma_wait3A = arith.constant 0 : i32
      %dma_wait3A_449 = arith.constant 0 : i32
      %dma_wait3A_450 = arith.constant 0 : i32
      %dma_wait3A_451 = tpu.memref_slice %arg6[%mul3A_448, %dma_wait3A, %dma_wait3A_449, %dma_wait3A_450] : memref<256x1x8x16xf32, #tpu.memory_space<vmem>> -> memref<64x1x8x16xf32, #tpu.memory_space<vmem>>
      %dma_wait3A_452 = arith.constant 0 : i32
      %dma_wait3A_453 = tpu.memref_slice %arg2[%mul3A_446, %add3A, %dma_wait3A_452, %mul3A_4] : memref<4096x4x8x128xf32, #tpu.memory_space<hbm>> -> memref<64x1x8x16xf32, #tpu.memory_space<hbm>>
      %dma_wait3A_454 = tpu.memref_slice %arg8[%rem3A_444] : memref<4x!tpu.dma_semaphore, #tpu.memory_space<semaphore_mem>> -> memref<1x!tpu.dma_semaphore, #tpu.memory_space<semaphore_mem>>
      %dma_wait3A_455 = tpu.memref_squeeze %dma_wait3A_454 : memref<1x!tpu.dma_semaphore, #tpu.memory_space<semaphore_mem>> -> memref<!tpu.dma_semaphore, #tpu.memory_space<semaphore_mem>>
      %dma_wait3A_456 = arith.constant 0 : i32
      %dma_wait3A_457 = arith.constant 0 : i32
      %dma_wait3A_458 = arith.constant 0 : i32
      %dma_wait3A_459 = tpu.memref_slice %arg6[%mul3A_448, %dma_wait3A_456, %dma_wait3A_457, %dma_wait3A_458] : memref<256x1x8x16xf32, #tpu.memory_space<vmem>> -> memref<64x1x8x16xf32, #tpu.memory_space<vmem>>
      %dma_wait3A_460 = arith.constant 0 : i32
      %dma_wait3A_461 = tpu.memref_slice %arg2[%mul3A_446, %add3A, %dma_wait3A_460, %mul3A_4] : memref<4096x4x8x128xf32, #tpu.memory_space<hbm>> -> memref<64x1x8x16xf32, #tpu.memory_space<hbm>>
      tpu.wait_dma2 semaphore(%dma_wait3A_455 : memref<!tpu.dma_semaphore, #tpu.memory_space<semaphore_mem>>) src(%dma_wait3A_461 : memref<64x1x8x16xf32, #tpu.memory_space<hbm>>) dst(%dma_wait3A_459 : memref<64x1x8x16xf32, #tpu.memory_space<vmem>>)
      %mul3A_462 = arith.constant 512 : i32
      %mul3A_463 = arith.muli %while3A_442, %mul3A_462 : i32
      %add3A_464 = arith.constant 512 : i32
      %add3A_465 = arith.addi %mul3A_463, %add3A_464 : i32
      %min3A = arith.minsi %add3A_465, %add3A_53 : i32
      %mul3A_466 = arith.constant 64 : i32
      %mul3A_467 = arith.muli %rem3A_444, %mul3A_466 : i32
      %mul3A_468 = arith.constant 64 : i32
      %mul3A_469 = arith.muli %while3A_442, %mul3A_468 : i32
      %sub3A_470 = arith.subi %mul3A_467, %mul3A_469 : i32
      %le3A = arith.cmpi sle, %add3A_8, %mul3A_463 : i32
      %convert_element_type3A_471 = arith.extui %le3A : i1 to i32
      %add3A_472 = arith.constant 0 : i32
      %add3A_473 = arith.addi %add3A_472, %convert_element_type3A_471 : i32
      %lt3A = arith.cmpi slt, %add3A_8, %min3A : i32
      %convert_element_type3A_474 = arith.extui %lt3A : i1 to i32
      %add3A_475 = arith.constant 0 : i32
      %add3A_476 = arith.addi %add3A_475, %convert_element_type3A_474 : i32
      %le3A_477 = arith.cmpi sle, %add3A_11, %mul3A_463 : i32
      %convert_element_type3A_478 = arith.extui %le3A_477 : i1 to i32
      %add3A_479 = arith.addi %add3A_473, %convert_element_type3A_478 : i32
      %lt3A_480 = arith.cmpi slt, %add3A_11, %min3A : i32
      %convert_element_type3A_481 = arith.extui %lt3A_480 : i1 to i32
      %add3A_482 = arith.addi %add3A_476, %convert_element_type3A_481 : i32
      %le3A_483 = arith.cmpi sle, %add3A_14, %mul3A_463 : i32
      %convert_element_type3A_484 = arith.extui %le3A_483 : i1 to i32
      %add3A_485 = arith.addi %add3A_479, %convert_element_type3A_484 : i32
      %lt3A_486 = arith.cmpi slt, %add3A_14, %min3A : i32
      %convert_element_type3A_487 = arith.extui %lt3A_486 : i1 to i32
      %add3A_488 = arith.addi %add3A_482, %convert_element_type3A_487 : i32
      %le3A_489 = arith.cmpi sle, %add3A_17, %mul3A_463 : i32
      %convert_element_type3A_490 = arith.extui %le3A_489 : i1 to i32
      %add3A_491 = arith.addi %add3A_485, %convert_element_type3A_490 : i32
      %lt3A_492 = arith.cmpi slt, %add3A_17, %min3A : i32
      %convert_element_type3A_493 = arith.extui %lt3A_492 : i1 to i32
      %add3A_494 = arith.addi %add3A_488, %convert_element_type3A_493 : i32
      %le3A_495 = arith.cmpi sle, %add3A_20, %mul3A_463 : i32
      %convert_element_type3A_496 = arith.extui %le3A_495 : i1 to i32
      %add3A_497 = arith.addi %add3A_491, %convert_element_type3A_496 : i32
      %lt3A_498 = arith.cmpi slt, %add3A_20, %min3A : i32
      %convert_element_type3A_499 = arith.extui %lt3A_498 : i1 to i32
      %add3A_500 = arith.addi %add3A_494, %convert_element_type3A_499 : i32
      %le3A_501 = arith.cmpi sle, %add3A_23, %mul3A_463 : i32
      %convert_element_type3A_502 = arith.extui %le3A_501 : i1 to i32
      %add3A_503 = arith.addi %add3A_497, %convert_element_type3A_502 : i32
      %lt3A_504 = arith.cmpi slt, %add3A_23, %min3A : i32
      %convert_element_type3A_505 = arith.extui %lt3A_504 : i1 to i32
      %add3A_506 = arith.addi %add3A_500, %convert_element_type3A_505 : i32
      %le3A_507 = arith.cmpi sle, %add3A_26, %mul3A_463 : i32
      %convert_element_type3A_508 = arith.extui %le3A_507 : i1 to i32
      %add3A_509 = arith.addi %add3A_503, %convert_element_type3A_508 : i32
      %lt3A_510 = arith.cmpi slt, %add3A_26, %min3A : i32
      %convert_element_type3A_511 = arith.extui %lt3A_510 : i1 to i32
      %add3A_512 = arith.addi %add3A_506, %convert_element_type3A_511 : i32
      %le3A_513 = arith.cmpi sle, %add3A_29, %mul3A_463 : i32
      %convert_element_type3A_514 = arith.extui %le3A_513 : i1 to i32
      %add3A_515 = arith.addi %add3A_509, %convert_element_type3A_514 : i32
      %lt3A_516 = arith.cmpi slt, %add3A_29, %min3A : i32
      %convert_element_type3A_517 = arith.extui %lt3A_516 : i1 to i32
      %add3A_518 = arith.addi %add3A_512, %convert_element_type3A_517 : i32
      %le3A_519 = arith.cmpi sle, %add3A_32, %mul3A_463 : i32
      %convert_element_type3A_520 = arith.extui %le3A_519 : i1 to i32
      %add3A_521 = arith.addi %add3A_515, %convert_element_type3A_520 : i32
      %lt3A_522 = arith.cmpi slt, %add3A_32, %min3A : i32
      %convert_element_type3A_523 = arith.extui %lt3A_522 : i1 to i32
      %add3A_524 = arith.addi %add3A_518, %convert_element_type3A_523 : i32
      %le3A_525 = arith.cmpi sle, %add3A_35, %mul3A_463 : i32
      %convert_element_type3A_526 = arith.extui %le3A_525 : i1 to i32
      %add3A_527 = arith.addi %add3A_521, %convert_element_type3A_526 : i32
      %lt3A_528 = arith.cmpi slt, %add3A_35, %min3A : i32
      %convert_element_type3A_529 = arith.extui %lt3A_528 : i1 to i32
      %add3A_530 = arith.addi %add3A_524, %convert_element_type3A_529 : i32
      %le3A_531 = arith.cmpi sle, %add3A_38, %mul3A_463 : i32
      %convert_element_type3A_532 = arith.extui %le3A_531 : i1 to i32
      %add3A_533 = arith.addi %add3A_527, %convert_element_type3A_532 : i32
      %lt3A_534 = arith.cmpi slt, %add3A_38, %min3A : i32
      %convert_element_type3A_535 = arith.extui %lt3A_534 : i1 to i32
      %add3A_536 = arith.addi %add3A_530, %convert_element_type3A_535 : i32
      %le3A_537 = arith.cmpi sle, %add3A_41, %mul3A_463 : i32
      %convert_element_type3A_538 = arith.extui %le3A_537 : i1 to i32
      %add3A_539 = arith.addi %add3A_533, %convert_element_type3A_538 : i32
      %lt3A_540 = arith.cmpi slt, %add3A_41, %min3A : i32
      %convert_element_type3A_541 = arith.extui %lt3A_540 : i1 to i32
      %add3A_542 = arith.addi %add3A_536, %convert_element_type3A_541 : i32
      %le3A_543 = arith.cmpi sle, %add3A_44, %mul3A_463 : i32
      %convert_element_type3A_544 = arith.extui %le3A_543 : i1 to i32
      %add3A_545 = arith.addi %add3A_539, %convert_element_type3A_544 : i32
      %lt3A_546 = arith.cmpi slt, %add3A_44, %min3A : i32
      %convert_element_type3A_547 = arith.extui %lt3A_546 : i1 to i32
      %add3A_548 = arith.addi %add3A_542, %convert_element_type3A_547 : i32
      %le3A_549 = arith.cmpi sle, %add3A_47, %mul3A_463 : i32
      %convert_element_type3A_550 = arith.extui %le3A_549 : i1 to i32
      %add3A_551 = arith.addi %add3A_545, %convert_element_type3A_550 : i32
      %lt3A_552 = arith.cmpi slt, %add3A_47, %min3A : i32
      %convert_element_type3A_553 = arith.extui %lt3A_552 : i1 to i32
      %add3A_554 = arith.addi %add3A_548, %convert_element_type3A_553 : i32
      %le3A_555 = arith.cmpi sle, %add3A_50, %mul3A_463 : i32
      %convert_element_type3A_556 = arith.extui %le3A_555 : i1 to i32
      %add3A_557 = arith.addi %add3A_551, %convert_element_type3A_556 : i32
      %lt3A_558 = arith.cmpi slt, %add3A_50, %min3A : i32
      %convert_element_type3A_559 = arith.extui %lt3A_558 : i1 to i32
      %add3A_560 = arith.addi %add3A_554, %convert_element_type3A_559 : i32
      %le3A_561 = arith.cmpi sle, %add3A_53, %mul3A_463 : i32
      %convert_element_type3A_562 = arith.extui %le3A_561 : i1 to i32
      %add3A_563 = arith.addi %add3A_557, %convert_element_type3A_562 : i32
      %lt3A_564 = arith.cmpi slt, %add3A_53, %min3A : i32
      %convert_element_type3A_565 = arith.extui %lt3A_564 : i1 to i32
      %add3A_566 = arith.addi %add3A_560, %convert_element_type3A_565 : i32
      %add3A_567 = arith.constant 1 : i32
      %add3A_568 = arith.addi %add3A_566, %add3A_567 : i32
      %while3A_569 = arith.subi %add3A_568, %add3A_563 : i32
      %while3A_570 = arith.addi %add3A_563, %while3A_569 : i32
      %while3A_571 = arith.constant 1 : i32
      %while3A_572 = arith.divsi %while3A_569, %while3A_571 : i32
      %while3A_573 = arith.muli %while3A_572, %while3A_571 : i32
      %while3A_574 = arith.addi %add3A_563, %while3A_573 : i32
      %while3A_575 = arith.constant 1 : i32
      %while3A_576 = scf.for %while3A_585 = %add3A_563 to %while3A_574 step %while3A_575 iter_args(%while3A_586 = %mul3A_463) -> (i32)  : i32 {
        %eq3A = arith.constant 1 : i32
        %eq3A_587 = arith.cmpi eq, %while3A_585, %eq3A : i32
        %select_n3A_588 = arith.select %eq3A_587, %add3A_11, %add3A_8 : i32
        %eq3A_589 = arith.constant 2 : i32
        %eq3A_590 = arith.cmpi eq, %while3A_585, %eq3A_589 : i32
        %select_n3A_591 = arith.select %eq3A_590, %add3A_14, %select_n3A_588 : i32
        %eq3A_592 = arith.constant 3 : i32
        %eq3A_593 = arith.cmpi eq, %while3A_585, %eq3A_592 : i32
        %select_n3A_594 = arith.select %eq3A_593, %add3A_17, %select_n3A_591 : i32
        %eq3A_595 = arith.constant 4 : i32
        %eq3A_596 = arith.cmpi eq, %while3A_585, %eq3A_595 : i32
        %select_n3A_597 = arith.select %eq3A_596, %add3A_20, %select_n3A_594 : i32
        %eq3A_598 = arith.constant 5 : i32
        %eq3A_599 = arith.cmpi eq, %while3A_585, %eq3A_598 : i32
        %select_n3A_600 = arith.select %eq3A_599, %add3A_23, %select_n3A_597 : i32
        %eq3A_601 = arith.constant 6 : i32
        %eq3A_602 = arith.cmpi eq, %while3A_585, %eq3A_601 : i32
        %select_n3A_603 = arith.select %eq3A_602, %add3A_26, %select_n3A_600 : i32
        %eq3A_604 = arith.constant 7 : i32
        %eq3A_605 = arith.cmpi eq, %while3A_585, %eq3A_604 : i32
        %select_n3A_606 = arith.select %eq3A_605, %add3A_29, %select_n3A_603 : i32
        %eq3A_607 = arith.constant 8 : i32
        %eq3A_608 = arith.cmpi eq, %while3A_585, %eq3A_607 : i32
        %select_n3A_609 = arith.select %eq3A_608, %add3A_32, %select_n3A_606 : i32
        %eq3A_610 = arith.constant 9 : i32
        %eq3A_611 = arith.cmpi eq, %while3A_585, %eq3A_610 : i32
        %select_n3A_612 = arith.select %eq3A_611, %add3A_35, %select_n3A_609 : i32
        %eq3A_613 = arith.constant 10 : i32
        %eq3A_614 = arith.cmpi eq, %while3A_585, %eq3A_613 : i32
        %select_n3A_615 = arith.select %eq3A_614, %add3A_38, %select_n3A_612 : i32
        %eq3A_616 = arith.constant 11 : i32
        %eq3A_617 = arith.cmpi eq, %while3A_585, %eq3A_616 : i32
        %select_n3A_618 = arith.select %eq3A_617, %add3A_41, %select_n3A_615 : i32
        %eq3A_619 = arith.constant 12 : i32
        %eq3A_620 = arith.cmpi eq, %while3A_585, %eq3A_619 : i32
        %select_n3A_621 = arith.select %eq3A_620, %add3A_44, %select_n3A_618 : i32
        %eq3A_622 = arith.constant 13 : i32
        %eq3A_623 = arith.cmpi eq, %while3A_585, %eq3A_622 : i32
        %select_n3A_624 = arith.select %eq3A_623, %add3A_47, %select_n3A_621 : i32
        %eq3A_625 = arith.constant 14 : i32
        %eq3A_626 = arith.cmpi eq, %while3A_585, %eq3A_625 : i32
        %select_n3A_627 = arith.select %eq3A_626, %add3A_50, %select_n3A_624 : i32
        %eq3A_628 = arith.constant 15 : i32
        %eq3A_629 = arith.cmpi eq, %while3A_585, %eq3A_628 : i32
        %select_n3A_630 = arith.select %eq3A_629, %add3A_53, %select_n3A_627 : i32
        %max3A = arith.maxsi %select_n3A_630, %while3A_586 : i32
        %min3A_631 = arith.minsi %max3A, %min3A : i32
        %get3A_632 = arith.index_cast %while3A_585 : i32 to index
        %get3A_633 = arith.constant 0 : index
        %get3A_634 = tpu.vector_load %arg7[%get3A_632, %get3A_633] {strides = array<i32>} : memref<16x16xf32, #tpu.memory_space<vmem>>, vector<1x16xf32>,
        %get3A_635 = vector.shape_cast %get3A_634 : vector<1x16xf32> to vector<16xf32>
        %add3A_636 = arith.constant 7 : i32
        %add3A_637 = arith.addi %while3A_586, %add3A_636 : i32
        %and3A_638 = arith.constant -8 : i32
        %and3A_639 = arith.andi %add3A_637, %and3A_638 : i32
        %min3A_640 = arith.minsi %and3A_639, %min3A_631 : i32
        %and3A_641 = arith.constant -8 : i32
        %and3A_642 = arith.andi %min3A_631, %and3A_641 : i32
        %max3A_643 = arith.maxsi %and3A_642, %min3A_640 : i32
        %while3A_644 = arith.subi %min3A_640, %while3A_586 : i32
        %while3A_645 = arith.addi %while3A_586, %while3A_644 : i32
        %while3A_646 = arith.constant 1 : i32
        %while3A_647 = arith.divsi %while3A_644, %while3A_646 : i32
        %while3A_648 = arith.muli %while3A_647, %while3A_646 : i32
        %while3A_649 = arith.addi %while3A_586, %while3A_648 : i32
        %while3A_650 = arith.constant 1 : i32
        %while3A_651 = scf.for %while3A_690 = %while3A_586 to %while3A_649 step %while3A_650 iter_args(%while3A_691 = %broadcast_in_dim3A_76) -> (vector<16xf32>)  : i32 {
          %shift_right_arithmetic3A_692 = arith.constant 3 : i32
          %shift_right_arithmetic3A_693 = arith.shrsi %while3A_690, %shift_right_arithmetic3A_692 : i32
          %add3A_694 = arith.addi %sub3A_470, %shift_right_arithmetic3A_693 : i32
          %and3A_695 = arith.constant 7 : i32
          %and3A_696 = arith.andi %while3A_690, %and3A_695 : i32
          %get3A_697 = arith.constant 0 : i32
          %get3A_698 = arith.index_cast %add3A_694 : i32 to index
          %get3A_699 = arith.index_cast %get3A_697 : i32 to index
          %get3A_700 = arith.index_cast %and3A_696 : i32 to index
          %get3A_701 = arith.constant 0 : index
          %get3A_702 = tpu.vector_load %arg6[%get3A_698, %get3A_699, %get3A_700, %get3A_701] {strides = array<i32>} : memref<256x1x8x16xf32, #tpu.memory_space<vmem>>, vector<1x1x1x16xf32>,
          %get3A_703 = vector.shape_cast %get3A_702 : vector<1x1x1x16xf32> to vector<16xf32>
          %add3A_704 = arith.addf %while3A_691, %get3A_703 : vector<16xf32>
          scf.yield %add3A_704 : vector<16xf32>
        }
        %while3A_652 = arith.constant 1 : i32
        %while3A_653 = scf.for %while3A_690 = %while3A_649 to %while3A_645 step %while3A_652 iter_args(%while3A_691 = %while3A_651) -> (vector<16xf32>)  : i32 {
          %shift_right_arithmetic3A_692 = arith.constant 3 : i32
          %shift_right_arithmetic3A_693 = arith.shrsi %while3A_690, %shift_right_arithmetic3A_692 : i32
          %add3A_694 = arith.addi %sub3A_470, %shift_right_arithmetic3A_693 : i32
          %and3A_695 = arith.constant 7 : i32
          %and3A_696 = arith.andi %while3A_690, %and3A_695 : i32
          %get3A_697 = arith.constant 0 : i32
          %get3A_698 = arith.index_cast %add3A_694 : i32 to index
          %get3A_699 = arith.index_cast %get3A_697 : i32 to index
          %get3A_700 = arith.index_cast %and3A_696 : i32 to index
          %get3A_701 = arith.constant 0 : index
          %get3A_702 = tpu.vector_load %arg6[%get3A_698, %get3A_699, %get3A_700, %get3A_701] {strides = array<i32>} : memref<256x1x8x16xf32, #tpu.memory_space<vmem>>, vector<1x1x1x16xf32>,
          %get3A_703 = vector.shape_cast %get3A_702 : vector<1x1x1x16xf32> to vector<16xf32>
          %add3A_704 = arith.addf %while3A_691, %get3A_703 : vector<16xf32>
          scf.yield %add3A_704 : vector<16xf32>
        }
        %shift_right_arithmetic3A = arith.constant 3 : i32
        %shift_right_arithmetic3A_654 = arith.shrsi %min3A_640, %shift_right_arithmetic3A : i32
        %shift_right_arithmetic3A_655 = arith.constant 3 : i32
        %shift_right_arithmetic3A_656 = arith.shrsi %max3A_643, %shift_right_arithmetic3A_655 : i32
        %while3A_657 = arith.subi %shift_right_arithmetic3A_656, %shift_right_arithmetic3A_654 : i32
        %while3A_658 = arith.addi %shift_right_arithmetic3A_654, %while3A_657 : i32
        %while3A_659 = arith.constant 1 : i32
        %while3A_660 = arith.divsi %while3A_657, %while3A_659 : i32
        %while3A_661 = arith.muli %while3A_660, %while3A_659 : i32
        %while3A_662 = arith.addi %shift_right_arithmetic3A_654, %while3A_661 : i32
        %while3A_663 = arith.constant 1 : i32
        %while3A_664:8 = scf.for %while3A_690 = %shift_right_arithmetic3A_654 to %while3A_662 step %while3A_663 iter_args(%while3A_691 = %while3A_653, %while3A_692 = %broadcast_in_dim3A_76, %while3A_693 = %broadcast_in_dim3A_76, %while3A_694 = %broadcast_in_dim3A_76, %while3A_695 = %broadcast_in_dim3A_76, %while3A_696 = %broadcast_in_dim3A_76, %while3A_697 = %broadcast_in_dim3A_76, %while3A_698 = %broadcast_in_dim3A_76) -> (vector<16xf32>, vector<16xf32>, vector<16xf32>, vector<16xf32>, vector<16xf32>, vector<16xf32>, vector<16xf32>, vector<16xf32>)  : i32 {
          %add3A_699 = arith.addi %sub3A_470, %while3A_690 : i32
          %get3A_700 = arith.constant 0 : i32
          %get3A_701 = arith.constant 0 : i32
          %get3A_702 = arith.index_cast %add3A_699 : i32 to index
          %get3A_703 = arith.index_cast %get3A_700 : i32 to index
          %get3A_704 = arith.index_cast %get3A_701 : i32 to index
          %get3A_705 = arith.constant 0 : index
          %get3A_706 = tpu.vector_load %arg6[%get3A_702, %get3A_703, %get3A_704, %get3A_705] {strides = array<i32>} : memref<256x1x8x16xf32, #tpu.memory_space<vmem>>, vector<1x1x1x16xf32>,
          %get3A_707 = vector.shape_cast %get3A_706 : vector<1x1x1x16xf32> to vector<16xf32>
          %add3A_708 = arith.addf %while3A_691, %get3A_707 : vector<16xf32>
          %get3A_709 = arith.constant 0 : i32
          %get3A_710 = arith.constant 1 : i32
          %get3A_711 = arith.index_cast %add3A_699 : i32 to index
          %get3A_712 = arith.index_cast %get3A_709 : i32 to index
          %get3A_713 = arith.index_cast %get3A_710 : i32 to index
          %get3A_714 = arith.constant 0 : index
          %get3A_715 = tpu.vector_load %arg6[%get3A_711, %get3A_712, %get3A_713, %get3A_714] {strides = array<i32>} : memref<256x1x8x16xf32, #tpu.memory_space<vmem>>, vector<1x1x1x16xf32>,
          %get3A_716 = vector.shape_cast %get3A_715 : vector<1x1x1x16xf32> to vector<16xf32>
          %add3A_717 = arith.addf %while3A_692, %get3A_716 : vector<16xf32>
          %get3A_718 = arith.constant 0 : i32
          %get3A_719 = arith.constant 2 : i32
          %get3A_720 = arith.index_cast %add3A_699 : i32 to index
          %get3A_721 = arith.index_cast %get3A_718 : i32 to index
          %get3A_722 = arith.index_cast %get3A_719 : i32 to index
          %get3A_723 = arith.constant 0 : index
          %get3A_724 = tpu.vector_load %arg6[%get3A_720, %get3A_721, %get3A_722, %get3A_723] {strides = array<i32>} : memref<256x1x8x16xf32, #tpu.memory_space<vmem>>, vector<1x1x1x16xf32>,
          %get3A_725 = vector.shape_cast %get3A_724 : vector<1x1x1x16xf32> to vector<16xf32>
          %add3A_726 = arith.addf %while3A_693, %get3A_725 : vector<16xf32>
          %get3A_727 = arith.constant 0 : i32
          %get3A_728 = arith.constant 3 : i32
          %get3A_729 = arith.index_cast %add3A_699 : i32 to index
          %get3A_730 = arith.index_cast %get3A_727 : i32 to index
          %get3A_731 = arith.index_cast %get3A_728 : i32 to index
          %get3A_732 = arith.constant 0 : index
          %get3A_733 = tpu.vector_load %arg6[%get3A_729, %get3A_730, %get3A_731, %get3A_732] {strides = array<i32>} : memref<256x1x8x16xf32, #tpu.memory_space<vmem>>, vector<1x1x1x16xf32>,
          %get3A_734 = vector.shape_cast %get3A_733 : vector<1x1x1x16xf32> to vector<16xf32>
          %add3A_735 = arith.addf %while3A_694, %get3A_734 : vector<16xf32>
          %get3A_736 = arith.constant 0 : i32
          %get3A_737 = arith.constant 4 : i32
          %get3A_738 = arith.index_cast %add3A_699 : i32 to index
          %get3A_739 = arith.index_cast %get3A_736 : i32 to index
          %get3A_740 = arith.index_cast %get3A_737 : i32 to index
          %get3A_741 = arith.constant 0 : index
          %get3A_742 = tpu.vector_load %arg6[%get3A_738, %get3A_739, %get3A_740, %get3A_741] {strides = array<i32>} : memref<256x1x8x16xf32, #tpu.memory_space<vmem>>, vector<1x1x1x16xf32>,
          %get3A_743 = vector.shape_cast %get3A_742 : vector<1x1x1x16xf32> to vector<16xf32>
          %add3A_744 = arith.addf %while3A_695, %get3A_743 : vector<16xf32>
          %get3A_745 = arith.constant 0 : i32
          %get3A_746 = arith.constant 5 : i32
          %get3A_747 = arith.index_cast %add3A_699 : i32 to index
          %get3A_748 = arith.index_cast %get3A_745 : i32 to index
          %get3A_749 = arith.index_cast %get3A_746 : i32 to index
          %get3A_750 = arith.constant 0 : index
          %get3A_751 = tpu.vector_load %arg6[%get3A_747, %get3A_748, %get3A_749, %get3A_750] {strides = array<i32>} : memref<256x1x8x16xf32, #tpu.memory_space<vmem>>, vector<1x1x1x16xf32>,
          %get3A_752 = vector.shape_cast %get3A_751 : vector<1x1x1x16xf32> to vector<16xf32>
          %add3A_753 = arith.addf %while3A_696, %get3A_752 : vector<16xf32>
          %get3A_754 = arith.constant 0 : i32
          %get3A_755 = arith.constant 6 : i32
          %get3A_756 = arith.index_cast %add3A_699 : i32 to index
          %get3A_757 = arith.index_cast %get3A_754 : i32 to index
          %get3A_758 = arith.index_cast %get3A_755 : i32 to index
          %get3A_759 = arith.constant 0 : index
          %get3A_760 = tpu.vector_load %arg6[%get3A_756, %get3A_757, %get3A_758, %get3A_759] {strides = array<i32>} : memref<256x1x8x16xf32, #tpu.memory_space<vmem>>, vector<1x1x1x16xf32>,
          %get3A_761 = vector.shape_cast %get3A_760 : vector<1x1x1x16xf32> to vector<16xf32>
          %add3A_762 = arith.addf %while3A_697, %get3A_761 : vector<16xf32>
          %get3A_763 = arith.constant 0 : i32
          %get3A_764 = arith.constant 7 : i32
          %get3A_765 = arith.index_cast %add3A_699 : i32 to index
          %get3A_766 = arith.index_cast %get3A_763 : i32 to index
          %get3A_767 = arith.index_cast %get3A_764 : i32 to index
          %get3A_768 = arith.constant 0 : index
          %get3A_769 = tpu.vector_load %arg6[%get3A_765, %get3A_766, %get3A_767, %get3A_768] {strides = array<i32>} : memref<256x1x8x16xf32, #tpu.memory_space<vmem>>, vector<1x1x1x16xf32>,
          %get3A_770 = vector.shape_cast %get3A_769 : vector<1x1x1x16xf32> to vector<16xf32>
          %add3A_771 = arith.addf %while3A_698, %get3A_770 : vector<16xf32>
          scf.yield %add3A_708, %add3A_717, %add3A_726, %add3A_735, %add3A_744, %add3A_753, %add3A_762, %add3A_771 : vector<16xf32>, vector<16xf32>, vector<16xf32>, vector<16xf32>, vector<16xf32>, vector<16xf32>, vector<16xf32>, vector<16xf32>
        }
        %while3A_665 = arith.constant 1 : i32
        %while3A_666:8 = scf.for %while3A_690 = %while3A_662 to %while3A_658 step %while3A_665 iter_args(%while3A_691 = %while3A_664#0, %while3A_692 = %while3A_664#1, %while3A_693 = %while3A_664#2, %while3A_694 = %while3A_664#3, %while3A_695 = %while3A_664#4, %while3A_696 = %while3A_664#5, %while3A_697 = %while3A_664#6, %while3A_698 = %while3A_664#7) -> (vector<16xf32>, vector<16xf32>, vector<16xf32>, vector<16xf32>, vector<16xf32>, vector<16xf32>, vector<16xf32>, vector<16xf32>)  : i32 {
          %add3A_699 = arith.addi %sub3A_470, %while3A_690 : i32
          %get3A_700 = arith.constant 0 : i32
          %get3A_701 = arith.constant 0 : i32
          %get3A_702 = arith.index_cast %add3A_699 : i32 to index
          %get3A_703 = arith.index_cast %get3A_700 : i32 to index
          %get3A_704 = arith.index_cast %get3A_701 : i32 to index
          %get3A_705 = arith.constant 0 : index
          %get3A_706 = tpu.vector_load %arg6[%get3A_702, %get3A_703, %get3A_704, %get3A_705] {strides = array<i32>} : memref<256x1x8x16xf32, #tpu.memory_space<vmem>>, vector<1x1x1x16xf32>,
          %get3A_707 = vector.shape_cast %get3A_706 : vector<1x1x1x16xf32> to vector<16xf32>
          %add3A_708 = arith.addf %while3A_691, %get3A_707 : vector<16xf32>
          %get3A_709 = arith.constant 0 : i32
          %get3A_710 = arith.constant 1 : i32
          %get3A_711 = arith.index_cast %add3A_699 : i32 to index
          %get3A_712 = arith.index_cast %get3A_709 : i32 to index
          %get3A_713 = arith.index_cast %get3A_710 : i32 to index
          %get3A_714 = arith.constant 0 : index
          %get3A_715 = tpu.vector_load %arg6[%get3A_711, %get3A_712, %get3A_713, %get3A_714] {strides = array<i32>} : memref<256x1x8x16xf32, #tpu.memory_space<vmem>>, vector<1x1x1x16xf32>,
          %get3A_716 = vector.shape_cast %get3A_715 : vector<1x1x1x16xf32> to vector<16xf32>
          %add3A_717 = arith.addf %while3A_692, %get3A_716 : vector<16xf32>
          %get3A_718 = arith.constant 0 : i32
          %get3A_719 = arith.constant 2 : i32
          %get3A_720 = arith.index_cast %add3A_699 : i32 to index
          %get3A_721 = arith.index_cast %get3A_718 : i32 to index
          %get3A_722 = arith.index_cast %get3A_719 : i32 to index
          %get3A_723 = arith.constant 0 : index
          %get3A_724 = tpu.vector_load %arg6[%get3A_720, %get3A_721, %get3A_722, %get3A_723] {strides = array<i32>} : memref<256x1x8x16xf32, #tpu.memory_space<vmem>>, vector<1x1x1x16xf32>,
          %get3A_725 = vector.shape_cast %get3A_724 : vector<1x1x1x16xf32> to vector<16xf32>
          %add3A_726 = arith.addf %while3A_693, %get3A_725 : vector<16xf32>
          %get3A_727 = arith.constant 0 : i32
          %get3A_728 = arith.constant 3 : i32
          %get3A_729 = arith.index_cast %add3A_699 : i32 to index
          %get3A_730 = arith.index_cast %get3A_727 : i32 to index
          %get3A_731 = arith.index_cast %get3A_728 : i32 to index
          %get3A_732 = arith.constant 0 : index
          %get3A_733 = tpu.vector_load %arg6[%get3A_729, %get3A_730, %get3A_731, %get3A_732] {strides = array<i32>} : memref<256x1x8x16xf32, #tpu.memory_space<vmem>>, vector<1x1x1x16xf32>,
          %get3A_734 = vector.shape_cast %get3A_733 : vector<1x1x1x16xf32> to vector<16xf32>
          %add3A_735 = arith.addf %while3A_694, %get3A_734 : vector<16xf32>
          %get3A_736 = arith.constant 0 : i32
          %get3A_737 = arith.constant 4 : i32
          %get3A_738 = arith.index_cast %add3A_699 : i32 to index
          %get3A_739 = arith.index_cast %get3A_736 : i32 to index
          %get3A_740 = arith.index_cast %get3A_737 : i32 to index
          %get3A_741 = arith.constant 0 : index
          %get3A_742 = tpu.vector_load %arg6[%get3A_738, %get3A_739, %get3A_740, %get3A_741] {strides = array<i32>} : memref<256x1x8x16xf32, #tpu.memory_space<vmem>>, vector<1x1x1x16xf32>,
          %get3A_743 = vector.shape_cast %get3A_742 : vector<1x1x1x16xf32> to vector<16xf32>
          %add3A_744 = arith.addf %while3A_695, %get3A_743 : vector<16xf32>
          %get3A_745 = arith.constant 0 : i32
          %get3A_746 = arith.constant 5 : i32
          %get3A_747 = arith.index_cast %add3A_699 : i32 to index
          %get3A_748 = arith.index_cast %get3A_745 : i32 to index
          %get3A_749 = arith.index_cast %get3A_746 : i32 to index
          %get3A_750 = arith.constant 0 : index
          %get3A_751 = tpu.vector_load %arg6[%get3A_747, %get3A_748, %get3A_749, %get3A_750] {strides = array<i32>} : memref<256x1x8x16xf32, #tpu.memory_space<vmem>>, vector<1x1x1x16xf32>,
          %get3A_752 = vector.shape_cast %get3A_751 : vector<1x1x1x16xf32> to vector<16xf32>
          %add3A_753 = arith.addf %while3A_696, %get3A_752 : vector<16xf32>
          %get3A_754 = arith.constant 0 : i32
          %get3A_755 = arith.constant 6 : i32
          %get3A_756 = arith.index_cast %add3A_699 : i32 to index
          %get3A_757 = arith.index_cast %get3A_754 : i32 to index
          %get3A_758 = arith.index_cast %get3A_755 : i32 to index
          %get3A_759 = arith.constant 0 : index
          %get3A_760 = tpu.vector_load %arg6[%get3A_756, %get3A_757, %get3A_758, %get3A_759] {strides = array<i32>} : memref<256x1x8x16xf32, #tpu.memory_space<vmem>>, vector<1x1x1x16xf32>,
          %get3A_761 = vector.shape_cast %get3A_760 : vector<1x1x1x16xf32> to vector<16xf32>
          %add3A_762 = arith.addf %while3A_697, %get3A_761 : vector<16xf32>
          %get3A_763 = arith.constant 0 : i32
          %get3A_764 = arith.constant 7 : i32
          %get3A_765 = arith.index_cast %add3A_699 : i32 to index
          %get3A_766 = arith.index_cast %get3A_763 : i32 to index
          %get3A_767 = arith.index_cast %get3A_764 : i32 to index
          %get3A_768 = arith.constant 0 : index
          %get3A_769 = tpu.vector_load %arg6[%get3A_765, %get3A_766, %get3A_767, %get3A_768] {strides = array<i32>} : memref<256x1x8x16xf32, #tpu.memory_space<vmem>>, vector<1x1x1x16xf32>,
          %get3A_770 = vector.shape_cast %get3A_769 : vector<1x1x1x16xf32> to vector<16xf32>
          %add3A_771 = arith.addf %while3A_698, %get3A_770 : vector<16xf32>
          scf.yield %add3A_708, %add3A_717, %add3A_726, %add3A_735, %add3A_744, %add3A_753, %add3A_762, %add3A_771 : vector<16xf32>, vector<16xf32>, vector<16xf32>, vector<16xf32>, vector<16xf32>, vector<16xf32>, vector<16xf32>, vector<16xf32>
        }
        %add3A_667 = arith.addf %while3A_666#0, %while3A_666#1 : vector<16xf32>
        %add3A_668 = arith.addf %while3A_666#2, %while3A_666#3 : vector<16xf32>
        %add3A_669 = arith.addf %add3A_667, %add3A_668 : vector<16xf32>
        %add3A_670 = arith.addf %while3A_666#4, %while3A_666#5 : vector<16xf32>
        %add3A_671 = arith.addf %while3A_666#6, %while3A_666#7 : vector<16xf32>
        %add3A_672 = arith.addf %add3A_670, %add3A_671 : vector<16xf32>
        %add3A_673 = arith.addf %add3A_669, %add3A_672 : vector<16xf32>
        %while3A_674 = arith.subi %min3A_631, %max3A_643 : i32
        %while3A_675 = arith.addi %max3A_643, %while3A_674 : i32
        %while3A_676 = arith.constant 1 : i32
        %while3A_677 = arith.divsi %while3A_674, %while3A_676 : i32
        %while3A_678 = arith.muli %while3A_677, %while3A_676 : i32
        %while3A_679 = arith.addi %max3A_643, %while3A_678 : i32
        %while3A_680 = arith.constant 1 : i32
        %while3A_681 = scf.for %while3A_690 = %max3A_643 to %while3A_679 step %while3A_680 iter_args(%while3A_691 = %add3A_673) -> (vector<16xf32>)  : i32 {
          %shift_right_arithmetic3A_692 = arith.constant 3 : i32
          %shift_right_arithmetic3A_693 = arith.shrsi %while3A_690, %shift_right_arithmetic3A_692 : i32
          %add3A_694 = arith.addi %sub3A_470, %shift_right_arithmetic3A_693 : i32
          %and3A_695 = arith.constant 7 : i32
          %and3A_696 = arith.andi %while3A_690, %and3A_695 : i32
          %get3A_697 = arith.constant 0 : i32
          %get3A_698 = arith.index_cast %add3A_694 : i32 to index
          %get3A_699 = arith.index_cast %get3A_697 : i32 to index
          %get3A_700 = arith.index_cast %and3A_696 : i32 to index
          %get3A_701 = arith.constant 0 : index
          %get3A_702 = tpu.vector_load %arg6[%get3A_698, %get3A_699, %get3A_700, %get3A_701] {strides = array<i32>} : memref<256x1x8x16xf32, #tpu.memory_space<vmem>>, vector<1x1x1x16xf32>,
          %get3A_703 = vector.shape_cast %get3A_702 : vector<1x1x1x16xf32> to vector<16xf32>
          %add3A_704 = arith.addf %while3A_691, %get3A_703 : vector<16xf32>
          scf.yield %add3A_704 : vector<16xf32>
        }
        %while3A_682 = arith.constant 1 : i32
        %while3A_683 = scf.for %while3A_690 = %while3A_679 to %while3A_675 step %while3A_682 iter_args(%while3A_691 = %while3A_681) -> (vector<16xf32>)  : i32 {
          %shift_right_arithmetic3A_692 = arith.constant 3 : i32
          %shift_right_arithmetic3A_693 = arith.shrsi %while3A_690, %shift_right_arithmetic3A_692 : i32
          %add3A_694 = arith.addi %sub3A_470, %shift_right_arithmetic3A_693 : i32
          %and3A_695 = arith.constant 7 : i32
          %and3A_696 = arith.andi %while3A_690, %and3A_695 : i32
          %get3A_697 = arith.constant 0 : i32
          %get3A_698 = arith.index_cast %add3A_694 : i32 to index
          %get3A_699 = arith.index_cast %get3A_697 : i32 to index
          %get3A_700 = arith.index_cast %and3A_696 : i32 to index
          %get3A_701 = arith.constant 0 : index
          %get3A_702 = tpu.vector_load %arg6[%get3A_698, %get3A_699, %get3A_700, %get3A_701] {strides = array<i32>} : memref<256x1x8x16xf32, #tpu.memory_space<vmem>>, vector<1x1x1x16xf32>,
          %get3A_703 = vector.shape_cast %get3A_702 : vector<1x1x1x16xf32> to vector<16xf32>
          %add3A_704 = arith.addf %while3A_691, %get3A_703 : vector<16xf32>
          scf.yield %add3A_704 : vector<16xf32>
        }
        %add3A_684 = arith.addf %get3A_635, %while3A_683 : vector<16xf32>
        %swap3A_685 = arith.index_cast %while3A_585 : i32 to index
        %swap3A_686 = arith.constant 0 : index
        %swap3A_687 = tpu.vector_load %arg7[%swap3A_685, %swap3A_686] {strides = array<i32>} : memref<16x16xf32, #tpu.memory_space<vmem>>, vector<1x16xf32>,
        %swap3A_688 = vector.shape_cast %swap3A_687 : vector<1x16xf32> to vector<16xf32>
        %swap3A_689 = vector.shape_cast %add3A_684 : vector<16xf32> to vector<1x16xf32>
        tpu.vector_store %arg7[%swap3A_685, %swap3A_686], %swap3A_689 {strides = array<i32>} : memref<16x16xf32, #tpu.memory_space<vmem>>, vector<1x16xf32>,
        scf.yield %min3A_631 : i32
      }
      %while3A_577 = arith.constant 1 : i32
      %while3A_578 = scf.for %while3A_585 = %while3A_574 to %while3A_570 step %while3A_577 iter_args(%while3A_586 = %while3A_576) -> (i32)  : i32 {
        %eq3A = arith.constant 1 : i32
        %eq3A_587 = arith.cmpi eq, %while3A_585, %eq3A : i32
        %select_n3A_588 = arith.select %eq3A_587, %add3A_11, %add3A_8 : i32
        %eq3A_589 = arith.constant 2 : i32
        %eq3A_590 = arith.cmpi eq, %while3A_585, %eq3A_589 : i32
        %select_n3A_591 = arith.select %eq3A_590, %add3A_14, %select_n3A_588 : i32
        %eq3A_592 = arith.constant 3 : i32
        %eq3A_593 = arith.cmpi eq, %while3A_585, %eq3A_592 : i32
        %select_n3A_594 = arith.select %eq3A_593, %add3A_17, %select_n3A_591 : i32
        %eq3A_595 = arith.constant 4 : i32
        %eq3A_596 = arith.cmpi eq, %while3A_585, %eq3A_595 : i32
        %select_n3A_597 = arith.select %eq3A_596, %add3A_20, %select_n3A_594 : i32
        %eq3A_598 = arith.constant 5 : i32
        %eq3A_599 = arith.cmpi eq, %while3A_585, %eq3A_598 : i32
        %select_n3A_600 = arith.select %eq3A_599, %add3A_23, %select_n3A_597 : i32
        %eq3A_601 = arith.constant 6 : i32
        %eq3A_602 = arith.cmpi eq, %while3A_585, %eq3A_601 : i32
        %select_n3A_603 = arith.select %eq3A_602, %add3A_26, %select_n3A_600 : i32
        %eq3A_604 = arith.constant 7 : i32
        %eq3A_605 = arith.cmpi eq, %while3A_585, %eq3A_604 : i32
        %select_n3A_606 = arith.select %eq3A_605, %add3A_29, %select_n3A_603 : i32
        %eq3A_607 = arith.constant 8 : i32
        %eq3A_608 = arith.cmpi eq, %while3A_585, %eq3A_607 : i32
        %select_n3A_609 = arith.select %eq3A_608, %add3A_32, %select_n3A_606 : i32
        %eq3A_610 = arith.constant 9 : i32
        %eq3A_611 = arith.cmpi eq, %while3A_585, %eq3A_610 : i32
        %select_n3A_612 = arith.select %eq3A_611, %add3A_35, %select_n3A_609 : i32
        %eq3A_613 = arith.constant 10 : i32
        %eq3A_614 = arith.cmpi eq, %while3A_585, %eq3A_613 : i32
        %select_n3A_615 = arith.select %eq3A_614, %add3A_38, %select_n3A_612 : i32
        %eq3A_616 = arith.constant 11 : i32
        %eq3A_617 = arith.cmpi eq, %while3A_585, %eq3A_616 : i32
        %select_n3A_618 = arith.select %eq3A_617, %add3A_41, %select_n3A_615 : i32
        %eq3A_619 = arith.constant 12 : i32
        %eq3A_620 = arith.cmpi eq, %while3A_585, %eq3A_619 : i32
        %select_n3A_621 = arith.select %eq3A_620, %add3A_44, %select_n3A_618 : i32
        %eq3A_622 = arith.constant 13 : i32
        %eq3A_623 = arith.cmpi eq, %while3A_585, %eq3A_622 : i32
        %select_n3A_624 = arith.select %eq3A_623, %add3A_47, %select_n3A_621 : i32
        %eq3A_625 = arith.constant 14 : i32
        %eq3A_626 = arith.cmpi eq, %while3A_585, %eq3A_625 : i32
        %select_n3A_627 = arith.select %eq3A_626, %add3A_50, %select_n3A_624 : i32
        %eq3A_628 = arith.constant 15 : i32
        %eq3A_629 = arith.cmpi eq, %while3A_585, %eq3A_628 : i32
        %select_n3A_630 = arith.select %eq3A_629, %add3A_53, %select_n3A_627 : i32
        %max3A = arith.maxsi %select_n3A_630, %while3A_586 : i32
        %min3A_631 = arith.minsi %max3A, %min3A : i32
        %get3A_632 = arith.index_cast %while3A_585 : i32 to index
        %get3A_633 = arith.constant 0 : index
        %get3A_634 = tpu.vector_load %arg7[%get3A_632, %get3A_633] {strides = array<i32>} : memref<16x16xf32, #tpu.memory_space<vmem>>, vector<1x16xf32>,
        %get3A_635 = vector.shape_cast %get3A_634 : vector<1x16xf32> to vector<16xf32>
        %add3A_636 = arith.constant 7 : i32
        %add3A_637 = arith.addi %while3A_586, %add3A_636 : i32
        %and3A_638 = arith.constant -8 : i32
        %and3A_639 = arith.andi %add3A_637, %and3A_638 : i32
        %min3A_640 = arith.minsi %and3A_639, %min3A_631 : i32
        %and3A_641 = arith.constant -8 : i32
        %and3A_642 = arith.andi %min3A_631, %and3A_641 : i32
        %max3A_643 = arith.maxsi %and3A_642, %min3A_640 : i32
        %while3A_644 = arith.subi %min3A_640, %while3A_586 : i32
        %while3A_645 = arith.addi %while3A_586, %while3A_644 : i32
        %while3A_646 = arith.constant 1 : i32
        %while3A_647 = arith.divsi %while3A_644, %while3A_646 : i32
        %while3A_648 = arith.muli %while3A_647, %while3A_646 : i32
        %while3A_649 = arith.addi %while3A_586, %while3A_648 : i32
        %while3A_650 = arith.constant 1 : i32
        %while3A_651 = scf.for %while3A_690 = %while3A_586 to %while3A_649 step %while3A_650 iter_args(%while3A_691 = %broadcast_in_dim3A_76) -> (vector<16xf32>)  : i32 {
          %shift_right_arithmetic3A_692 = arith.constant 3 : i32
          %shift_right_arithmetic3A_693 = arith.shrsi %while3A_690, %shift_right_arithmetic3A_692 : i32
          %add3A_694 = arith.addi %sub3A_470, %shift_right_arithmetic3A_693 : i32
          %and3A_695 = arith.constant 7 : i32
          %and3A_696 = arith.andi %while3A_690, %and3A_695 : i32
          %get3A_697 = arith.constant 0 : i32
          %get3A_698 = arith.index_cast %add3A_694 : i32 to index
          %get3A_699 = arith.index_cast %get3A_697 : i32 to index
          %get3A_700 = arith.index_cast %and3A_696 : i32 to index
          %get3A_701 = arith.constant 0 : index
          %get3A_702 = tpu.vector_load %arg6[%get3A_698, %get3A_699, %get3A_700, %get3A_701] {strides = array<i32>} : memref<256x1x8x16xf32, #tpu.memory_space<vmem>>, vector<1x1x1x16xf32>,
          %get3A_703 = vector.shape_cast %get3A_702 : vector<1x1x1x16xf32> to vector<16xf32>
          %add3A_704 = arith.addf %while3A_691, %get3A_703 : vector<16xf32>
          scf.yield %add3A_704 : vector<16xf32>
        }
        %while3A_652 = arith.constant 1 : i32
        %while3A_653 = scf.for %while3A_690 = %while3A_649 to %while3A_645 step %while3A_652 iter_args(%while3A_691 = %while3A_651) -> (vector<16xf32>)  : i32 {
          %shift_right_arithmetic3A_692 = arith.constant 3 : i32
          %shift_right_arithmetic3A_693 = arith.shrsi %while3A_690, %shift_right_arithmetic3A_692 : i32
          %add3A_694 = arith.addi %sub3A_470, %shift_right_arithmetic3A_693 : i32
          %and3A_695 = arith.constant 7 : i32
          %and3A_696 = arith.andi %while3A_690, %and3A_695 : i32
          %get3A_697 = arith.constant 0 : i32
          %get3A_698 = arith.index_cast %add3A_694 : i32 to index
          %get3A_699 = arith.index_cast %get3A_697 : i32 to index
          %get3A_700 = arith.index_cast %and3A_696 : i32 to index
          %get3A_701 = arith.constant 0 : index
          %get3A_702 = tpu.vector_load %arg6[%get3A_698, %get3A_699, %get3A_700, %get3A_701] {strides = array<i32>} : memref<256x1x8x16xf32, #tpu.memory_space<vmem>>, vector<1x1x1x16xf32>,
          %get3A_703 = vector.shape_cast %get3A_702 : vector<1x1x1x16xf32> to vector<16xf32>
          %add3A_704 = arith.addf %while3A_691, %get3A_703 : vector<16xf32>
          scf.yield %add3A_704 : vector<16xf32>
        }
        %shift_right_arithmetic3A = arith.constant 3 : i32
        %shift_right_arithmetic3A_654 = arith.shrsi %min3A_640, %shift_right_arithmetic3A : i32
        %shift_right_arithmetic3A_655 = arith.constant 3 : i32
        %shift_right_arithmetic3A_656 = arith.shrsi %max3A_643, %shift_right_arithmetic3A_655 : i32
        %while3A_657 = arith.subi %shift_right_arithmetic3A_656, %shift_right_arithmetic3A_654 : i32
        %while3A_658 = arith.addi %shift_right_arithmetic3A_654, %while3A_657 : i32
        %while3A_659 = arith.constant 1 : i32
        %while3A_660 = arith.divsi %while3A_657, %while3A_659 : i32
        %while3A_661 = arith.muli %while3A_660, %while3A_659 : i32
        %while3A_662 = arith.addi %shift_right_arithmetic3A_654, %while3A_661 : i32
        %while3A_663 = arith.constant 1 : i32
        %while3A_664:8 = scf.for %while3A_690 = %shift_right_arithmetic3A_654 to %while3A_662 step %while3A_663 iter_args(%while3A_691 = %while3A_653, %while3A_692 = %broadcast_in_dim3A_76, %while3A_693 = %broadcast_in_dim3A_76, %while3A_694 = %broadcast_in_dim3A_76, %while3A_695 = %broadcast_in_dim3A_76, %while3A_696 = %broadcast_in_dim3A_76, %while3A_697 = %broadcast_in_dim3A_76, %while3A_698 = %broadcast_in_dim3A_76) -> (vector<16xf32>, vector<16xf32>, vector<16xf32>, vector<16xf32>, vector<16xf32>, vector<16xf32>, vector<16xf32>, vector<16xf32>)  : i32 {
          %add3A_699 = arith.addi %sub3A_470, %while3A_690 : i32
          %get3A_700 = arith.constant 0 : i32
          %get3A_701 = arith.constant 0 : i32
          %get3A_702 = arith.index_cast %add3A_699 : i32 to index
          %get3A_703 = arith.index_cast %get3A_700 : i32 to index
          %get3A_704 = arith.index_cast %get3A_701 : i32 to index
          %get3A_705 = arith.constant 0 : index
          %get3A_706 = tpu.vector_load %arg6[%get3A_702, %get3A_703, %get3A_704, %get3A_705] {strides = array<i32>} : memref<256x1x8x16xf32, #tpu.memory_space<vmem>>, vector<1x1x1x16xf32>,
          %get3A_707 = vector.shape_cast %get3A_706 : vector<1x1x1x16xf32> to vector<16xf32>
          %add3A_708 = arith.addf %while3A_691, %get3A_707 : vector<16xf32>
          %get3A_709 = arith.constant 0 : i32
          %get3A_710 = arith.constant 1 : i32
          %get3A_711 = arith.index_cast %add3A_699 : i32 to index
          %get3A_712 = arith.index_cast %get3A_709 : i32 to index
          %get3A_713 = arith.index_cast %get3A_710 : i32 to index
          %get3A_714 = arith.constant 0 : index
          %get3A_715 = tpu.vector_load %arg6[%get3A_711, %get3A_712, %get3A_713, %get3A_714] {strides = array<i32>} : memref<256x1x8x16xf32, #tpu.memory_space<vmem>>, vector<1x1x1x16xf32>,
          %get3A_716 = vector.shape_cast %get3A_715 : vector<1x1x1x16xf32> to vector<16xf32>
          %add3A_717 = arith.addf %while3A_692, %get3A_716 : vector<16xf32>
          %get3A_718 = arith.constant 0 : i32
          %get3A_719 = arith.constant 2 : i32
          %get3A_720 = arith.index_cast %add3A_699 : i32 to index
          %get3A_721 = arith.index_cast %get3A_718 : i32 to index
          %get3A_722 = arith.index_cast %get3A_719 : i32 to index
          %get3A_723 = arith.constant 0 : index
          %get3A_724 = tpu.vector_load %arg6[%get3A_720, %get3A_721, %get3A_722, %get3A_723] {strides = array<i32>} : memref<256x1x8x16xf32, #tpu.memory_space<vmem>>, vector<1x1x1x16xf32>,
          %get3A_725 = vector.shape_cast %get3A_724 : vector<1x1x1x16xf32> to vector<16xf32>
          %add3A_726 = arith.addf %while3A_693, %get3A_725 : vector<16xf32>
          %get3A_727 = arith.constant 0 : i32
          %get3A_728 = arith.constant 3 : i32
          %get3A_729 = arith.index_cast %add3A_699 : i32 to index
          %get3A_730 = arith.index_cast %get3A_727 : i32 to index
          %get3A_731 = arith.index_cast %get3A_728 : i32 to index
          %get3A_732 = arith.constant 0 : index
          %get3A_733 = tpu.vector_load %arg6[%get3A_729, %get3A_730, %get3A_731, %get3A_732] {strides = array<i32>} : memref<256x1x8x16xf32, #tpu.memory_space<vmem>>, vector<1x1x1x16xf32>,
          %get3A_734 = vector.shape_cast %get3A_733 : vector<1x1x1x16xf32> to vector<16xf32>
          %add3A_735 = arith.addf %while3A_694, %get3A_734 : vector<16xf32>
          %get3A_736 = arith.constant 0 : i32
          %get3A_737 = arith.constant 4 : i32
          %get3A_738 = arith.index_cast %add3A_699 : i32 to index
          %get3A_739 = arith.index_cast %get3A_736 : i32 to index
          %get3A_740 = arith.index_cast %get3A_737 : i32 to index
          %get3A_741 = arith.constant 0 : index
          %get3A_742 = tpu.vector_load %arg6[%get3A_738, %get3A_739, %get3A_740, %get3A_741] {strides = array<i32>} : memref<256x1x8x16xf32, #tpu.memory_space<vmem>>, vector<1x1x1x16xf32>,
          %get3A_743 = vector.shape_cast %get3A_742 : vector<1x1x1x16xf32> to vector<16xf32>
          %add3A_744 = arith.addf %while3A_695, %get3A_743 : vector<16xf32>
          %get3A_745 = arith.constant 0 : i32
          %get3A_746 = arith.constant 5 : i32
          %get3A_747 = arith.index_cast %add3A_699 : i32 to index
          %get3A_748 = arith.index_cast %get3A_745 : i32 to index
          %get3A_749 = arith.index_cast %get3A_746 : i32 to index
          %get3A_750 = arith.constant 0 : index
          %get3A_751 = tpu.vector_load %arg6[%get3A_747, %get3A_748, %get3A_749, %get3A_750] {strides = array<i32>} : memref<256x1x8x16xf32, #tpu.memory_space<vmem>>, vector<1x1x1x16xf32>,
          %get3A_752 = vector.shape_cast %get3A_751 : vector<1x1x1x16xf32> to vector<16xf32>
          %add3A_753 = arith.addf %while3A_696, %get3A_752 : vector<16xf32>
          %get3A_754 = arith.constant 0 : i32
          %get3A_755 = arith.constant 6 : i32
          %get3A_756 = arith.index_cast %add3A_699 : i32 to index
          %get3A_757 = arith.index_cast %get3A_754 : i32 to index
          %get3A_758 = arith.index_cast %get3A_755 : i32 to index
          %get3A_759 = arith.constant 0 : index
          %get3A_760 = tpu.vector_load %arg6[%get3A_756, %get3A_757, %get3A_758, %get3A_759] {strides = array<i32>} : memref<256x1x8x16xf32, #tpu.memory_space<vmem>>, vector<1x1x1x16xf32>,
          %get3A_761 = vector.shape_cast %get3A_760 : vector<1x1x1x16xf32> to vector<16xf32>
          %add3A_762 = arith.addf %while3A_697, %get3A_761 : vector<16xf32>
          %get3A_763 = arith.constant 0 : i32
          %get3A_764 = arith.constant 7 : i32
          %get3A_765 = arith.index_cast %add3A_699 : i32 to index
          %get3A_766 = arith.index_cast %get3A_763 : i32 to index
          %get3A_767 = arith.index_cast %get3A_764 : i32 to index
          %get3A_768 = arith.constant 0 : index
          %get3A_769 = tpu.vector_load %arg6[%get3A_765, %get3A_766, %get3A_767, %get3A_768] {strides = array<i32>} : memref<256x1x8x16xf32, #tpu.memory_space<vmem>>, vector<1x1x1x16xf32>,
          %get3A_770 = vector.shape_cast %get3A_769 : vector<1x1x1x16xf32> to vector<16xf32>
          %add3A_771 = arith.addf %while3A_698, %get3A_770 : vector<16xf32>
          scf.yield %add3A_708, %add3A_717, %add3A_726, %add3A_735, %add3A_744, %add3A_753, %add3A_762, %add3A_771 : vector<16xf32>, vector<16xf32>, vector<16xf32>, vector<16xf32>, vector<16xf32>, vector<16xf32>, vector<16xf32>, vector<16xf32>
        }
        %while3A_665 = arith.constant 1 : i32
        %while3A_666:8 = scf.for %while3A_690 = %while3A_662 to %while3A_658 step %while3A_665 iter_args(%while3A_691 = %while3A_664#0, %while3A_692 = %while3A_664#1, %while3A_693 = %while3A_664#2, %while3A_694 = %while3A_664#3, %while3A_695 = %while3A_664#4, %while3A_696 = %while3A_664#5, %while3A_697 = %while3A_664#6, %while3A_698 = %while3A_664#7) -> (vector<16xf32>, vector<16xf32>, vector<16xf32>, vector<16xf32>, vector<16xf32>, vector<16xf32>, vector<16xf32>, vector<16xf32>)  : i32 {
          %add3A_699 = arith.addi %sub3A_470, %while3A_690 : i32
          %get3A_700 = arith.constant 0 : i32
          %get3A_701 = arith.constant 0 : i32
          %get3A_702 = arith.index_cast %add3A_699 : i32 to index
          %get3A_703 = arith.index_cast %get3A_700 : i32 to index
          %get3A_704 = arith.index_cast %get3A_701 : i32 to index
          %get3A_705 = arith.constant 0 : index
          %get3A_706 = tpu.vector_load %arg6[%get3A_702, %get3A_703, %get3A_704, %get3A_705] {strides = array<i32>} : memref<256x1x8x16xf32, #tpu.memory_space<vmem>>, vector<1x1x1x16xf32>,
          %get3A_707 = vector.shape_cast %get3A_706 : vector<1x1x1x16xf32> to vector<16xf32>
          %add3A_708 = arith.addf %while3A_691, %get3A_707 : vector<16xf32>
          %get3A_709 = arith.constant 0 : i32
          %get3A_710 = arith.constant 1 : i32
          %get3A_711 = arith.index_cast %add3A_699 : i32 to index
          %get3A_712 = arith.index_cast %get3A_709 : i32 to index
          %get3A_713 = arith.index_cast %get3A_710 : i32 to index
          %get3A_714 = arith.constant 0 : index
          %get3A_715 = tpu.vector_load %arg6[%get3A_711, %get3A_712, %get3A_713, %get3A_714] {strides = array<i32>} : memref<256x1x8x16xf32, #tpu.memory_space<vmem>>, vector<1x1x1x16xf32>,
          %get3A_716 = vector.shape_cast %get3A_715 : vector<1x1x1x16xf32> to vector<16xf32>
          %add3A_717 = arith.addf %while3A_692, %get3A_716 : vector<16xf32>
          %get3A_718 = arith.constant 0 : i32
          %get3A_719 = arith.constant 2 : i32
          %get3A_720 = arith.index_cast %add3A_699 : i32 to index
          %get3A_721 = arith.index_cast %get3A_718 : i32 to index
          %get3A_722 = arith.index_cast %get3A_719 : i32 to index
          %get3A_723 = arith.constant 0 : index
          %get3A_724 = tpu.vector_load %arg6[%get3A_720, %get3A_721, %get3A_722, %get3A_723] {strides = array<i32>} : memref<256x1x8x16xf32, #tpu.memory_space<vmem>>, vector<1x1x1x16xf32>,
          %get3A_725 = vector.shape_cast %get3A_724 : vector<1x1x1x16xf32> to vector<16xf32>
          %add3A_726 = arith.addf %while3A_693, %get3A_725 : vector<16xf32>
          %get3A_727 = arith.constant 0 : i32
          %get3A_728 = arith.constant 3 : i32
          %get3A_729 = arith.index_cast %add3A_699 : i32 to index
          %get3A_730 = arith.index_cast %get3A_727 : i32 to index
          %get3A_731 = arith.index_cast %get3A_728 : i32 to index
          %get3A_732 = arith.constant 0 : index
          %get3A_733 = tpu.vector_load %arg6[%get3A_729, %get3A_730, %get3A_731, %get3A_732] {strides = array<i32>} : memref<256x1x8x16xf32, #tpu.memory_space<vmem>>, vector<1x1x1x16xf32>,
          %get3A_734 = vector.shape_cast %get3A_733 : vector<1x1x1x16xf32> to vector<16xf32>
          %add3A_735 = arith.addf %while3A_694, %get3A_734 : vector<16xf32>
          %get3A_736 = arith.constant 0 : i32
          %get3A_737 = arith.constant 4 : i32
          %get3A_738 = arith.index_cast %add3A_699 : i32 to index
          %get3A_739 = arith.index_cast %get3A_736 : i32 to index
          %get3A_740 = arith.index_cast %get3A_737 : i32 to index
          %get3A_741 = arith.constant 0 : index
          %get3A_742 = tpu.vector_load %arg6[%get3A_738, %get3A_739, %get3A_740, %get3A_741] {strides = array<i32>} : memref<256x1x8x16xf32, #tpu.memory_space<vmem>>, vector<1x1x1x16xf32>,
          %get3A_743 = vector.shape_cast %get3A_742 : vector<1x1x1x16xf32> to vector<16xf32>
          %add3A_744 = arith.addf %while3A_695, %get3A_743 : vector<16xf32>
          %get3A_745 = arith.constant 0 : i32
          %get3A_746 = arith.constant 5 : i32
          %get3A_747 = arith.index_cast %add3A_699 : i32 to index
          %get3A_748 = arith.index_cast %get3A_745 : i32 to index
          %get3A_749 = arith.index_cast %get3A_746 : i32 to index
          %get3A_750 = arith.constant 0 : index
          %get3A_751 = tpu.vector_load %arg6[%get3A_747, %get3A_748, %get3A_749, %get3A_750] {strides = array<i32>} : memref<256x1x8x16xf32, #tpu.memory_space<vmem>>, vector<1x1x1x16xf32>,
          %get3A_752 = vector.shape_cast %get3A_751 : vector<1x1x1x16xf32> to vector<16xf32>
          %add3A_753 = arith.addf %while3A_696, %get3A_752 : vector<16xf32>
          %get3A_754 = arith.constant 0 : i32
          %get3A_755 = arith.constant 6 : i32
          %get3A_756 = arith.index_cast %add3A_699 : i32 to index
          %get3A_757 = arith.index_cast %get3A_754 : i32 to index
          %get3A_758 = arith.index_cast %get3A_755 : i32 to index
          %get3A_759 = arith.constant 0 : index
          %get3A_760 = tpu.vector_load %arg6[%get3A_756, %get3A_757, %get3A_758, %get3A_759] {strides = array<i32>} : memref<256x1x8x16xf32, #tpu.memory_space<vmem>>, vector<1x1x1x16xf32>,
          %get3A_761 = vector.shape_cast %get3A_760 : vector<1x1x1x16xf32> to vector<16xf32>
          %add3A_762 = arith.addf %while3A_697, %get3A_761 : vector<16xf32>
          %get3A_763 = arith.constant 0 : i32
          %get3A_764 = arith.constant 7 : i32
          %get3A_765 = arith.index_cast %add3A_699 : i32 to index
          %get3A_766 = arith.index_cast %get3A_763 : i32 to index
          %get3A_767 = arith.index_cast %get3A_764 : i32 to index
          %get3A_768 = arith.constant 0 : index
          %get3A_769 = tpu.vector_load %arg6[%get3A_765, %get3A_766, %get3A_767, %get3A_768] {strides = array<i32>} : memref<256x1x8x16xf32, #tpu.memory_space<vmem>>, vector<1x1x1x16xf32>,
          %get3A_770 = vector.shape_cast %get3A_769 : vector<1x1x1x16xf32> to vector<16xf32>
          %add3A_771 = arith.addf %while3A_698, %get3A_770 : vector<16xf32>
          scf.yield %add3A_708, %add3A_717, %add3A_726, %add3A_735, %add3A_744, %add3A_753, %add3A_762, %add3A_771 : vector<16xf32>, vector<16xf32>, vector<16xf32>, vector<16xf32>, vector<16xf32>, vector<16xf32>, vector<16xf32>, vector<16xf32>
        }
        %add3A_667 = arith.addf %while3A_666#0, %while3A_666#1 : vector<16xf32>
        %add3A_668 = arith.addf %while3A_666#2, %while3A_666#3 : vector<16xf32>
        %add3A_669 = arith.addf %add3A_667, %add3A_668 : vector<16xf32>
        %add3A_670 = arith.addf %while3A_666#4, %while3A_666#5 : vector<16xf32>
        %add3A_671 = arith.addf %while3A_666#6, %while3A_666#7 : vector<16xf32>
        %add3A_672 = arith.addf %add3A_670, %add3A_671 : vector<16xf32>
        %add3A_673 = arith.addf %add3A_669, %add3A_672 : vector<16xf32>
        %while3A_674 = arith.subi %min3A_631, %max3A_643 : i32
        %while3A_675 = arith.addi %max3A_643, %while3A_674 : i32
        %while3A_676 = arith.constant 1 : i32
        %while3A_677 = arith.divsi %while3A_674, %while3A_676 : i32
        %while3A_678 = arith.muli %while3A_677, %while3A_676 : i32
        %while3A_679 = arith.addi %max3A_643, %while3A_678 : i32
        %while3A_680 = arith.constant 1 : i32
        %while3A_681 = scf.for %while3A_690 = %max3A_643 to %while3A_679 step %while3A_680 iter_args(%while3A_691 = %add3A_673) -> (vector<16xf32>)  : i32 {
          %shift_right_arithmetic3A_692 = arith.constant 3 : i32
          %shift_right_arithmetic3A_693 = arith.shrsi %while3A_690, %shift_right_arithmetic3A_692 : i32
          %add3A_694 = arith.addi %sub3A_470, %shift_right_arithmetic3A_693 : i32
          %and3A_695 = arith.constant 7 : i32
          %and3A_696 = arith.andi %while3A_690, %and3A_695 : i32
          %get3A_697 = arith.constant 0 : i32
          %get3A_698 = arith.index_cast %add3A_694 : i32 to index
          %get3A_699 = arith.index_cast %get3A_697 : i32 to index
          %get3A_700 = arith.index_cast %and3A_696 : i32 to index
          %get3A_701 = arith.constant 0 : index
          %get3A_702 = tpu.vector_load %arg6[%get3A_698, %get3A_699, %get3A_700, %get3A_701] {strides = array<i32>} : memref<256x1x8x16xf32, #tpu.memory_space<vmem>>, vector<1x1x1x16xf32>,
          %get3A_703 = vector.shape_cast %get3A_702 : vector<1x1x1x16xf32> to vector<16xf32>
          %add3A_704 = arith.addf %while3A_691, %get3A_703 : vector<16xf32>
          scf.yield %add3A_704 : vector<16xf32>
        }
        %while3A_682 = arith.constant 1 : i32
        %while3A_683 = scf.for %while3A_690 = %while3A_679 to %while3A_675 step %while3A_682 iter_args(%while3A_691 = %while3A_681) -> (vector<16xf32>)  : i32 {
          %shift_right_arithmetic3A_692 = arith.constant 3 : i32
          %shift_right_arithmetic3A_693 = arith.shrsi %while3A_690, %shift_right_arithmetic3A_692 : i32
          %add3A_694 = arith.addi %sub3A_470, %shift_right_arithmetic3A_693 : i32
          %and3A_695 = arith.constant 7 : i32
          %and3A_696 = arith.andi %while3A_690, %and3A_695 : i32
          %get3A_697 = arith.constant 0 : i32
          %get3A_698 = arith.index_cast %add3A_694 : i32 to index
          %get3A_699 = arith.index_cast %get3A_697 : i32 to index
          %get3A_700 = arith.index_cast %and3A_696 : i32 to index
          %get3A_701 = arith.constant 0 : index
          %get3A_702 = tpu.vector_load %arg6[%get3A_698, %get3A_699, %get3A_700, %get3A_701] {strides = array<i32>} : memref<256x1x8x16xf32, #tpu.memory_space<vmem>>, vector<1x1x1x16xf32>,
          %get3A_703 = vector.shape_cast %get3A_702 : vector<1x1x1x16xf32> to vector<16xf32>
          %add3A_704 = arith.addf %while3A_691, %get3A_703 : vector<16xf32>
          scf.yield %add3A_704 : vector<16xf32>
        }
        %add3A_684 = arith.addf %get3A_635, %while3A_683 : vector<16xf32>
        %swap3A_685 = arith.index_cast %while3A_585 : i32 to index
        %swap3A_686 = arith.constant 0 : index
        %swap3A_687 = tpu.vector_load %arg7[%swap3A_685, %swap3A_686] {strides = array<i32>} : memref<16x16xf32, #tpu.memory_space<vmem>>, vector<1x16xf32>,
        %swap3A_688 = vector.shape_cast %swap3A_687 : vector<1x16xf32> to vector<16xf32>
        %swap3A_689 = vector.shape_cast %add3A_684 : vector<16xf32> to vector<1x16xf32>
        tpu.vector_store %arg7[%swap3A_685, %swap3A_686], %swap3A_689 {strides = array<i32>} : memref<16x16xf32, #tpu.memory_space<vmem>>, vector<1x16xf32>,
        scf.yield %min3A_631 : i32
      }
      %add3A_579 = arith.constant 4 : i32
      %add3A_580 = arith.addi %while3A_442, %add3A_579 : i32
      %lt3A_581 = arith.cmpi slt, %add3A_580, %select_n3A : i32
      %convert_element_type3A_582 = arith.extui %lt3A_581 : i1 to i32
      %cond3A_583 = arith.constant 0 : i32
      %cond3A_584 = arith.cmpi ne, %convert_element_type3A_582, %cond3A_583 : i32
      scf.if %cond3A_584 {
        %add3A_585 = arith.constant 4 : i32
        %add3A_586 = arith.addi %while3A_442, %add3A_585 : i32
        %mul3A_587 = arith.constant 64 : i32
        %mul3A_588 = arith.muli %add3A_586, %mul3A_587 : i32
        %mul3A_589 = arith.constant 64 : i32
        %mul3A_590 = arith.muli %rem3A_444, %mul3A_589 : i32
        %dma_start3A = arith.constant 0 : i32
        %dma_start3A_591 = arith.constant 0 : i32
        %dma_start3A_592 = arith.constant 0 : i32
        %dma_start3A_593 = tpu.memref_slice %arg6[%mul3A_590, %dma_start3A, %dma_start3A_591, %dma_start3A_592] : memref<256x1x8x16xf32, #tpu.memory_space<vmem>> -> memref<64x1x8x16xf32, #tpu.memory_space<vmem>>
        %dma_start3A_594 = arith.constant 0 : i32
        %dma_start3A_595 = tpu.memref_slice %arg2[%mul3A_588, %add3A, %dma_start3A_594, %mul3A_4] : memref<4096x4x8x128xf32, #tpu.memory_space<hbm>> -> memref<64x1x8x16xf32, #tpu.memory_space<hbm>>
        %dma_start3A_596 = tpu.memref_slice %arg8[%rem3A_444] : memref<4x!tpu.dma_semaphore, #tpu.memory_space<semaphore_mem>> -> memref<1x!tpu.dma_semaphore, #tpu.memory_space<semaphore_mem>>
        %dma_start3A_597 = tpu.memref_squeeze %dma_start3A_596 : memref<1x!tpu.dma_semaphore, #tpu.memory_space<semaphore_mem>> -> memref<!tpu.dma_semaphore, #tpu.memory_space<semaphore_mem>>
        %dma_start3A_598 = arith.constant 0 : i32
        %dma_start3A_599 = arith.constant 0 : i32
        %dma_start3A_600 = arith.constant 0 : i32
        %dma_start3A_601 = tpu.memref_slice %arg6[%mul3A_590, %dma_start3A_598, %dma_start3A_599, %dma_start3A_600] : memref<256x1x8x16xf32, #tpu.memory_space<vmem>> -> memref<64x1x8x16xf32, #tpu.memory_space<vmem>>
        %dma_start3A_602 = arith.constant 0 : i32
        %dma_start3A_603 = tpu.memref_slice %arg2[%mul3A_588, %add3A, %dma_start3A_602, %mul3A_4] : memref<4096x4x8x128xf32, #tpu.memory_space<hbm>> -> memref<64x1x8x16xf32, #tpu.memory_space<hbm>>
        tpu.enqueue_dma source(%dma_start3A_603 : memref<64x1x8x16xf32, #tpu.memory_space<hbm>>) target(%dma_start3A_601 : memref<64x1x8x16xf32, #tpu.memory_space<vmem>>) target_semaphore(%dma_start3A_597 : memref<!tpu.dma_semaphore, #tpu.memory_space<semaphore_mem>>)
      } else {
      }
    }
    %while3A_197 = arith.constant 1 : i32
    scf.for %while3A_442 = %while3A_195 to %while3A_191 step %while3A_197  : i32 {
      %rem3A_443 = arith.constant 4 : i32
      %rem3A_444 = arith.remsi %while3A_442, %rem3A_443 : i32
      %mul3A_445 = arith.constant 64 : i32
      %mul3A_446 = arith.muli %while3A_442, %mul3A_445 : i32
      %mul3A_447 = arith.constant 64 : i32
      %mul3A_448 = arith.muli %rem3A_444, %mul3A_447 : i32
      %dma_wait3A = arith.constant 0 : i32
      %dma_wait3A_449 = arith.constant 0 : i32
      %dma_wait3A_450 = arith.constant 0 : i32
      %dma_wait3A_451 = tpu.memref_slice %arg6[%mul3A_448, %dma_wait3A, %dma_wait3A_449, %dma_wait3A_450] : memref<256x1x8x16xf32, #tpu.memory_space<vmem>> -> memref<64x1x8x16xf32, #tpu.memory_space<vmem>>
      %dma_wait3A_452 = arith.constant 0 : i32
      %dma_wait3A_453 = tpu.memref_slice %arg2[%mul3A_446, %add3A, %dma_wait3A_452, %mul3A_4] : memref<4096x4x8x128xf32, #tpu.memory_space<hbm>> -> memref<64x1x8x16xf32, #tpu.memory_space<hbm>>
      %dma_wait3A_454 = tpu.memref_slice %arg8[%rem3A_444] : memref<4x!tpu.dma_semaphore, #tpu.memory_space<semaphore_mem>> -> memref<1x!tpu.dma_semaphore, #tpu.memory_space<semaphore_mem>>
      %dma_wait3A_455 = tpu.memref_squeeze %dma_wait3A_454 : memref<1x!tpu.dma_semaphore, #tpu.memory_space<semaphore_mem>> -> memref<!tpu.dma_semaphore, #tpu.memory_space<semaphore_mem>>
      %dma_wait3A_456 = arith.constant 0 : i32
      %dma_wait3A_457 = arith.constant 0 : i32
      %dma_wait3A_458 = arith.constant 0 : i32
      %dma_wait3A_459 = tpu.memref_slice %arg6[%mul3A_448, %dma_wait3A_456, %dma_wait3A_457, %dma_wait3A_458] : memref<256x1x8x16xf32, #tpu.memory_space<vmem>> -> memref<64x1x8x16xf32, #tpu.memory_space<vmem>>
      %dma_wait3A_460 = arith.constant 0 : i32
      %dma_wait3A_461 = tpu.memref_slice %arg2[%mul3A_446, %add3A, %dma_wait3A_460, %mul3A_4] : memref<4096x4x8x128xf32, #tpu.memory_space<hbm>> -> memref<64x1x8x16xf32, #tpu.memory_space<hbm>>
      tpu.wait_dma2 semaphore(%dma_wait3A_455 : memref<!tpu.dma_semaphore, #tpu.memory_space<semaphore_mem>>) src(%dma_wait3A_461 : memref<64x1x8x16xf32, #tpu.memory_space<hbm>>) dst(%dma_wait3A_459 : memref<64x1x8x16xf32, #tpu.memory_space<vmem>>)
      %mul3A_462 = arith.constant 512 : i32
      %mul3A_463 = arith.muli %while3A_442, %mul3A_462 : i32
      %add3A_464 = arith.constant 512 : i32
      %add3A_465 = arith.addi %mul3A_463, %add3A_464 : i32
      %min3A = arith.minsi %add3A_465, %add3A_53 : i32
      %mul3A_466 = arith.constant 64 : i32
      %mul3A_467 = arith.muli %rem3A_444, %mul3A_466 : i32
      %mul3A_468 = arith.constant 64 : i32
      %mul3A_469 = arith.muli %while3A_442, %mul3A_468 : i32
      %sub3A_470 = arith.subi %mul3A_467, %mul3A_469 : i32
      %le3A = arith.cmpi sle, %add3A_8, %mul3A_463 : i32
      %convert_element_type3A_471 = arith.extui %le3A : i1 to i32
      %add3A_472 = arith.constant 0 : i32
      %add3A_473 = arith.addi %add3A_472, %convert_element_type3A_471 : i32
      %lt3A = arith.cmpi slt, %add3A_8, %min3A : i32
      %convert_element_type3A_474 = arith.extui %lt3A : i1 to i32
      %add3A_475 = arith.constant 0 : i32
      %add3A_476 = arith.addi %add3A_475, %convert_element_type3A_474 : i32
      %le3A_477 = arith.cmpi sle, %add3A_11, %mul3A_463 : i32
      %convert_element_type3A_478 = arith.extui %le3A_477 : i1 to i32
      %add3A_479 = arith.addi %add3A_473, %convert_element_type3A_478 : i32
      %lt3A_480 = arith.cmpi slt, %add3A_11, %min3A : i32
      %convert_element_type3A_481 = arith.extui %lt3A_480 : i1 to i32
      %add3A_482 = arith.addi %add3A_476, %convert_element_type3A_481 : i32
      %le3A_483 = arith.cmpi sle, %add3A_14, %mul3A_463 : i32
      %convert_element_type3A_484 = arith.extui %le3A_483 : i1 to i32
      %add3A_485 = arith.addi %add3A_479, %convert_element_type3A_484 : i32
      %lt3A_486 = arith.cmpi slt, %add3A_14, %min3A : i32
      %convert_element_type3A_487 = arith.extui %lt3A_486 : i1 to i32
      %add3A_488 = arith.addi %add3A_482, %convert_element_type3A_487 : i32
      %le3A_489 = arith.cmpi sle, %add3A_17, %mul3A_463 : i32
      %convert_element_type3A_490 = arith.extui %le3A_489 : i1 to i32
      %add3A_491 = arith.addi %add3A_485, %convert_element_type3A_490 : i32
      %lt3A_492 = arith.cmpi slt, %add3A_17, %min3A : i32
      %convert_element_type3A_493 = arith.extui %lt3A_492 : i1 to i32
      %add3A_494 = arith.addi %add3A_488, %convert_element_type3A_493 : i32
      %le3A_495 = arith.cmpi sle, %add3A_20, %mul3A_463 : i32
      %convert_element_type3A_496 = arith.extui %le3A_495 : i1 to i32
      %add3A_497 = arith.addi %add3A_491, %convert_element_type3A_496 : i32
      %lt3A_498 = arith.cmpi slt, %add3A_20, %min3A : i32
      %convert_element_type3A_499 = arith.extui %lt3A_498 : i1 to i32
      %add3A_500 = arith.addi %add3A_494, %convert_element_type3A_499 : i32
      %le3A_501 = arith.cmpi sle, %add3A_23, %mul3A_463 : i32
      %convert_element_type3A_502 = arith.extui %le3A_501 : i1 to i32
      %add3A_503 = arith.addi %add3A_497, %convert_element_type3A_502 : i32
      %lt3A_504 = arith.cmpi slt, %add3A_23, %min3A : i32
      %convert_element_type3A_505 = arith.extui %lt3A_504 : i1 to i32
      %add3A_506 = arith.addi %add3A_500, %convert_element_type3A_505 : i32
      %le3A_507 = arith.cmpi sle, %add3A_26, %mul3A_463 : i32
      %convert_element_type3A_508 = arith.extui %le3A_507 : i1 to i32
      %add3A_509 = arith.addi %add3A_503, %convert_element_type3A_508 : i32
      %lt3A_510 = arith.cmpi slt, %add3A_26, %min3A : i32
      %convert_element_type3A_511 = arith.extui %lt3A_510 : i1 to i32
      %add3A_512 = arith.addi %add3A_506, %convert_element_type3A_511 : i32
      %le3A_513 = arith.cmpi sle, %add3A_29, %mul3A_463 : i32
      %convert_element_type3A_514 = arith.extui %le3A_513 : i1 to i32
      %add3A_515 = arith.addi %add3A_509, %convert_element_type3A_514 : i32
      %lt3A_516 = arith.cmpi slt, %add3A_29, %min3A : i32
      %convert_element_type3A_517 = arith.extui %lt3A_516 : i1 to i32
      %add3A_518 = arith.addi %add3A_512, %convert_element_type3A_517 : i32
      %le3A_519 = arith.cmpi sle, %add3A_32, %mul3A_463 : i32
      %convert_element_type3A_520 = arith.extui %le3A_519 : i1 to i32
      %add3A_521 = arith.addi %add3A_515, %convert_element_type3A_520 : i32
      %lt3A_522 = arith.cmpi slt, %add3A_32, %min3A : i32
      %convert_element_type3A_523 = arith.extui %lt3A_522 : i1 to i32
      %add3A_524 = arith.addi %add3A_518, %convert_element_type3A_523 : i32
      %le3A_525 = arith.cmpi sle, %add3A_35, %mul3A_463 : i32
      %convert_element_type3A_526 = arith.extui %le3A_525 : i1 to i32
      %add3A_527 = arith.addi %add3A_521, %convert_element_type3A_526 : i32
      %lt3A_528 = arith.cmpi slt, %add3A_35, %min3A : i32
      %convert_element_type3A_529 = arith.extui %lt3A_528 : i1 to i32
      %add3A_530 = arith.addi %add3A_524, %convert_element_type3A_529 : i32
      %le3A_531 = arith.cmpi sle, %add3A_38, %mul3A_463 : i32
      %convert_element_type3A_532 = arith.extui %le3A_531 : i1 to i32
      %add3A_533 = arith.addi %add3A_527, %convert_element_type3A_532 : i32
      %lt3A_534 = arith.cmpi slt, %add3A_38, %min3A : i32
      %convert_element_type3A_535 = arith.extui %lt3A_534 : i1 to i32
      %add3A_536 = arith.addi %add3A_530, %convert_element_type3A_535 : i32
      %le3A_537 = arith.cmpi sle, %add3A_41, %mul3A_463 : i32
      %convert_element_type3A_538 = arith.extui %le3A_537 : i1 to i32
      %add3A_539 = arith.addi %add3A_533, %convert_element_type3A_538 : i32
      %lt3A_540 = arith.cmpi slt, %add3A_41, %min3A : i32
      %convert_element_type3A_541 = arith.extui %lt3A_540 : i1 to i32
      %add3A_542 = arith.addi %add3A_536, %convert_element_type3A_541 : i32
      %le3A_543 = arith.cmpi sle, %add3A_44, %mul3A_463 : i32
      %convert_element_type3A_544 = arith.extui %le3A_543 : i1 to i32
      %add3A_545 = arith.addi %add3A_539, %convert_element_type3A_544 : i32
      %lt3A_546 = arith.cmpi slt, %add3A_44, %min3A : i32
      %convert_element_type3A_547 = arith.extui %lt3A_546 : i1 to i32
      %add3A_548 = arith.addi %add3A_542, %convert_element_type3A_547 : i32
      %le3A_549 = arith.cmpi sle, %add3A_47, %mul3A_463 : i32
      %convert_element_type3A_550 = arith.extui %le3A_549 : i1 to i32
      %add3A_551 = arith.addi %add3A_545, %convert_element_type3A_550 : i32
      %lt3A_552 = arith.cmpi slt, %add3A_47, %min3A : i32
      %convert_element_type3A_553 = arith.extui %lt3A_552 : i1 to i32
      %add3A_554 = arith.addi %add3A_548, %convert_element_type3A_553 : i32
      %le3A_555 = arith.cmpi sle, %add3A_50, %mul3A_463 : i32
      %convert_element_type3A_556 = arith.extui %le3A_555 : i1 to i32
      %add3A_557 = arith.addi %add3A_551, %convert_element_type3A_556 : i32
      %lt3A_558 = arith.cmpi slt, %add3A_50, %min3A : i32
      %convert_element_type3A_559 = arith.extui %lt3A_558 : i1 to i32
      %add3A_560 = arith.addi %add3A_554, %convert_element_type3A_559 : i32
      %le3A_561 = arith.cmpi sle, %add3A_53, %mul3A_463 : i32
      %convert_element_type3A_562 = arith.extui %le3A_561 : i1 to i32
      %add3A_563 = arith.addi %add3A_557, %convert_element_type3A_562 : i32
      %lt3A_564 = arith.cmpi slt, %add3A_53, %min3A : i32
      %convert_element_type3A_565 = arith.extui %lt3A_564 : i1 to i32
      %add3A_566 = arith.addi %add3A_560, %convert_element_type3A_565 : i32
      %add3A_567 = arith.constant 1 : i32
      %add3A_568 = arith.addi %add3A_566, %add3A_567 : i32
      %while3A_569 = arith.subi %add3A_568, %add3A_563 : i32
      %while3A_570 = arith.addi %add3A_563, %while3A_569 : i32
      %while3A_571 = arith.constant 1 : i32
      %while3A_572 = arith.divsi %while3A_569, %while3A_571 : i32
      %while3A_573 = arith.muli %while3A_572, %while3A_571 : i32
      %while3A_574 = arith.addi %add3A_563, %while3A_573 : i32
      %while3A_575 = arith.constant 1 : i32
      %while3A_576 = scf.for %while3A_585 = %add3A_563 to %while3A_574 step %while3A_575 iter_args(%while3A_586 = %mul3A_463) -> (i32)  : i32 {
        %eq3A = arith.constant 1 : i32
        %eq3A_587 = arith.cmpi eq, %while3A_585, %eq3A : i32
        %select_n3A_588 = arith.select %eq3A_587, %add3A_11, %add3A_8 : i32
        %eq3A_589 = arith.constant 2 : i32
        %eq3A_590 = arith.cmpi eq, %while3A_585, %eq3A_589 : i32
        %select_n3A_591 = arith.select %eq3A_590, %add3A_14, %select_n3A_588 : i32
        %eq3A_592 = arith.constant 3 : i32
        %eq3A_593 = arith.cmpi eq, %while3A_585, %eq3A_592 : i32
        %select_n3A_594 = arith.select %eq3A_593, %add3A_17, %select_n3A_591 : i32
        %eq3A_595 = arith.constant 4 : i32
        %eq3A_596 = arith.cmpi eq, %while3A_585, %eq3A_595 : i32
        %select_n3A_597 = arith.select %eq3A_596, %add3A_20, %select_n3A_594 : i32
        %eq3A_598 = arith.constant 5 : i32
        %eq3A_599 = arith.cmpi eq, %while3A_585, %eq3A_598 : i32
        %select_n3A_600 = arith.select %eq3A_599, %add3A_23, %select_n3A_597 : i32
        %eq3A_601 = arith.constant 6 : i32
        %eq3A_602 = arith.cmpi eq, %while3A_585, %eq3A_601 : i32
        %select_n3A_603 = arith.select %eq3A_602, %add3A_26, %select_n3A_600 : i32
        %eq3A_604 = arith.constant 7 : i32
        %eq3A_605 = arith.cmpi eq, %while3A_585, %eq3A_604 : i32
        %select_n3A_606 = arith.select %eq3A_605, %add3A_29, %select_n3A_603 : i32
        %eq3A_607 = arith.constant 8 : i32
        %eq3A_608 = arith.cmpi eq, %while3A_585, %eq3A_607 : i32
        %select_n3A_609 = arith.select %eq3A_608, %add3A_32, %select_n3A_606 : i32
        %eq3A_610 = arith.constant 9 : i32
        %eq3A_611 = arith.cmpi eq, %while3A_585, %eq3A_610 : i32
        %select_n3A_612 = arith.select %eq3A_611, %add3A_35, %select_n3A_609 : i32
        %eq3A_613 = arith.constant 10 : i32
        %eq3A_614 = arith.cmpi eq, %while3A_585, %eq3A_613 : i32
        %select_n3A_615 = arith.select %eq3A_614, %add3A_38, %select_n3A_612 : i32
        %eq3A_616 = arith.constant 11 : i32
        %eq3A_617 = arith.cmpi eq, %while3A_585, %eq3A_616 : i32
        %select_n3A_618 = arith.select %eq3A_617, %add3A_41, %select_n3A_615 : i32
        %eq3A_619 = arith.constant 12 : i32
        %eq3A_620 = arith.cmpi eq, %while3A_585, %eq3A_619 : i32
        %select_n3A_621 = arith.select %eq3A_620, %add3A_44, %select_n3A_618 : i32
        %eq3A_622 = arith.constant 13 : i32
        %eq3A_623 = arith.cmpi eq, %while3A_585, %eq3A_622 : i32
        %select_n3A_624 = arith.select %eq3A_623, %add3A_47, %select_n3A_621 : i32
        %eq3A_625 = arith.constant 14 : i32
        %eq3A_626 = arith.cmpi eq, %while3A_585, %eq3A_625 : i32
        %select_n3A_627 = arith.select %eq3A_626, %add3A_50, %select_n3A_624 : i32
        %eq3A_628 = arith.constant 15 : i32
        %eq3A_629 = arith.cmpi eq, %while3A_585, %eq3A_628 : i32
        %select_n3A_630 = arith.select %eq3A_629, %add3A_53, %select_n3A_627 : i32
        %max3A = arith.maxsi %select_n3A_630, %while3A_586 : i32
        %min3A_631 = arith.minsi %max3A, %min3A : i32
        %get3A_632 = arith.index_cast %while3A_585 : i32 to index
        %get3A_633 = arith.constant 0 : index
        %get3A_634 = tpu.vector_load %arg7[%get3A_632, %get3A_633] {strides = array<i32>} : memref<16x16xf32, #tpu.memory_space<vmem>>, vector<1x16xf32>,
        %get3A_635 = vector.shape_cast %get3A_634 : vector<1x16xf32> to vector<16xf32>
        %add3A_636 = arith.constant 7 : i32
        %add3A_637 = arith.addi %while3A_586, %add3A_636 : i32
        %and3A_638 = arith.constant -8 : i32
        %and3A_639 = arith.andi %add3A_637, %and3A_638 : i32
        %min3A_640 = arith.minsi %and3A_639, %min3A_631 : i32
        %and3A_641 = arith.constant -8 : i32
        %and3A_642 = arith.andi %min3A_631, %and3A_641 : i32
        %max3A_643 = arith.maxsi %and3A_642, %min3A_640 : i32
        %while3A_644 = arith.subi %min3A_640, %while3A_586 : i32
        %while3A_645 = arith.addi %while3A_586, %while3A_644 : i32
        %while3A_646 = arith.constant 1 : i32
        %while3A_647 = arith.divsi %while3A_644, %while3A_646 : i32
        %while3A_648 = arith.muli %while3A_647, %while3A_646 : i32
        %while3A_649 = arith.addi %while3A_586, %while3A_648 : i32
        %while3A_650 = arith.constant 1 : i32
        %while3A_651 = scf.for %while3A_690 = %while3A_586 to %while3A_649 step %while3A_650 iter_args(%while3A_691 = %broadcast_in_dim3A_76) -> (vector<16xf32>)  : i32 {
          %shift_right_arithmetic3A_692 = arith.constant 3 : i32
          %shift_right_arithmetic3A_693 = arith.shrsi %while3A_690, %shift_right_arithmetic3A_692 : i32
          %add3A_694 = arith.addi %sub3A_470, %shift_right_arithmetic3A_693 : i32
          %and3A_695 = arith.constant 7 : i32
          %and3A_696 = arith.andi %while3A_690, %and3A_695 : i32
          %get3A_697 = arith.constant 0 : i32
          %get3A_698 = arith.index_cast %add3A_694 : i32 to index
          %get3A_699 = arith.index_cast %get3A_697 : i32 to index
          %get3A_700 = arith.index_cast %and3A_696 : i32 to index
          %get3A_701 = arith.constant 0 : index
          %get3A_702 = tpu.vector_load %arg6[%get3A_698, %get3A_699, %get3A_700, %get3A_701] {strides = array<i32>} : memref<256x1x8x16xf32, #tpu.memory_space<vmem>>, vector<1x1x1x16xf32>,
          %get3A_703 = vector.shape_cast %get3A_702 : vector<1x1x1x16xf32> to vector<16xf32>
          %add3A_704 = arith.addf %while3A_691, %get3A_703 : vector<16xf32>
          scf.yield %add3A_704 : vector<16xf32>
        }
        %while3A_652 = arith.constant 1 : i32
        %while3A_653 = scf.for %while3A_690 = %while3A_649 to %while3A_645 step %while3A_652 iter_args(%while3A_691 = %while3A_651) -> (vector<16xf32>)  : i32 {
          %shift_right_arithmetic3A_692 = arith.constant 3 : i32
          %shift_right_arithmetic3A_693 = arith.shrsi %while3A_690, %shift_right_arithmetic3A_692 : i32
          %add3A_694 = arith.addi %sub3A_470, %shift_right_arithmetic3A_693 : i32
          %and3A_695 = arith.constant 7 : i32
          %and3A_696 = arith.andi %while3A_690, %and3A_695 : i32
          %get3A_697 = arith.constant 0 : i32
          %get3A_698 = arith.index_cast %add3A_694 : i32 to index
          %get3A_699 = arith.index_cast %get3A_697 : i32 to index
          %get3A_700 = arith.index_cast %and3A_696 : i32 to index
          %get3A_701 = arith.constant 0 : index
          %get3A_702 = tpu.vector_load %arg6[%get3A_698, %get3A_699, %get3A_700, %get3A_701] {strides = array<i32>} : memref<256x1x8x16xf32, #tpu.memory_space<vmem>>, vector<1x1x1x16xf32>,
          %get3A_703 = vector.shape_cast %get3A_702 : vector<1x1x1x16xf32> to vector<16xf32>
          %add3A_704 = arith.addf %while3A_691, %get3A_703 : vector<16xf32>
          scf.yield %add3A_704 : vector<16xf32>
        }
        %shift_right_arithmetic3A = arith.constant 3 : i32
        %shift_right_arithmetic3A_654 = arith.shrsi %min3A_640, %shift_right_arithmetic3A : i32
        %shift_right_arithmetic3A_655 = arith.constant 3 : i32
        %shift_right_arithmetic3A_656 = arith.shrsi %max3A_643, %shift_right_arithmetic3A_655 : i32
        %while3A_657 = arith.subi %shift_right_arithmetic3A_656, %shift_right_arithmetic3A_654 : i32
        %while3A_658 = arith.addi %shift_right_arithmetic3A_654, %while3A_657 : i32
        %while3A_659 = arith.constant 1 : i32
        %while3A_660 = arith.divsi %while3A_657, %while3A_659 : i32
        %while3A_661 = arith.muli %while3A_660, %while3A_659 : i32
        %while3A_662 = arith.addi %shift_right_arithmetic3A_654, %while3A_661 : i32
        %while3A_663 = arith.constant 1 : i32
        %while3A_664:8 = scf.for %while3A_690 = %shift_right_arithmetic3A_654 to %while3A_662 step %while3A_663 iter_args(%while3A_691 = %while3A_653, %while3A_692 = %broadcast_in_dim3A_76, %while3A_693 = %broadcast_in_dim3A_76, %while3A_694 = %broadcast_in_dim3A_76, %while3A_695 = %broadcast_in_dim3A_76, %while3A_696 = %broadcast_in_dim3A_76, %while3A_697 = %broadcast_in_dim3A_76, %while3A_698 = %broadcast_in_dim3A_76) -> (vector<16xf32>, vector<16xf32>, vector<16xf32>, vector<16xf32>, vector<16xf32>, vector<16xf32>, vector<16xf32>, vector<16xf32>)  : i32 {
          %add3A_699 = arith.addi %sub3A_470, %while3A_690 : i32
          %get3A_700 = arith.constant 0 : i32
          %get3A_701 = arith.constant 0 : i32
          %get3A_702 = arith.index_cast %add3A_699 : i32 to index
          %get3A_703 = arith.index_cast %get3A_700 : i32 to index
          %get3A_704 = arith.index_cast %get3A_701 : i32 to index
          %get3A_705 = arith.constant 0 : index
          %get3A_706 = tpu.vector_load %arg6[%get3A_702, %get3A_703, %get3A_704, %get3A_705] {strides = array<i32>} : memref<256x1x8x16xf32, #tpu.memory_space<vmem>>, vector<1x1x1x16xf32>,
          %get3A_707 = vector.shape_cast %get3A_706 : vector<1x1x1x16xf32> to vector<16xf32>
          %add3A_708 = arith.addf %while3A_691, %get3A_707 : vector<16xf32>
          %get3A_709 = arith.constant 0 : i32
          %get3A_710 = arith.constant 1 : i32
          %get3A_711 = arith.index_cast %add3A_699 : i32 to index
          %get3A_712 = arith.index_cast %get3A_709 : i32 to index
          %get3A_713 = arith.index_cast %get3A_710 : i32 to index
          %get3A_714 = arith.constant 0 : index
          %get3A_715 = tpu.vector_load %arg6[%get3A_711, %get3A_712, %get3A_713, %get3A_714] {strides = array<i32>} : memref<256x1x8x16xf32, #tpu.memory_space<vmem>>, vector<1x1x1x16xf32>,
          %get3A_716 = vector.shape_cast %get3A_715 : vector<1x1x1x16xf32> to vector<16xf32>
          %add3A_717 = arith.addf %while3A_692, %get3A_716 : vector<16xf32>
          %get3A_718 = arith.constant 0 : i32
          %get3A_719 = arith.constant 2 : i32
          %get3A_720 = arith.index_cast %add3A_699 : i32 to index
          %get3A_721 = arith.index_cast %get3A_718 : i32 to index
          %get3A_722 = arith.index_cast %get3A_719 : i32 to index
          %get3A_723 = arith.constant 0 : index
          %get3A_724 = tpu.vector_load %arg6[%get3A_720, %get3A_721, %get3A_722, %get3A_723] {strides = array<i32>} : memref<256x1x8x16xf32, #tpu.memory_space<vmem>>, vector<1x1x1x16xf32>,
          %get3A_725 = vector.shape_cast %get3A_724 : vector<1x1x1x16xf32> to vector<16xf32>
          %add3A_726 = arith.addf %while3A_693, %get3A_725 : vector<16xf32>
          %get3A_727 = arith.constant 0 : i32
          %get3A_728 = arith.constant 3 : i32
          %get3A_729 = arith.index_cast %add3A_699 : i32 to index
          %get3A_730 = arith.index_cast %get3A_727 : i32 to index
          %get3A_731 = arith.index_cast %get3A_728 : i32 to index
          %get3A_732 = arith.constant 0 : index
          %get3A_733 = tpu.vector_load %arg6[%get3A_729, %get3A_730, %get3A_731, %get3A_732] {strides = array<i32>} : memref<256x1x8x16xf32, #tpu.memory_space<vmem>>, vector<1x1x1x16xf32>,
          %get3A_734 = vector.shape_cast %get3A_733 : vector<1x1x1x16xf32> to vector<16xf32>
          %add3A_735 = arith.addf %while3A_694, %get3A_734 : vector<16xf32>
          %get3A_736 = arith.constant 0 : i32
          %get3A_737 = arith.constant 4 : i32
          %get3A_738 = arith.index_cast %add3A_699 : i32 to index
          %get3A_739 = arith.index_cast %get3A_736 : i32 to index
          %get3A_740 = arith.index_cast %get3A_737 : i32 to index
          %get3A_741 = arith.constant 0 : index
          %get3A_742 = tpu.vector_load %arg6[%get3A_738, %get3A_739, %get3A_740, %get3A_741] {strides = array<i32>} : memref<256x1x8x16xf32, #tpu.memory_space<vmem>>, vector<1x1x1x16xf32>,
          %get3A_743 = vector.shape_cast %get3A_742 : vector<1x1x1x16xf32> to vector<16xf32>
          %add3A_744 = arith.addf %while3A_695, %get3A_743 : vector<16xf32>
          %get3A_745 = arith.constant 0 : i32
          %get3A_746 = arith.constant 5 : i32
          %get3A_747 = arith.index_cast %add3A_699 : i32 to index
          %get3A_748 = arith.index_cast %get3A_745 : i32 to index
          %get3A_749 = arith.index_cast %get3A_746 : i32 to index
          %get3A_750 = arith.constant 0 : index
          %get3A_751 = tpu.vector_load %arg6[%get3A_747, %get3A_748, %get3A_749, %get3A_750] {strides = array<i32>} : memref<256x1x8x16xf32, #tpu.memory_space<vmem>>, vector<1x1x1x16xf32>,
          %get3A_752 = vector.shape_cast %get3A_751 : vector<1x1x1x16xf32> to vector<16xf32>
          %add3A_753 = arith.addf %while3A_696, %get3A_752 : vector<16xf32>
          %get3A_754 = arith.constant 0 : i32
          %get3A_755 = arith.constant 6 : i32
          %get3A_756 = arith.index_cast %add3A_699 : i32 to index
          %get3A_757 = arith.index_cast %get3A_754 : i32 to index
          %get3A_758 = arith.index_cast %get3A_755 : i32 to index
          %get3A_759 = arith.constant 0 : index
          %get3A_760 = tpu.vector_load %arg6[%get3A_756, %get3A_757, %get3A_758, %get3A_759] {strides = array<i32>} : memref<256x1x8x16xf32, #tpu.memory_space<vmem>>, vector<1x1x1x16xf32>,
          %get3A_761 = vector.shape_cast %get3A_760 : vector<1x1x1x16xf32> to vector<16xf32>
          %add3A_762 = arith.addf %while3A_697, %get3A_761 : vector<16xf32>
          %get3A_763 = arith.constant 0 : i32
          %get3A_764 = arith.constant 7 : i32
          %get3A_765 = arith.index_cast %add3A_699 : i32 to index
          %get3A_766 = arith.index_cast %get3A_763 : i32 to index
          %get3A_767 = arith.index_cast %get3A_764 : i32 to index
          %get3A_768 = arith.constant 0 : index
          %get3A_769 = tpu.vector_load %arg6[%get3A_765, %get3A_766, %get3A_767, %get3A_768] {strides = array<i32>} : memref<256x1x8x16xf32, #tpu.memory_space<vmem>>, vector<1x1x1x16xf32>,
          %get3A_770 = vector.shape_cast %get3A_769 : vector<1x1x1x16xf32> to vector<16xf32>
          %add3A_771 = arith.addf %while3A_698, %get3A_770 : vector<16xf32>
          scf.yield %add3A_708, %add3A_717, %add3A_726, %add3A_735, %add3A_744, %add3A_753, %add3A_762, %add3A_771 : vector<16xf32>, vector<16xf32>, vector<16xf32>, vector<16xf32>, vector<16xf32>, vector<16xf32>, vector<16xf32>, vector<16xf32>
        }
        %while3A_665 = arith.constant 1 : i32
        %while3A_666:8 = scf.for %while3A_690 = %while3A_662 to %while3A_658 step %while3A_665 iter_args(%while3A_691 = %while3A_664#0, %while3A_692 = %while3A_664#1, %while3A_693 = %while3A_664#2, %while3A_694 = %while3A_664#3, %while3A_695 = %while3A_664#4, %while3A_696 = %while3A_664#5, %while3A_697 = %while3A_664#6, %while3A_698 = %while3A_664#7) -> (vector<16xf32>, vector<16xf32>, vector<16xf32>, vector<16xf32>, vector<16xf32>, vector<16xf32>, vector<16xf32>, vector<16xf32>)  : i32 {
          %add3A_699 = arith.addi %sub3A_470, %while3A_690 : i32
          %get3A_700 = arith.constant 0 : i32
          %get3A_701 = arith.constant 0 : i32
          %get3A_702 = arith.index_cast %add3A_699 : i32 to index
          %get3A_703 = arith.index_cast %get3A_700 : i32 to index
          %get3A_704 = arith.index_cast %get3A_701 : i32 to index
          %get3A_705 = arith.constant 0 : index
          %get3A_706 = tpu.vector_load %arg6[%get3A_702, %get3A_703, %get3A_704, %get3A_705] {strides = array<i32>} : memref<256x1x8x16xf32, #tpu.memory_space<vmem>>, vector<1x1x1x16xf32>,
          %get3A_707 = vector.shape_cast %get3A_706 : vector<1x1x1x16xf32> to vector<16xf32>
          %add3A_708 = arith.addf %while3A_691, %get3A_707 : vector<16xf32>
          %get3A_709 = arith.constant 0 : i32
          %get3A_710 = arith.constant 1 : i32
          %get3A_711 = arith.index_cast %add3A_699 : i32 to index
          %get3A_712 = arith.index_cast %get3A_709 : i32 to index
          %get3A_713 = arith.index_cast %get3A_710 : i32 to index
          %get3A_714 = arith.constant 0 : index
          %get3A_715 = tpu.vector_load %arg6[%get3A_711, %get3A_712, %get3A_713, %get3A_714] {strides = array<i32>} : memref<256x1x8x16xf32, #tpu.memory_space<vmem>>, vector<1x1x1x16xf32>,
          %get3A_716 = vector.shape_cast %get3A_715 : vector<1x1x1x16xf32> to vector<16xf32>
          %add3A_717 = arith.addf %while3A_692, %get3A_716 : vector<16xf32>
          %get3A_718 = arith.constant 0 : i32
          %get3A_719 = arith.constant 2 : i32
          %get3A_720 = arith.index_cast %add3A_699 : i32 to index
          %get3A_721 = arith.index_cast %get3A_718 : i32 to index
          %get3A_722 = arith.index_cast %get3A_719 : i32 to index
          %get3A_723 = arith.constant 0 : index
          %get3A_724 = tpu.vector_load %arg6[%get3A_720, %get3A_721, %get3A_722, %get3A_723] {strides = array<i32>} : memref<256x1x8x16xf32, #tpu.memory_space<vmem>>, vector<1x1x1x16xf32>,
          %get3A_725 = vector.shape_cast %get3A_724 : vector<1x1x1x16xf32> to vector<16xf32>
          %add3A_726 = arith.addf %while3A_693, %get3A_725 : vector<16xf32>
          %get3A_727 = arith.constant 0 : i32
          %get3A_728 = arith.constant 3 : i32
          %get3A_729 = arith.index_cast %add3A_699 : i32 to index
          %get3A_730 = arith.index_cast %get3A_727 : i32 to index
          %get3A_731 = arith.index_cast %get3A_728 : i32 to index
          %get3A_732 = arith.constant 0 : index
          %get3A_733 = tpu.vector_load %arg6[%get3A_729, %get3A_730, %get3A_731, %get3A_732] {strides = array<i32>} : memref<256x1x8x16xf32, #tpu.memory_space<vmem>>, vector<1x1x1x16xf32>,
          %get3A_734 = vector.shape_cast %get3A_733 : vector<1x1x1x16xf32> to vector<16xf32>
          %add3A_735 = arith.addf %while3A_694, %get3A_734 : vector<16xf32>
          %get3A_736 = arith.constant 0 : i32
          %get3A_737 = arith.constant 4 : i32
          %get3A_738 = arith.index_cast %add3A_699 : i32 to index
          %get3A_739 = arith.index_cast %get3A_736 : i32 to index
          %get3A_740 = arith.index_cast %get3A_737 : i32 to index
          %get3A_741 = arith.constant 0 : index
          %get3A_742 = tpu.vector_load %arg6[%get3A_738, %get3A_739, %get3A_740, %get3A_741] {strides = array<i32>} : memref<256x1x8x16xf32, #tpu.memory_space<vmem>>, vector<1x1x1x16xf32>,
          %get3A_743 = vector.shape_cast %get3A_742 : vector<1x1x1x16xf32> to vector<16xf32>
          %add3A_744 = arith.addf %while3A_695, %get3A_743 : vector<16xf32>
          %get3A_745 = arith.constant 0 : i32
          %get3A_746 = arith.constant 5 : i32
          %get3A_747 = arith.index_cast %add3A_699 : i32 to index
          %get3A_748 = arith.index_cast %get3A_745 : i32 to index
          %get3A_749 = arith.index_cast %get3A_746 : i32 to index
          %get3A_750 = arith.constant 0 : index
          %get3A_751 = tpu.vector_load %arg6[%get3A_747, %get3A_748, %get3A_749, %get3A_750] {strides = array<i32>} : memref<256x1x8x16xf32, #tpu.memory_space<vmem>>, vector<1x1x1x16xf32>,
          %get3A_752 = vector.shape_cast %get3A_751 : vector<1x1x1x16xf32> to vector<16xf32>
          %add3A_753 = arith.addf %while3A_696, %get3A_752 : vector<16xf32>
          %get3A_754 = arith.constant 0 : i32
          %get3A_755 = arith.constant 6 : i32
          %get3A_756 = arith.index_cast %add3A_699 : i32 to index
          %get3A_757 = arith.index_cast %get3A_754 : i32 to index
          %get3A_758 = arith.index_cast %get3A_755 : i32 to index
          %get3A_759 = arith.constant 0 : index
          %get3A_760 = tpu.vector_load %arg6[%get3A_756, %get3A_757, %get3A_758, %get3A_759] {strides = array<i32>} : memref<256x1x8x16xf32, #tpu.memory_space<vmem>>, vector<1x1x1x16xf32>,
          %get3A_761 = vector.shape_cast %get3A_760 : vector<1x1x1x16xf32> to vector<16xf32>
          %add3A_762 = arith.addf %while3A_697, %get3A_761 : vector<16xf32>
          %get3A_763 = arith.constant 0 : i32
          %get3A_764 = arith.constant 7 : i32
          %get3A_765 = arith.index_cast %add3A_699 : i32 to index
          %get3A_766 = arith.index_cast %get3A_763 : i32 to index
          %get3A_767 = arith.index_cast %get3A_764 : i32 to index
          %get3A_768 = arith.constant 0 : index
          %get3A_769 = tpu.vector_load %arg6[%get3A_765, %get3A_766, %get3A_767, %get3A_768] {strides = array<i32>} : memref<256x1x8x16xf32, #tpu.memory_space<vmem>>, vector<1x1x1x16xf32>,
          %get3A_770 = vector.shape_cast %get3A_769 : vector<1x1x1x16xf32> to vector<16xf32>
          %add3A_771 = arith.addf %while3A_698, %get3A_770 : vector<16xf32>
          scf.yield %add3A_708, %add3A_717, %add3A_726, %add3A_735, %add3A_744, %add3A_753, %add3A_762, %add3A_771 : vector<16xf32>, vector<16xf32>, vector<16xf32>, vector<16xf32>, vector<16xf32>, vector<16xf32>, vector<16xf32>, vector<16xf32>
        }
        %add3A_667 = arith.addf %while3A_666#0, %while3A_666#1 : vector<16xf32>
        %add3A_668 = arith.addf %while3A_666#2, %while3A_666#3 : vector<16xf32>
        %add3A_669 = arith.addf %add3A_667, %add3A_668 : vector<16xf32>
        %add3A_670 = arith.addf %while3A_666#4, %while3A_666#5 : vector<16xf32>
        %add3A_671 = arith.addf %while3A_666#6, %while3A_666#7 : vector<16xf32>
        %add3A_672 = arith.addf %add3A_670, %add3A_671 : vector<16xf32>
        %add3A_673 = arith.addf %add3A_669, %add3A_672 : vector<16xf32>
        %while3A_674 = arith.subi %min3A_631, %max3A_643 : i32
        %while3A_675 = arith.addi %max3A_643, %while3A_674 : i32
        %while3A_676 = arith.constant 1 : i32
        %while3A_677 = arith.divsi %while3A_674, %while3A_676 : i32
        %while3A_678 = arith.muli %while3A_677, %while3A_676 : i32
        %while3A_679 = arith.addi %max3A_643, %while3A_678 : i32
        %while3A_680 = arith.constant 1 : i32
        %while3A_681 = scf.for %while3A_690 = %max3A_643 to %while3A_679 step %while3A_680 iter_args(%while3A_691 = %add3A_673) -> (vector<16xf32>)  : i32 {
          %shift_right_arithmetic3A_692 = arith.constant 3 : i32
          %shift_right_arithmetic3A_693 = arith.shrsi %while3A_690, %shift_right_arithmetic3A_692 : i32
          %add3A_694 = arith.addi %sub3A_470, %shift_right_arithmetic3A_693 : i32
          %and3A_695 = arith.constant 7 : i32
          %and3A_696 = arith.andi %while3A_690, %and3A_695 : i32
          %get3A_697 = arith.constant 0 : i32
          %get3A_698 = arith.index_cast %add3A_694 : i32 to index
          %get3A_699 = arith.index_cast %get3A_697 : i32 to index
          %get3A_700 = arith.index_cast %and3A_696 : i32 to index
          %get3A_701 = arith.constant 0 : index
          %get3A_702 = tpu.vector_load %arg6[%get3A_698, %get3A_699, %get3A_700, %get3A_701] {strides = array<i32>} : memref<256x1x8x16xf32, #tpu.memory_space<vmem>>, vector<1x1x1x16xf32>,
          %get3A_703 = vector.shape_cast %get3A_702 : vector<1x1x1x16xf32> to vector<16xf32>
          %add3A_704 = arith.addf %while3A_691, %get3A_703 : vector<16xf32>
          scf.yield %add3A_704 : vector<16xf32>
        }
        %while3A_682 = arith.constant 1 : i32
        %while3A_683 = scf.for %while3A_690 = %while3A_679 to %while3A_675 step %while3A_682 iter_args(%while3A_691 = %while3A_681) -> (vector<16xf32>)  : i32 {
          %shift_right_arithmetic3A_692 = arith.constant 3 : i32
          %shift_right_arithmetic3A_693 = arith.shrsi %while3A_690, %shift_right_arithmetic3A_692 : i32
          %add3A_694 = arith.addi %sub3A_470, %shift_right_arithmetic3A_693 : i32
          %and3A_695 = arith.constant 7 : i32
          %and3A_696 = arith.andi %while3A_690, %and3A_695 : i32
          %get3A_697 = arith.constant 0 : i32
          %get3A_698 = arith.index_cast %add3A_694 : i32 to index
          %get3A_699 = arith.index_cast %get3A_697 : i32 to index
          %get3A_700 = arith.index_cast %and3A_696 : i32 to index
          %get3A_701 = arith.constant 0 : index
          %get3A_702 = tpu.vector_load %arg6[%get3A_698, %get3A_699, %get3A_700, %get3A_701] {strides = array<i32>} : memref<256x1x8x16xf32, #tpu.memory_space<vmem>>, vector<1x1x1x16xf32>,
          %get3A_703 = vector.shape_cast %get3A_702 : vector<1x1x1x16xf32> to vector<16xf32>
          %add3A_704 = arith.addf %while3A_691, %get3A_703 : vector<16xf32>
          scf.yield %add3A_704 : vector<16xf32>
        }
        %add3A_684 = arith.addf %get3A_635, %while3A_683 : vector<16xf32>
        %swap3A_685 = arith.index_cast %while3A_585 : i32 to index
        %swap3A_686 = arith.constant 0 : index
        %swap3A_687 = tpu.vector_load %arg7[%swap3A_685, %swap3A_686] {strides = array<i32>} : memref<16x16xf32, #tpu.memory_space<vmem>>, vector<1x16xf32>,
        %swap3A_688 = vector.shape_cast %swap3A_687 : vector<1x16xf32> to vector<16xf32>
        %swap3A_689 = vector.shape_cast %add3A_684 : vector<16xf32> to vector<1x16xf32>
        tpu.vector_store %arg7[%swap3A_685, %swap3A_686], %swap3A_689 {strides = array<i32>} : memref<16x16xf32, #tpu.memory_space<vmem>>, vector<1x16xf32>,
        scf.yield %min3A_631 : i32
      }
      %while3A_577 = arith.constant 1 : i32
      %while3A_578 = scf.for %while3A_585 = %while3A_574 to %while3A_570 step %while3A_577 iter_args(%while3A_586 = %while3A_576) -> (i32)  : i32 {
        %eq3A = arith.constant 1 : i32
        %eq3A_587 = arith.cmpi eq, %while3A_585, %eq3A : i32
        %select_n3A_588 = arith.select %eq3A_587, %add3A_11, %add3A_8 : i32
        %eq3A_589 = arith.constant 2 : i32
        %eq3A_590 = arith.cmpi eq, %while3A_585, %eq3A_589 : i32
        %select_n3A_591 = arith.select %eq3A_590, %add3A_14, %select_n3A_588 : i32
        %eq3A_592 = arith.constant 3 : i32
        %eq3A_593 = arith.cmpi eq, %while3A_585, %eq3A_592 : i32
        %select_n3A_594 = arith.select %eq3A_593, %add3A_17, %select_n3A_591 : i32
        %eq3A_595 = arith.constant 4 : i32
        %eq3A_596 = arith.cmpi eq, %while3A_585, %eq3A_595 : i32
        %select_n3A_597 = arith.select %eq3A_596, %add3A_20, %select_n3A_594 : i32
        %eq3A_598 = arith.constant 5 : i32
        %eq3A_599 = arith.cmpi eq, %while3A_585, %eq3A_598 : i32
        %select_n3A_600 = arith.select %eq3A_599, %add3A_23, %select_n3A_597 : i32
        %eq3A_601 = arith.constant 6 : i32
        %eq3A_602 = arith.cmpi eq, %while3A_585, %eq3A_601 : i32
        %select_n3A_603 = arith.select %eq3A_602, %add3A_26, %select_n3A_600 : i32
        %eq3A_604 = arith.constant 7 : i32
        %eq3A_605 = arith.cmpi eq, %while3A_585, %eq3A_604 : i32
        %select_n3A_606 = arith.select %eq3A_605, %add3A_29, %select_n3A_603 : i32
        %eq3A_607 = arith.constant 8 : i32
        %eq3A_608 = arith.cmpi eq, %while3A_585, %eq3A_607 : i32
        %select_n3A_609 = arith.select %eq3A_608, %add3A_32, %select_n3A_606 : i32
        %eq3A_610 = arith.constant 9 : i32
        %eq3A_611 = arith.cmpi eq, %while3A_585, %eq3A_610 : i32
        %select_n3A_612 = arith.select %eq3A_611, %add3A_35, %select_n3A_609 : i32
        %eq3A_613 = arith.constant 10 : i32
        %eq3A_614 = arith.cmpi eq, %while3A_585, %eq3A_613 : i32
        %select_n3A_615 = arith.select %eq3A_614, %add3A_38, %select_n3A_612 : i32
        %eq3A_616 = arith.constant 11 : i32
        %eq3A_617 = arith.cmpi eq, %while3A_585, %eq3A_616 : i32
        %select_n3A_618 = arith.select %eq3A_617, %add3A_41, %select_n3A_615 : i32
        %eq3A_619 = arith.constant 12 : i32
        %eq3A_620 = arith.cmpi eq, %while3A_585, %eq3A_619 : i32
        %select_n3A_621 = arith.select %eq3A_620, %add3A_44, %select_n3A_618 : i32
        %eq3A_622 = arith.constant 13 : i32
        %eq3A_623 = arith.cmpi eq, %while3A_585, %eq3A_622 : i32
        %select_n3A_624 = arith.select %eq3A_623, %add3A_47, %select_n3A_621 : i32
        %eq3A_625 = arith.constant 14 : i32
        %eq3A_626 = arith.cmpi eq, %while3A_585, %eq3A_625 : i32
        %select_n3A_627 = arith.select %eq3A_626, %add3A_50, %select_n3A_624 : i32
        %eq3A_628 = arith.constant 15 : i32
        %eq3A_629 = arith.cmpi eq, %while3A_585, %eq3A_628 : i32
        %select_n3A_630 = arith.select %eq3A_629, %add3A_53, %select_n3A_627 : i32
        %max3A = arith.maxsi %select_n3A_630, %while3A_586 : i32
        %min3A_631 = arith.minsi %max3A, %min3A : i32
        %get3A_632 = arith.index_cast %while3A_585 : i32 to index
        %get3A_633 = arith.constant 0 : index
        %get3A_634 = tpu.vector_load %arg7[%get3A_632, %get3A_633] {strides = array<i32>} : memref<16x16xf32, #tpu.memory_space<vmem>>, vector<1x16xf32>,
        %get3A_635 = vector.shape_cast %get3A_634 : vector<1x16xf32> to vector<16xf32>
        %add3A_636 = arith.constant 7 : i32
        %add3A_637 = arith.addi %while3A_586, %add3A_636 : i32
        %and3A_638 = arith.constant -8 : i32
        %and3A_639 = arith.andi %add3A_637, %and3A_638 : i32
        %min3A_640 = arith.minsi %and3A_639, %min3A_631 : i32
        %and3A_641 = arith.constant -8 : i32
        %and3A_642 = arith.andi %min3A_631, %and3A_641 : i32
        %max3A_643 = arith.maxsi %and3A_642, %min3A_640 : i32
        %while3A_644 = arith.subi %min3A_640, %while3A_586 : i32
        %while3A_645 = arith.addi %while3A_586, %while3A_644 : i32
        %while3A_646 = arith.constant 1 : i32
        %while3A_647 = arith.divsi %while3A_644, %while3A_646 : i32
        %while3A_648 = arith.muli %while3A_647, %while3A_646 : i32
        %while3A_649 = arith.addi %while3A_586, %while3A_648 : i32
        %while3A_650 = arith.constant 1 : i32
        %while3A_651 = scf.for %while3A_690 = %while3A_586 to %while3A_649 step %while3A_650 iter_args(%while3A_691 = %broadcast_in_dim3A_76) -> (vector<16xf32>)  : i32 {
          %shift_right_arithmetic3A_692 = arith.constant 3 : i32
          %shift_right_arithmetic3A_693 = arith.shrsi %while3A_690, %shift_right_arithmetic3A_692 : i32
          %add3A_694 = arith.addi %sub3A_470, %shift_right_arithmetic3A_693 : i32
          %and3A_695 = arith.constant 7 : i32
          %and3A_696 = arith.andi %while3A_690, %and3A_695 : i32
          %get3A_697 = arith.constant 0 : i32
          %get3A_698 = arith.index_cast %add3A_694 : i32 to index
          %get3A_699 = arith.index_cast %get3A_697 : i32 to index
          %get3A_700 = arith.index_cast %and3A_696 : i32 to index
          %get3A_701 = arith.constant 0 : index
          %get3A_702 = tpu.vector_load %arg6[%get3A_698, %get3A_699, %get3A_700, %get3A_701] {strides = array<i32>} : memref<256x1x8x16xf32, #tpu.memory_space<vmem>>, vector<1x1x1x16xf32>,
          %get3A_703 = vector.shape_cast %get3A_702 : vector<1x1x1x16xf32> to vector<16xf32>
          %add3A_704 = arith.addf %while3A_691, %get3A_703 : vector<16xf32>
          scf.yield %add3A_704 : vector<16xf32>
        }
        %while3A_652 = arith.constant 1 : i32
        %while3A_653 = scf.for %while3A_690 = %while3A_649 to %while3A_645 step %while3A_652 iter_args(%while3A_691 = %while3A_651) -> (vector<16xf32>)  : i32 {
          %shift_right_arithmetic3A_692 = arith.constant 3 : i32
          %shift_right_arithmetic3A_693 = arith.shrsi %while3A_690, %shift_right_arithmetic3A_692 : i32
          %add3A_694 = arith.addi %sub3A_470, %shift_right_arithmetic3A_693 : i32
          %and3A_695 = arith.constant 7 : i32
          %and3A_696 = arith.andi %while3A_690, %and3A_695 : i32
          %get3A_697 = arith.constant 0 : i32
          %get3A_698 = arith.index_cast %add3A_694 : i32 to index
          %get3A_699 = arith.index_cast %get3A_697 : i32 to index
          %get3A_700 = arith.index_cast %and3A_696 : i32 to index
          %get3A_701 = arith.constant 0 : index
          %get3A_702 = tpu.vector_load %arg6[%get3A_698, %get3A_699, %get3A_700, %get3A_701] {strides = array<i32>} : memref<256x1x8x16xf32, #tpu.memory_space<vmem>>, vector<1x1x1x16xf32>,
          %get3A_703 = vector.shape_cast %get3A_702 : vector<1x1x1x16xf32> to vector<16xf32>
          %add3A_704 = arith.addf %while3A_691, %get3A_703 : vector<16xf32>
          scf.yield %add3A_704 : vector<16xf32>
        }
        %shift_right_arithmetic3A = arith.constant 3 : i32
        %shift_right_arithmetic3A_654 = arith.shrsi %min3A_640, %shift_right_arithmetic3A : i32
        %shift_right_arithmetic3A_655 = arith.constant 3 : i32
        %shift_right_arithmetic3A_656 = arith.shrsi %max3A_643, %shift_right_arithmetic3A_655 : i32
        %while3A_657 = arith.subi %shift_right_arithmetic3A_656, %shift_right_arithmetic3A_654 : i32
        %while3A_658 = arith.addi %shift_right_arithmetic3A_654, %while3A_657 : i32
        %while3A_659 = arith.constant 1 : i32
        %while3A_660 = arith.divsi %while3A_657, %while3A_659 : i32
        %while3A_661 = arith.muli %while3A_660, %while3A_659 : i32
        %while3A_662 = arith.addi %shift_right_arithmetic3A_654, %while3A_661 : i32
        %while3A_663 = arith.constant 1 : i32
        %while3A_664:8 = scf.for %while3A_690 = %shift_right_arithmetic3A_654 to %while3A_662 step %while3A_663 iter_args(%while3A_691 = %while3A_653, %while3A_692 = %broadcast_in_dim3A_76, %while3A_693 = %broadcast_in_dim3A_76, %while3A_694 = %broadcast_in_dim3A_76, %while3A_695 = %broadcast_in_dim3A_76, %while3A_696 = %broadcast_in_dim3A_76, %while3A_697 = %broadcast_in_dim3A_76, %while3A_698 = %broadcast_in_dim3A_76) -> (vector<16xf32>, vector<16xf32>, vector<16xf32>, vector<16xf32>, vector<16xf32>, vector<16xf32>, vector<16xf32>, vector<16xf32>)  : i32 {
          %add3A_699 = arith.addi %sub3A_470, %while3A_690 : i32
          %get3A_700 = arith.constant 0 : i32
          %get3A_701 = arith.constant 0 : i32
          %get3A_702 = arith.index_cast %add3A_699 : i32 to index
          %get3A_703 = arith.index_cast %get3A_700 : i32 to index
          %get3A_704 = arith.index_cast %get3A_701 : i32 to index
          %get3A_705 = arith.constant 0 : index
          %get3A_706 = tpu.vector_load %arg6[%get3A_702, %get3A_703, %get3A_704, %get3A_705] {strides = array<i32>} : memref<256x1x8x16xf32, #tpu.memory_space<vmem>>, vector<1x1x1x16xf32>,
          %get3A_707 = vector.shape_cast %get3A_706 : vector<1x1x1x16xf32> to vector<16xf32>
          %add3A_708 = arith.addf %while3A_691, %get3A_707 : vector<16xf32>
          %get3A_709 = arith.constant 0 : i32
          %get3A_710 = arith.constant 1 : i32
          %get3A_711 = arith.index_cast %add3A_699 : i32 to index
          %get3A_712 = arith.index_cast %get3A_709 : i32 to index
          %get3A_713 = arith.index_cast %get3A_710 : i32 to index
          %get3A_714 = arith.constant 0 : index
          %get3A_715 = tpu.vector_load %arg6[%get3A_711, %get3A_712, %get3A_713, %get3A_714] {strides = array<i32>} : memref<256x1x8x16xf32, #tpu.memory_space<vmem>>, vector<1x1x1x16xf32>,
          %get3A_716 = vector.shape_cast %get3A_715 : vector<1x1x1x16xf32> to vector<16xf32>
          %add3A_717 = arith.addf %while3A_692, %get3A_716 : vector<16xf32>
          %get3A_718 = arith.constant 0 : i32
          %get3A_719 = arith.constant 2 : i32
          %get3A_720 = arith.index_cast %add3A_699 : i32 to index
          %get3A_721 = arith.index_cast %get3A_718 : i32 to index
          %get3A_722 = arith.index_cast %get3A_719 : i32 to index
          %get3A_723 = arith.constant 0 : index
          %get3A_724 = tpu.vector_load %arg6[%get3A_720, %get3A_721, %get3A_722, %get3A_723] {strides = array<i32>} : memref<256x1x8x16xf32, #tpu.memory_space<vmem>>, vector<1x1x1x16xf32>,
          %get3A_725 = vector.shape_cast %get3A_724 : vector<1x1x1x16xf32> to vector<16xf32>
          %add3A_726 = arith.addf %while3A_693, %get3A_725 : vector<16xf32>
          %get3A_727 = arith.constant 0 : i32
          %get3A_728 = arith.constant 3 : i32
          %get3A_729 = arith.index_cast %add3A_699 : i32 to index
          %get3A_730 = arith.index_cast %get3A_727 : i32 to index
          %get3A_731 = arith.index_cast %get3A_728 : i32 to index
          %get3A_732 = arith.constant 0 : index
          %get3A_733 = tpu.vector_load %arg6[%get3A_729, %get3A_730, %get3A_731, %get3A_732] {strides = array<i32>} : memref<256x1x8x16xf32, #tpu.memory_space<vmem>>, vector<1x1x1x16xf32>,
          %get3A_734 = vector.shape_cast %get3A_733 : vector<1x1x1x16xf32> to vector<16xf32>
          %add3A_735 = arith.addf %while3A_694, %get3A_734 : vector<16xf32>
          %get3A_736 = arith.constant 0 : i32
          %get3A_737 = arith.constant 4 : i32
          %get3A_738 = arith.index_cast %add3A_699 : i32 to index
          %get3A_739 = arith.index_cast %get3A_736 : i32 to index
          %get3A_740 = arith.index_cast %get3A_737 : i32 to index
          %get3A_741 = arith.constant 0 : index
          %get3A_742 = tpu.vector_load %arg6[%get3A_738, %get3A_739, %get3A_740, %get3A_741] {strides = array<i32>} : memref<256x1x8x16xf32, #tpu.memory_space<vmem>>, vector<1x1x1x16xf32>,
          %get3A_743 = vector.shape_cast %get3A_742 : vector<1x1x1x16xf32> to vector<16xf32>
          %add3A_744 = arith.addf %while3A_695, %get3A_743 : vector<16xf32>
          %get3A_745 = arith.constant 0 : i32
          %get3A_746 = arith.constant 5 : i32
          %get3A_747 = arith.index_cast %add3A_699 : i32 to index
          %get3A_748 = arith.index_cast %get3A_745 : i32 to index
          %get3A_749 = arith.index_cast %get3A_746 : i32 to index
          %get3A_750 = arith.constant 0 : index
          %get3A_751 = tpu.vector_load %arg6[%get3A_747, %get3A_748, %get3A_749, %get3A_750] {strides = array<i32>} : memref<256x1x8x16xf32, #tpu.memory_space<vmem>>, vector<1x1x1x16xf32>,
          %get3A_752 = vector.shape_cast %get3A_751 : vector<1x1x1x16xf32> to vector<16xf32>
          %add3A_753 = arith.addf %while3A_696, %get3A_752 : vector<16xf32>
          %get3A_754 = arith.constant 0 : i32
          %get3A_755 = arith.constant 6 : i32
          %get3A_756 = arith.index_cast %add3A_699 : i32 to index
          %get3A_757 = arith.index_cast %get3A_754 : i32 to index
          %get3A_758 = arith.index_cast %get3A_755 : i32 to index
          %get3A_759 = arith.constant 0 : index
          %get3A_760 = tpu.vector_load %arg6[%get3A_756, %get3A_757, %get3A_758, %get3A_759] {strides = array<i32>} : memref<256x1x8x16xf32, #tpu.memory_space<vmem>>, vector<1x1x1x16xf32>,
          %get3A_761 = vector.shape_cast %get3A_760 : vector<1x1x1x16xf32> to vector<16xf32>
          %add3A_762 = arith.addf %while3A_697, %get3A_761 : vector<16xf32>
          %get3A_763 = arith.constant 0 : i32
          %get3A_764 = arith.constant 7 : i32
          %get3A_765 = arith.index_cast %add3A_699 : i32 to index
          %get3A_766 = arith.index_cast %get3A_763 : i32 to index
          %get3A_767 = arith.index_cast %get3A_764 : i32 to index
          %get3A_768 = arith.constant 0 : index
          %get3A_769 = tpu.vector_load %arg6[%get3A_765, %get3A_766, %get3A_767, %get3A_768] {strides = array<i32>} : memref<256x1x8x16xf32, #tpu.memory_space<vmem>>, vector<1x1x1x16xf32>,
          %get3A_770 = vector.shape_cast %get3A_769 : vector<1x1x1x16xf32> to vector<16xf32>
          %add3A_771 = arith.addf %while3A_698, %get3A_770 : vector<16xf32>
          scf.yield %add3A_708, %add3A_717, %add3A_726, %add3A_735, %add3A_744, %add3A_753, %add3A_762, %add3A_771 : vector<16xf32>, vector<16xf32>, vector<16xf32>, vector<16xf32>, vector<16xf32>, vector<16xf32>, vector<16xf32>, vector<16xf32>
        }
        %while3A_665 = arith.constant 1 : i32
        %while3A_666:8 = scf.for %while3A_690 = %while3A_662 to %while3A_658 step %while3A_665 iter_args(%while3A_691 = %while3A_664#0, %while3A_692 = %while3A_664#1, %while3A_693 = %while3A_664#2, %while3A_694 = %while3A_664#3, %while3A_695 = %while3A_664#4, %while3A_696 = %while3A_664#5, %while3A_697 = %while3A_664#6, %while3A_698 = %while3A_664#7) -> (vector<16xf32>, vector<16xf32>, vector<16xf32>, vector<16xf32>, vector<16xf32>, vector<16xf32>, vector<16xf32>, vector<16xf32>)  : i32 {
          %add3A_699 = arith.addi %sub3A_470, %while3A_690 : i32
          %get3A_700 = arith.constant 0 : i32
          %get3A_701 = arith.constant 0 : i32
          %get3A_702 = arith.index_cast %add3A_699 : i32 to index
          %get3A_703 = arith.index_cast %get3A_700 : i32 to index
          %get3A_704 = arith.index_cast %get3A_701 : i32 to index
          %get3A_705 = arith.constant 0 : index
          %get3A_706 = tpu.vector_load %arg6[%get3A_702, %get3A_703, %get3A_704, %get3A_705] {strides = array<i32>} : memref<256x1x8x16xf32, #tpu.memory_space<vmem>>, vector<1x1x1x16xf32>,
          %get3A_707 = vector.shape_cast %get3A_706 : vector<1x1x1x16xf32> to vector<16xf32>
          %add3A_708 = arith.addf %while3A_691, %get3A_707 : vector<16xf32>
          %get3A_709 = arith.constant 0 : i32
          %get3A_710 = arith.constant 1 : i32
          %get3A_711 = arith.index_cast %add3A_699 : i32 to index
          %get3A_712 = arith.index_cast %get3A_709 : i32 to index
          %get3A_713 = arith.index_cast %get3A_710 : i32 to index
          %get3A_714 = arith.constant 0 : index
          %get3A_715 = tpu.vector_load %arg6[%get3A_711, %get3A_712, %get3A_713, %get3A_714] {strides = array<i32>} : memref<256x1x8x16xf32, #tpu.memory_space<vmem>>, vector<1x1x1x16xf32>,
          %get3A_716 = vector.shape_cast %get3A_715 : vector<1x1x1x16xf32> to vector<16xf32>
          %add3A_717 = arith.addf %while3A_692, %get3A_716 : vector<16xf32>
          %get3A_718 = arith.constant 0 : i32
          %get3A_719 = arith.constant 2 : i32
          %get3A_720 = arith.index_cast %add3A_699 : i32 to index
          %get3A_721 = arith.index_cast %get3A_718 : i32 to index
          %get3A_722 = arith.index_cast %get3A_719 : i32 to index
          %get3A_723 = arith.constant 0 : index
          %get3A_724 = tpu.vector_load %arg6[%get3A_720, %get3A_721, %get3A_722, %get3A_723] {strides = array<i32>} : memref<256x1x8x16xf32, #tpu.memory_space<vmem>>, vector<1x1x1x16xf32>,
          %get3A_725 = vector.shape_cast %get3A_724 : vector<1x1x1x16xf32> to vector<16xf32>
          %add3A_726 = arith.addf %while3A_693, %get3A_725 : vector<16xf32>
          %get3A_727 = arith.constant 0 : i32
          %get3A_728 = arith.constant 3 : i32
          %get3A_729 = arith.index_cast %add3A_699 : i32 to index
          %get3A_730 = arith.index_cast %get3A_727 : i32 to index
          %get3A_731 = arith.index_cast %get3A_728 : i32 to index
          %get3A_732 = arith.constant 0 : index
          %get3A_733 = tpu.vector_load %arg6[%get3A_729, %get3A_730, %get3A_731, %get3A_732] {strides = array<i32>} : memref<256x1x8x16xf32, #tpu.memory_space<vmem>>, vector<1x1x1x16xf32>,
          %get3A_734 = vector.shape_cast %get3A_733 : vector<1x1x1x16xf32> to vector<16xf32>
          %add3A_735 = arith.addf %while3A_694, %get3A_734 : vector<16xf32>
          %get3A_736 = arith.constant 0 : i32
          %get3A_737 = arith.constant 4 : i32
          %get3A_738 = arith.index_cast %add3A_699 : i32 to index
          %get3A_739 = arith.index_cast %get3A_736 : i32 to index
          %get3A_740 = arith.index_cast %get3A_737 : i32 to index
          %get3A_741 = arith.constant 0 : index
          %get3A_742 = tpu.vector_load %arg6[%get3A_738, %get3A_739, %get3A_740, %get3A_741] {strides = array<i32>} : memref<256x1x8x16xf32, #tpu.memory_space<vmem>>, vector<1x1x1x16xf32>,
          %get3A_743 = vector.shape_cast %get3A_742 : vector<1x1x1x16xf32> to vector<16xf32>
          %add3A_744 = arith.addf %while3A_695, %get3A_743 : vector<16xf32>
          %get3A_745 = arith.constant 0 : i32
          %get3A_746 = arith.constant 5 : i32
          %get3A_747 = arith.index_cast %add3A_699 : i32 to index
          %get3A_748 = arith.index_cast %get3A_745 : i32 to index
          %get3A_749 = arith.index_cast %get3A_746 : i32 to index
          %get3A_750 = arith.constant 0 : index
          %get3A_751 = tpu.vector_load %arg6[%get3A_747, %get3A_748, %get3A_749, %get3A_750] {strides = array<i32>} : memref<256x1x8x16xf32, #tpu.memory_space<vmem>>, vector<1x1x1x16xf32>,
          %get3A_752 = vector.shape_cast %get3A_751 : vector<1x1x1x16xf32> to vector<16xf32>
          %add3A_753 = arith.addf %while3A_696, %get3A_752 : vector<16xf32>
          %get3A_754 = arith.constant 0 : i32
          %get3A_755 = arith.constant 6 : i32
          %get3A_756 = arith.index_cast %add3A_699 : i32 to index
          %get3A_757 = arith.index_cast %get3A_754 : i32 to index
          %get3A_758 = arith.index_cast %get3A_755 : i32 to index
          %get3A_759 = arith.constant 0 : index
          %get3A_760 = tpu.vector_load %arg6[%get3A_756, %get3A_757, %get3A_758, %get3A_759] {strides = array<i32>} : memref<256x1x8x16xf32, #tpu.memory_space<vmem>>, vector<1x1x1x16xf32>,
          %get3A_761 = vector.shape_cast %get3A_760 : vector<1x1x1x16xf32> to vector<16xf32>
          %add3A_762 = arith.addf %while3A_697, %get3A_761 : vector<16xf32>
          %get3A_763 = arith.constant 0 : i32
          %get3A_764 = arith.constant 7 : i32
          %get3A_765 = arith.index_cast %add3A_699 : i32 to index
          %get3A_766 = arith.index_cast %get3A_763 : i32 to index
          %get3A_767 = arith.index_cast %get3A_764 : i32 to index
          %get3A_768 = arith.constant 0 : index
          %get3A_769 = tpu.vector_load %arg6[%get3A_765, %get3A_766, %get3A_767, %get3A_768] {strides = array<i32>} : memref<256x1x8x16xf32, #tpu.memory_space<vmem>>, vector<1x1x1x16xf32>,
          %get3A_770 = vector.shape_cast %get3A_769 : vector<1x1x1x16xf32> to vector<16xf32>
          %add3A_771 = arith.addf %while3A_698, %get3A_770 : vector<16xf32>
          scf.yield %add3A_708, %add3A_717, %add3A_726, %add3A_735, %add3A_744, %add3A_753, %add3A_762, %add3A_771 : vector<16xf32>, vector<16xf32>, vector<16xf32>, vector<16xf32>, vector<16xf32>, vector<16xf32>, vector<16xf32>, vector<16xf32>
        }
        %add3A_667 = arith.addf %while3A_666#0, %while3A_666#1 : vector<16xf32>
        %add3A_668 = arith.addf %while3A_666#2, %while3A_666#3 : vector<16xf32>
        %add3A_669 = arith.addf %add3A_667, %add3A_668 : vector<16xf32>
        %add3A_670 = arith.addf %while3A_666#4, %while3A_666#5 : vector<16xf32>
        %add3A_671 = arith.addf %while3A_666#6, %while3A_666#7 : vector<16xf32>
        %add3A_672 = arith.addf %add3A_670, %add3A_671 : vector<16xf32>
        %add3A_673 = arith.addf %add3A_669, %add3A_672 : vector<16xf32>
        %while3A_674 = arith.subi %min3A_631, %max3A_643 : i32
        %while3A_675 = arith.addi %max3A_643, %while3A_674 : i32
        %while3A_676 = arith.constant 1 : i32
        %while3A_677 = arith.divsi %while3A_674, %while3A_676 : i32
        %while3A_678 = arith.muli %while3A_677, %while3A_676 : i32
        %while3A_679 = arith.addi %max3A_643, %while3A_678 : i32
        %while3A_680 = arith.constant 1 : i32
        %while3A_681 = scf.for %while3A_690 = %max3A_643 to %while3A_679 step %while3A_680 iter_args(%while3A_691 = %add3A_673) -> (vector<16xf32>)  : i32 {
          %shift_right_arithmetic3A_692 = arith.constant 3 : i32
          %shift_right_arithmetic3A_693 = arith.shrsi %while3A_690, %shift_right_arithmetic3A_692 : i32
          %add3A_694 = arith.addi %sub3A_470, %shift_right_arithmetic3A_693 : i32
          %and3A_695 = arith.constant 7 : i32
          %and3A_696 = arith.andi %while3A_690, %and3A_695 : i32
          %get3A_697 = arith.constant 0 : i32
          %get3A_698 = arith.index_cast %add3A_694 : i32 to index
          %get3A_699 = arith.index_cast %get3A_697 : i32 to index
          %get3A_700 = arith.index_cast %and3A_696 : i32 to index
          %get3A_701 = arith.constant 0 : index
          %get3A_702 = tpu.vector_load %arg6[%get3A_698, %get3A_699, %get3A_700, %get3A_701] {strides = array<i32>} : memref<256x1x8x16xf32, #tpu.memory_space<vmem>>, vector<1x1x1x16xf32>,
          %get3A_703 = vector.shape_cast %get3A_702 : vector<1x1x1x16xf32> to vector<16xf32>
          %add3A_704 = arith.addf %while3A_691, %get3A_703 : vector<16xf32>
          scf.yield %add3A_704 : vector<16xf32>
        }
        %while3A_682 = arith.constant 1 : i32
        %while3A_683 = scf.for %while3A_690 = %while3A_679 to %while3A_675 step %while3A_682 iter_args(%while3A_691 = %while3A_681) -> (vector<16xf32>)  : i32 {
          %shift_right_arithmetic3A_692 = arith.constant 3 : i32
          %shift_right_arithmetic3A_693 = arith.shrsi %while3A_690, %shift_right_arithmetic3A_692 : i32
          %add3A_694 = arith.addi %sub3A_470, %shift_right_arithmetic3A_693 : i32
          %and3A_695 = arith.constant 7 : i32
          %and3A_696 = arith.andi %while3A_690, %and3A_695 : i32
          %get3A_697 = arith.constant 0 : i32
          %get3A_698 = arith.index_cast %add3A_694 : i32 to index
          %get3A_699 = arith.index_cast %get3A_697 : i32 to index
          %get3A_700 = arith.index_cast %and3A_696 : i32 to index
          %get3A_701 = arith.constant 0 : index
          %get3A_702 = tpu.vector_load %arg6[%get3A_698, %get3A_699, %get3A_700, %get3A_701] {strides = array<i32>} : memref<256x1x8x16xf32, #tpu.memory_space<vmem>>, vector<1x1x1x16xf32>,
          %get3A_703 = vector.shape_cast %get3A_702 : vector<1x1x1x16xf32> to vector<16xf32>
          %add3A_704 = arith.addf %while3A_691, %get3A_703 : vector<16xf32>
          scf.yield %add3A_704 : vector<16xf32>
        }
        %add3A_684 = arith.addf %get3A_635, %while3A_683 : vector<16xf32>
        %swap3A_685 = arith.index_cast %while3A_585 : i32 to index
        %swap3A_686 = arith.constant 0 : index
        %swap3A_687 = tpu.vector_load %arg7[%swap3A_685, %swap3A_686] {strides = array<i32>} : memref<16x16xf32, #tpu.memory_space<vmem>>, vector<1x16xf32>,
        %swap3A_688 = vector.shape_cast %swap3A_687 : vector<1x16xf32> to vector<16xf32>
        %swap3A_689 = vector.shape_cast %add3A_684 : vector<16xf32> to vector<1x16xf32>
        tpu.vector_store %arg7[%swap3A_685, %swap3A_686], %swap3A_689 {strides = array<i32>} : memref<16x16xf32, #tpu.memory_space<vmem>>, vector<1x16xf32>,
        scf.yield %min3A_631 : i32
      }
      %add3A_579 = arith.constant 4 : i32
      %add3A_580 = arith.addi %while3A_442, %add3A_579 : i32
      %lt3A_581 = arith.cmpi slt, %add3A_580, %select_n3A : i32
      %convert_element_type3A_582 = arith.extui %lt3A_581 : i1 to i32
      %cond3A_583 = arith.constant 0 : i32
      %cond3A_584 = arith.cmpi ne, %convert_element_type3A_582, %cond3A_583 : i32
      scf.if %cond3A_584 {
        %add3A_585 = arith.constant 4 : i32
        %add3A_586 = arith.addi %while3A_442, %add3A_585 : i32
        %mul3A_587 = arith.constant 64 : i32
        %mul3A_588 = arith.muli %add3A_586, %mul3A_587 : i32
        %mul3A_589 = arith.constant 64 : i32
        %mul3A_590 = arith.muli %rem3A_444, %mul3A_589 : i32
        %dma_start3A = arith.constant 0 : i32
        %dma_start3A_591 = arith.constant 0 : i32
        %dma_start3A_592 = arith.constant 0 : i32
        %dma_start3A_593 = tpu.memref_slice %arg6[%mul3A_590, %dma_start3A, %dma_start3A_591, %dma_start3A_592] : memref<256x1x8x16xf32, #tpu.memory_space<vmem>> -> memref<64x1x8x16xf32, #tpu.memory_space<vmem>>
        %dma_start3A_594 = arith.constant 0 : i32
        %dma_start3A_595 = tpu.memref_slice %arg2[%mul3A_588, %add3A, %dma_start3A_594, %mul3A_4] : memref<4096x4x8x128xf32, #tpu.memory_space<hbm>> -> memref<64x1x8x16xf32, #tpu.memory_space<hbm>>
        %dma_start3A_596 = tpu.memref_slice %arg8[%rem3A_444] : memref<4x!tpu.dma_semaphore, #tpu.memory_space<semaphore_mem>> -> memref<1x!tpu.dma_semaphore, #tpu.memory_space<semaphore_mem>>
        %dma_start3A_597 = tpu.memref_squeeze %dma_start3A_596 : memref<1x!tpu.dma_semaphore, #tpu.memory_space<semaphore_mem>> -> memref<!tpu.dma_semaphore, #tpu.memory_space<semaphore_mem>>
        %dma_start3A_598 = arith.constant 0 : i32
        %dma_start3A_599 = arith.constant 0 : i32
        %dma_start3A_600 = arith.constant 0 : i32
        %dma_start3A_601 = tpu.memref_slice %arg6[%mul3A_590, %dma_start3A_598, %dma_start3A_599, %dma_start3A_600] : memref<256x1x8x16xf32, #tpu.memory_space<vmem>> -> memref<64x1x8x16xf32, #tpu.memory_space<vmem>>
        %dma_start3A_602 = arith.constant 0 : i32
        %dma_start3A_603 = tpu.memref_slice %arg2[%mul3A_588, %add3A, %dma_start3A_602, %mul3A_4] : memref<4096x4x8x128xf32, #tpu.memory_space<hbm>> -> memref<64x1x8x16xf32, #tpu.memory_space<hbm>>
        tpu.enqueue_dma source(%dma_start3A_603 : memref<64x1x8x16xf32, #tpu.memory_space<hbm>>) target(%dma_start3A_601 : memref<64x1x8x16xf32, #tpu.memory_space<vmem>>) target_semaphore(%dma_start3A_597 : memref<!tpu.dma_semaphore, #tpu.memory_space<semaphore_mem>>)
      } else {
      }
    }
    %sub3A_198 = arith.constant 0 : i32
    %sub3A_199 = arith.subi %add3A_8, %sub3A_198 : i32
    %get3A_200 = arith.constant 0 : i32
    %get3A_201 = arith.index_cast %get3A_200 : i32 to index
    %get3A_202 = arith.constant 0 : index
    %get3A_203 = tpu.vector_load %arg7[%get3A_201, %get3A_202] {strides = array<i32>} : memref<16x16xf32, #tpu.memory_space<vmem>>, vector<1x16xf32>,
    %get3A_204 = vector.shape_cast %get3A_203 : vector<1x16xf32> to vector<16xf32>
    %convert_element_type3A_205 = arith.sitofp %sub3A_199 : i32 to f32
    %div3A_206 = vector.broadcast %convert_element_type3A_205 : f32 to vector<16xf32>
    %div3A_207 = arith.divf %get3A_204, %div3A_206 : vector<16xf32>
    %swap3A_208 = arith.constant 0 : i32
    %swap3A_209 = arith.index_cast %swap3A_208 : i32 to index
    %swap3A_210 = arith.constant 0 : index
    %swap3A_211 = tpu.vector_load %arg7[%swap3A_209, %swap3A_210] {strides = array<i32>} : memref<16x16xf32, #tpu.memory_space<vmem>>, vector<1x16xf32>,
    %swap3A_212 = vector.shape_cast %swap3A_211 : vector<1x16xf32> to vector<16xf32>
    %swap3A_213 = vector.shape_cast %div3A_207 : vector<16xf32> to vector<1x16xf32>
    tpu.vector_store %arg7[%swap3A_209, %swap3A_210], %swap3A_213 {strides = array<i32>} : memref<16x16xf32, #tpu.memory_space<vmem>>, vector<1x16xf32>,
    %sub3A_214 = arith.subi %add3A_11, %add3A_8 : i32
    %get3A_215 = arith.constant 1 : i32
    %get3A_216 = arith.index_cast %get3A_215 : i32 to index
    %get3A_217 = arith.constant 0 : index
    %get3A_218 = tpu.vector_load %arg7[%get3A_216, %get3A_217] {strides = array<i32>} : memref<16x16xf32, #tpu.memory_space<vmem>>, vector<1x16xf32>,
    %get3A_219 = vector.shape_cast %get3A_218 : vector<1x16xf32> to vector<16xf32>
    %convert_element_type3A_220 = arith.sitofp %sub3A_214 : i32 to f32
    %div3A_221 = vector.broadcast %convert_element_type3A_220 : f32 to vector<16xf32>
    %div3A_222 = arith.divf %get3A_219, %div3A_221 : vector<16xf32>
    %swap3A_223 = arith.constant 1 : i32
    %swap3A_224 = arith.index_cast %swap3A_223 : i32 to index
    %swap3A_225 = arith.constant 0 : index
    %swap3A_226 = tpu.vector_load %arg7[%swap3A_224, %swap3A_225] {strides = array<i32>} : memref<16x16xf32, #tpu.memory_space<vmem>>, vector<1x16xf32>,
    %swap3A_227 = vector.shape_cast %swap3A_226 : vector<1x16xf32> to vector<16xf32>
    %swap3A_228 = vector.shape_cast %div3A_222 : vector<16xf32> to vector<1x16xf32>
    tpu.vector_store %arg7[%swap3A_224, %swap3A_225], %swap3A_228 {strides = array<i32>} : memref<16x16xf32, #tpu.memory_space<vmem>>, vector<1x16xf32>,
    %sub3A_229 = arith.subi %add3A_14, %add3A_11 : i32
    %get3A_230 = arith.constant 2 : i32
    %get3A_231 = arith.index_cast %get3A_230 : i32 to index
    %get3A_232 = arith.constant 0 : index
    %get3A_233 = tpu.vector_load %arg7[%get3A_231, %get3A_232] {strides = array<i32>} : memref<16x16xf32, #tpu.memory_space<vmem>>, vector<1x16xf32>,
    %get3A_234 = vector.shape_cast %get3A_233 : vector<1x16xf32> to vector<16xf32>
    %convert_element_type3A_235 = arith.sitofp %sub3A_229 : i32 to f32
    %div3A_236 = vector.broadcast %convert_element_type3A_235 : f32 to vector<16xf32>
    %div3A_237 = arith.divf %get3A_234, %div3A_236 : vector<16xf32>
    %swap3A_238 = arith.constant 2 : i32
    %swap3A_239 = arith.index_cast %swap3A_238 : i32 to index
    %swap3A_240 = arith.constant 0 : index
    %swap3A_241 = tpu.vector_load %arg7[%swap3A_239, %swap3A_240] {strides = array<i32>} : memref<16x16xf32, #tpu.memory_space<vmem>>, vector<1x16xf32>,
    %swap3A_242 = vector.shape_cast %swap3A_241 : vector<1x16xf32> to vector<16xf32>
    %swap3A_243 = vector.shape_cast %div3A_237 : vector<16xf32> to vector<1x16xf32>
    tpu.vector_store %arg7[%swap3A_239, %swap3A_240], %swap3A_243 {strides = array<i32>} : memref<16x16xf32, #tpu.memory_space<vmem>>, vector<1x16xf32>,
    %sub3A_244 = arith.subi %add3A_17, %add3A_14 : i32
    %get3A_245 = arith.constant 3 : i32
    %get3A_246 = arith.index_cast %get3A_245 : i32 to index
    %get3A_247 = arith.constant 0 : index
    %get3A_248 = tpu.vector_load %arg7[%get3A_246, %get3A_247] {strides = array<i32>} : memref<16x16xf32, #tpu.memory_space<vmem>>, vector<1x16xf32>,
    %get3A_249 = vector.shape_cast %get3A_248 : vector<1x16xf32> to vector<16xf32>
    %convert_element_type3A_250 = arith.sitofp %sub3A_244 : i32 to f32
    %div3A_251 = vector.broadcast %convert_element_type3A_250 : f32 to vector<16xf32>
    %div3A_252 = arith.divf %get3A_249, %div3A_251 : vector<16xf32>
    %swap3A_253 = arith.constant 3 : i32
    %swap3A_254 = arith.index_cast %swap3A_253 : i32 to index
    %swap3A_255 = arith.constant 0 : index
    %swap3A_256 = tpu.vector_load %arg7[%swap3A_254, %swap3A_255] {strides = array<i32>} : memref<16x16xf32, #tpu.memory_space<vmem>>, vector<1x16xf32>,
    %swap3A_257 = vector.shape_cast %swap3A_256 : vector<1x16xf32> to vector<16xf32>
    %swap3A_258 = vector.shape_cast %div3A_252 : vector<16xf32> to vector<1x16xf32>
    tpu.vector_store %arg7[%swap3A_254, %swap3A_255], %swap3A_258 {strides = array<i32>} : memref<16x16xf32, #tpu.memory_space<vmem>>, vector<1x16xf32>,
    %sub3A_259 = arith.subi %add3A_20, %add3A_17 : i32
    %get3A_260 = arith.constant 4 : i32
    %get3A_261 = arith.index_cast %get3A_260 : i32 to index
    %get3A_262 = arith.constant 0 : index
    %get3A_263 = tpu.vector_load %arg7[%get3A_261, %get3A_262] {strides = array<i32>} : memref<16x16xf32, #tpu.memory_space<vmem>>, vector<1x16xf32>,
    %get3A_264 = vector.shape_cast %get3A_263 : vector<1x16xf32> to vector<16xf32>
    %convert_element_type3A_265 = arith.sitofp %sub3A_259 : i32 to f32
    %div3A_266 = vector.broadcast %convert_element_type3A_265 : f32 to vector<16xf32>
    %div3A_267 = arith.divf %get3A_264, %div3A_266 : vector<16xf32>
    %swap3A_268 = arith.constant 4 : i32
    %swap3A_269 = arith.index_cast %swap3A_268 : i32 to index
    %swap3A_270 = arith.constant 0 : index
    %swap3A_271 = tpu.vector_load %arg7[%swap3A_269, %swap3A_270] {strides = array<i32>} : memref<16x16xf32, #tpu.memory_space<vmem>>, vector<1x16xf32>,
    %swap3A_272 = vector.shape_cast %swap3A_271 : vector<1x16xf32> to vector<16xf32>
    %swap3A_273 = vector.shape_cast %div3A_267 : vector<16xf32> to vector<1x16xf32>
    tpu.vector_store %arg7[%swap3A_269, %swap3A_270], %swap3A_273 {strides = array<i32>} : memref<16x16xf32, #tpu.memory_space<vmem>>, vector<1x16xf32>,
    %sub3A_274 = arith.subi %add3A_23, %add3A_20 : i32
    %get3A_275 = arith.constant 5 : i32
    %get3A_276 = arith.index_cast %get3A_275 : i32 to index
    %get3A_277 = arith.constant 0 : index
    %get3A_278 = tpu.vector_load %arg7[%get3A_276, %get3A_277] {strides = array<i32>} : memref<16x16xf32, #tpu.memory_space<vmem>>, vector<1x16xf32>,
    %get3A_279 = vector.shape_cast %get3A_278 : vector<1x16xf32> to vector<16xf32>
    %convert_element_type3A_280 = arith.sitofp %sub3A_274 : i32 to f32
    %div3A_281 = vector.broadcast %convert_element_type3A_280 : f32 to vector<16xf32>
    %div3A_282 = arith.divf %get3A_279, %div3A_281 : vector<16xf32>
    %swap3A_283 = arith.constant 5 : i32
    %swap3A_284 = arith.index_cast %swap3A_283 : i32 to index
    %swap3A_285 = arith.constant 0 : index
    %swap3A_286 = tpu.vector_load %arg7[%swap3A_284, %swap3A_285] {strides = array<i32>} : memref<16x16xf32, #tpu.memory_space<vmem>>, vector<1x16xf32>,
    %swap3A_287 = vector.shape_cast %swap3A_286 : vector<1x16xf32> to vector<16xf32>
    %swap3A_288 = vector.shape_cast %div3A_282 : vector<16xf32> to vector<1x16xf32>
    tpu.vector_store %arg7[%swap3A_284, %swap3A_285], %swap3A_288 {strides = array<i32>} : memref<16x16xf32, #tpu.memory_space<vmem>>, vector<1x16xf32>,
    %sub3A_289 = arith.subi %add3A_26, %add3A_23 : i32
    %get3A_290 = arith.constant 6 : i32
    %get3A_291 = arith.index_cast %get3A_290 : i32 to index
    %get3A_292 = arith.constant 0 : index
    %get3A_293 = tpu.vector_load %arg7[%get3A_291, %get3A_292] {strides = array<i32>} : memref<16x16xf32, #tpu.memory_space<vmem>>, vector<1x16xf32>,
    %get3A_294 = vector.shape_cast %get3A_293 : vector<1x16xf32> to vector<16xf32>
    %convert_element_type3A_295 = arith.sitofp %sub3A_289 : i32 to f32
    %div3A_296 = vector.broadcast %convert_element_type3A_295 : f32 to vector<16xf32>
    %div3A_297 = arith.divf %get3A_294, %div3A_296 : vector<16xf32>
    %swap3A_298 = arith.constant 6 : i32
    %swap3A_299 = arith.index_cast %swap3A_298 : i32 to index
    %swap3A_300 = arith.constant 0 : index
    %swap3A_301 = tpu.vector_load %arg7[%swap3A_299, %swap3A_300] {strides = array<i32>} : memref<16x16xf32, #tpu.memory_space<vmem>>, vector<1x16xf32>,
    %swap3A_302 = vector.shape_cast %swap3A_301 : vector<1x16xf32> to vector<16xf32>
    %swap3A_303 = vector.shape_cast %div3A_297 : vector<16xf32> to vector<1x16xf32>
    tpu.vector_store %arg7[%swap3A_299, %swap3A_300], %swap3A_303 {strides = array<i32>} : memref<16x16xf32, #tpu.memory_space<vmem>>, vector<1x16xf32>,
    %sub3A_304 = arith.subi %add3A_29, %add3A_26 : i32
    %get3A_305 = arith.constant 7 : i32
    %get3A_306 = arith.index_cast %get3A_305 : i32 to index
    %get3A_307 = arith.constant 0 : index
    %get3A_308 = tpu.vector_load %arg7[%get3A_306, %get3A_307] {strides = array<i32>} : memref<16x16xf32, #tpu.memory_space<vmem>>, vector<1x16xf32>,
    %get3A_309 = vector.shape_cast %get3A_308 : vector<1x16xf32> to vector<16xf32>
    %convert_element_type3A_310 = arith.sitofp %sub3A_304 : i32 to f32
    %div3A_311 = vector.broadcast %convert_element_type3A_310 : f32 to vector<16xf32>
    %div3A_312 = arith.divf %get3A_309, %div3A_311 : vector<16xf32>
    %swap3A_313 = arith.constant 7 : i32
    %swap3A_314 = arith.index_cast %swap3A_313 : i32 to index
    %swap3A_315 = arith.constant 0 : index
    %swap3A_316 = tpu.vector_load %arg7[%swap3A_314, %swap3A_315] {strides = array<i32>} : memref<16x16xf32, #tpu.memory_space<vmem>>, vector<1x16xf32>,
    %swap3A_317 = vector.shape_cast %swap3A_316 : vector<1x16xf32> to vector<16xf32>
    %swap3A_318 = vector.shape_cast %div3A_312 : vector<16xf32> to vector<1x16xf32>
    tpu.vector_store %arg7[%swap3A_314, %swap3A_315], %swap3A_318 {strides = array<i32>} : memref<16x16xf32, #tpu.memory_space<vmem>>, vector<1x16xf32>,
    %sub3A_319 = arith.subi %add3A_32, %add3A_29 : i32
    %get3A_320 = arith.constant 8 : i32
    %get3A_321 = arith.index_cast %get3A_320 : i32 to index
    %get3A_322 = arith.constant 0 : index
    %get3A_323 = tpu.vector_load %arg7[%get3A_321, %get3A_322] {strides = array<i32>} : memref<16x16xf32, #tpu.memory_space<vmem>>, vector<1x16xf32>,
    %get3A_324 = vector.shape_cast %get3A_323 : vector<1x16xf32> to vector<16xf32>
    %convert_element_type3A_325 = arith.sitofp %sub3A_319 : i32 to f32
    %div3A_326 = vector.broadcast %convert_element_type3A_325 : f32 to vector<16xf32>
    %div3A_327 = arith.divf %get3A_324, %div3A_326 : vector<16xf32>
    %swap3A_328 = arith.constant 8 : i32
    %swap3A_329 = arith.index_cast %swap3A_328 : i32 to index
    %swap3A_330 = arith.constant 0 : index
    %swap3A_331 = tpu.vector_load %arg7[%swap3A_329, %swap3A_330] {strides = array<i32>} : memref<16x16xf32, #tpu.memory_space<vmem>>, vector<1x16xf32>,
    %swap3A_332 = vector.shape_cast %swap3A_331 : vector<1x16xf32> to vector<16xf32>
    %swap3A_333 = vector.shape_cast %div3A_327 : vector<16xf32> to vector<1x16xf32>
    tpu.vector_store %arg7[%swap3A_329, %swap3A_330], %swap3A_333 {strides = array<i32>} : memref<16x16xf32, #tpu.memory_space<vmem>>, vector<1x16xf32>,
    %sub3A_334 = arith.subi %add3A_35, %add3A_32 : i32
    %get3A_335 = arith.constant 9 : i32
    %get3A_336 = arith.index_cast %get3A_335 : i32 to index
    %get3A_337 = arith.constant 0 : index
    %get3A_338 = tpu.vector_load %arg7[%get3A_336, %get3A_337] {strides = array<i32>} : memref<16x16xf32, #tpu.memory_space<vmem>>, vector<1x16xf32>,
    %get3A_339 = vector.shape_cast %get3A_338 : vector<1x16xf32> to vector<16xf32>
    %convert_element_type3A_340 = arith.sitofp %sub3A_334 : i32 to f32
    %div3A_341 = vector.broadcast %convert_element_type3A_340 : f32 to vector<16xf32>
    %div3A_342 = arith.divf %get3A_339, %div3A_341 : vector<16xf32>
    %swap3A_343 = arith.constant 9 : i32
    %swap3A_344 = arith.index_cast %swap3A_343 : i32 to index
    %swap3A_345 = arith.constant 0 : index
    %swap3A_346 = tpu.vector_load %arg7[%swap3A_344, %swap3A_345] {strides = array<i32>} : memref<16x16xf32, #tpu.memory_space<vmem>>, vector<1x16xf32>,
    %swap3A_347 = vector.shape_cast %swap3A_346 : vector<1x16xf32> to vector<16xf32>
    %swap3A_348 = vector.shape_cast %div3A_342 : vector<16xf32> to vector<1x16xf32>
    tpu.vector_store %arg7[%swap3A_344, %swap3A_345], %swap3A_348 {strides = array<i32>} : memref<16x16xf32, #tpu.memory_space<vmem>>, vector<1x16xf32>,
    %sub3A_349 = arith.subi %add3A_38, %add3A_35 : i32
    %get3A_350 = arith.constant 10 : i32
    %get3A_351 = arith.index_cast %get3A_350 : i32 to index
    %get3A_352 = arith.constant 0 : index
    %get3A_353 = tpu.vector_load %arg7[%get3A_351, %get3A_352] {strides = array<i32>} : memref<16x16xf32, #tpu.memory_space<vmem>>, vector<1x16xf32>,
    %get3A_354 = vector.shape_cast %get3A_353 : vector<1x16xf32> to vector<16xf32>
    %convert_element_type3A_355 = arith.sitofp %sub3A_349 : i32 to f32
    %div3A_356 = vector.broadcast %convert_element_type3A_355 : f32 to vector<16xf32>
    %div3A_357 = arith.divf %get3A_354, %div3A_356 : vector<16xf32>
    %swap3A_358 = arith.constant 10 : i32
    %swap3A_359 = arith.index_cast %swap3A_358 : i32 to index
    %swap3A_360 = arith.constant 0 : index
    %swap3A_361 = tpu.vector_load %arg7[%swap3A_359, %swap3A_360] {strides = array<i32>} : memref<16x16xf32, #tpu.memory_space<vmem>>, vector<1x16xf32>,
    %swap3A_362 = vector.shape_cast %swap3A_361 : vector<1x16xf32> to vector<16xf32>
    %swap3A_363 = vector.shape_cast %div3A_357 : vector<16xf32> to vector<1x16xf32>
    tpu.vector_store %arg7[%swap3A_359, %swap3A_360], %swap3A_363 {strides = array<i32>} : memref<16x16xf32, #tpu.memory_space<vmem>>, vector<1x16xf32>,
    %sub3A_364 = arith.subi %add3A_41, %add3A_38 : i32
    %get3A_365 = arith.constant 11 : i32
    %get3A_366 = arith.index_cast %get3A_365 : i32 to index
    %get3A_367 = arith.constant 0 : index
    %get3A_368 = tpu.vector_load %arg7[%get3A_366, %get3A_367] {strides = array<i32>} : memref<16x16xf32, #tpu.memory_space<vmem>>, vector<1x16xf32>,
    %get3A_369 = vector.shape_cast %get3A_368 : vector<1x16xf32> to vector<16xf32>
    %convert_element_type3A_370 = arith.sitofp %sub3A_364 : i32 to f32
    %div3A_371 = vector.broadcast %convert_element_type3A_370 : f32 to vector<16xf32>
    %div3A_372 = arith.divf %get3A_369, %div3A_371 : vector<16xf32>
    %swap3A_373 = arith.constant 11 : i32
    %swap3A_374 = arith.index_cast %swap3A_373 : i32 to index
    %swap3A_375 = arith.constant 0 : index
    %swap3A_376 = tpu.vector_load %arg7[%swap3A_374, %swap3A_375] {strides = array<i32>} : memref<16x16xf32, #tpu.memory_space<vmem>>, vector<1x16xf32>,
    %swap3A_377 = vector.shape_cast %swap3A_376 : vector<1x16xf32> to vector<16xf32>
    %swap3A_378 = vector.shape_cast %div3A_372 : vector<16xf32> to vector<1x16xf32>
    tpu.vector_store %arg7[%swap3A_374, %swap3A_375], %swap3A_378 {strides = array<i32>} : memref<16x16xf32, #tpu.memory_space<vmem>>, vector<1x16xf32>,
    %sub3A_379 = arith.subi %add3A_44, %add3A_41 : i32
    %get3A_380 = arith.constant 12 : i32
    %get3A_381 = arith.index_cast %get3A_380 : i32 to index
    %get3A_382 = arith.constant 0 : index
    %get3A_383 = tpu.vector_load %arg7[%get3A_381, %get3A_382] {strides = array<i32>} : memref<16x16xf32, #tpu.memory_space<vmem>>, vector<1x16xf32>,
    %get3A_384 = vector.shape_cast %get3A_383 : vector<1x16xf32> to vector<16xf32>
    %convert_element_type3A_385 = arith.sitofp %sub3A_379 : i32 to f32
    %div3A_386 = vector.broadcast %convert_element_type3A_385 : f32 to vector<16xf32>
    %div3A_387 = arith.divf %get3A_384, %div3A_386 : vector<16xf32>
    %swap3A_388 = arith.constant 12 : i32
    %swap3A_389 = arith.index_cast %swap3A_388 : i32 to index
    %swap3A_390 = arith.constant 0 : index
    %swap3A_391 = tpu.vector_load %arg7[%swap3A_389, %swap3A_390] {strides = array<i32>} : memref<16x16xf32, #tpu.memory_space<vmem>>, vector<1x16xf32>,
    %swap3A_392 = vector.shape_cast %swap3A_391 : vector<1x16xf32> to vector<16xf32>
    %swap3A_393 = vector.shape_cast %div3A_387 : vector<16xf32> to vector<1x16xf32>
    tpu.vector_store %arg7[%swap3A_389, %swap3A_390], %swap3A_393 {strides = array<i32>} : memref<16x16xf32, #tpu.memory_space<vmem>>, vector<1x16xf32>,
    %sub3A_394 = arith.subi %add3A_47, %add3A_44 : i32
    %get3A_395 = arith.constant 13 : i32
    %get3A_396 = arith.index_cast %get3A_395 : i32 to index
    %get3A_397 = arith.constant 0 : index
    %get3A_398 = tpu.vector_load %arg7[%get3A_396, %get3A_397] {strides = array<i32>} : memref<16x16xf32, #tpu.memory_space<vmem>>, vector<1x16xf32>,
    %get3A_399 = vector.shape_cast %get3A_398 : vector<1x16xf32> to vector<16xf32>
    %convert_element_type3A_400 = arith.sitofp %sub3A_394 : i32 to f32
    %div3A_401 = vector.broadcast %convert_element_type3A_400 : f32 to vector<16xf32>
    %div3A_402 = arith.divf %get3A_399, %div3A_401 : vector<16xf32>
    %swap3A_403 = arith.constant 13 : i32
    %swap3A_404 = arith.index_cast %swap3A_403 : i32 to index
    %swap3A_405 = arith.constant 0 : index
    %swap3A_406 = tpu.vector_load %arg7[%swap3A_404, %swap3A_405] {strides = array<i32>} : memref<16x16xf32, #tpu.memory_space<vmem>>, vector<1x16xf32>,
    %swap3A_407 = vector.shape_cast %swap3A_406 : vector<1x16xf32> to vector<16xf32>
    %swap3A_408 = vector.shape_cast %div3A_402 : vector<16xf32> to vector<1x16xf32>
    tpu.vector_store %arg7[%swap3A_404, %swap3A_405], %swap3A_408 {strides = array<i32>} : memref<16x16xf32, #tpu.memory_space<vmem>>, vector<1x16xf32>,
    %sub3A_409 = arith.subi %add3A_50, %add3A_47 : i32
    %get3A_410 = arith.constant 14 : i32
    %get3A_411 = arith.index_cast %get3A_410 : i32 to index
    %get3A_412 = arith.constant 0 : index
    %get3A_413 = tpu.vector_load %arg7[%get3A_411, %get3A_412] {strides = array<i32>} : memref<16x16xf32, #tpu.memory_space<vmem>>, vector<1x16xf32>,
    %get3A_414 = vector.shape_cast %get3A_413 : vector<1x16xf32> to vector<16xf32>
    %convert_element_type3A_415 = arith.sitofp %sub3A_409 : i32 to f32
    %div3A_416 = vector.broadcast %convert_element_type3A_415 : f32 to vector<16xf32>
    %div3A_417 = arith.divf %get3A_414, %div3A_416 : vector<16xf32>
    %swap3A_418 = arith.constant 14 : i32
    %swap3A_419 = arith.index_cast %swap3A_418 : i32 to index
    %swap3A_420 = arith.constant 0 : index
    %swap3A_421 = tpu.vector_load %arg7[%swap3A_419, %swap3A_420] {strides = array<i32>} : memref<16x16xf32, #tpu.memory_space<vmem>>, vector<1x16xf32>,
    %swap3A_422 = vector.shape_cast %swap3A_421 : vector<1x16xf32> to vector<16xf32>
    %swap3A_423 = vector.shape_cast %div3A_417 : vector<16xf32> to vector<1x16xf32>
    tpu.vector_store %arg7[%swap3A_419, %swap3A_420], %swap3A_423 {strides = array<i32>} : memref<16x16xf32, #tpu.memory_space<vmem>>, vector<1x16xf32>,
    %sub3A_424 = arith.subi %add3A_53, %add3A_50 : i32
    %get3A_425 = arith.constant 15 : i32
    %get3A_426 = arith.index_cast %get3A_425 : i32 to index
    %get3A_427 = arith.constant 0 : index
    %get3A_428 = tpu.vector_load %arg7[%get3A_426, %get3A_427] {strides = array<i32>} : memref<16x16xf32, #tpu.memory_space<vmem>>, vector<1x16xf32>,
    %get3A_429 = vector.shape_cast %get3A_428 : vector<1x16xf32> to vector<16xf32>
    %convert_element_type3A_430 = arith.sitofp %sub3A_424 : i32 to f32
    %div3A_431 = vector.broadcast %convert_element_type3A_430 : f32 to vector<16xf32>
    %div3A_432 = arith.divf %get3A_429, %div3A_431 : vector<16xf32>
    %swap3A_433 = arith.constant 15 : i32
    %swap3A_434 = arith.index_cast %swap3A_433 : i32 to index
    %swap3A_435 = arith.constant 0 : index
    %swap3A_436 = tpu.vector_load %arg7[%swap3A_434, %swap3A_435] {strides = array<i32>} : memref<16x16xf32, #tpu.memory_space<vmem>>, vector<1x16xf32>,
    %swap3A_437 = vector.shape_cast %swap3A_436 : vector<1x16xf32> to vector<16xf32>
    %swap3A_438 = vector.shape_cast %div3A_432 : vector<16xf32> to vector<1x16xf32>
    tpu.vector_store %arg7[%swap3A_434, %swap3A_435], %swap3A_438 {strides = array<i32>} : memref<16x16xf32, #tpu.memory_space<vmem>>, vector<1x16xf32>,
    %mul3A_439 = arith.constant 128 : i32
    %mul3A_440 = arith.muli %add3A, %mul3A_439 : i32
    %add3A_441 = arith.addi %mul3A_440, %mul3A_4 : i32
    "tpu.region"() ({
      %run_scoped3A = tpu.sem_alloc : memref<!tpu.dma_semaphore, #tpu.memory_space<semaphore_mem>>
      %dma_start3A = arith.constant 0 : i32
      %dma_start3A_442 = tpu.memref_slice %arg4[%dma_start3A, %add3A_441] : memref<16x512xf32, #tpu.memory_space<hbm>> -> memref<16x16xf32, #tpu.memory_space<hbm>>
      %dma_start3A_443 = arith.constant 0 : i32
      %dma_start3A_444 = tpu.memref_slice %arg4[%dma_start3A_443, %add3A_441] : memref<16x512xf32, #tpu.memory_space<hbm>> -> memref<16x16xf32, #tpu.memory_space<hbm>>
      tpu.enqueue_dma source(%arg7 : memref<16x16xf32, #tpu.memory_space<vmem>>) target(%dma_start3A_444 : memref<16x16xf32, #tpu.memory_space<hbm>>) target_semaphore(%run_scoped3A : memref<!tpu.dma_semaphore, #tpu.memory_space<semaphore_mem>>)
      %dma_wait3A = arith.constant 0 : i32
      %dma_wait3A_445 = tpu.memref_slice %arg4[%dma_wait3A, %add3A_441] : memref<16x512xf32, #tpu.memory_space<hbm>> -> memref<16x16xf32, #tpu.memory_space<hbm>>
      %dma_wait3A_446 = arith.constant 0 : i32
      %dma_wait3A_447 = tpu.memref_slice %arg4[%dma_wait3A_446, %add3A_441] : memref<16x512xf32, #tpu.memory_space<hbm>> -> memref<16x16xf32, #tpu.memory_space<hbm>>
      tpu.wait_dma2 semaphore(%run_scoped3A : memref<!tpu.dma_semaphore, #tpu.memory_space<semaphore_mem>>) src(%arg7 : memref<16x16xf32, #tpu.memory_space<vmem>>) dst(%dma_wait3A_447 : memref<16x16xf32, #tpu.memory_space<hbm>>)
      tpu.yield
    }) : () -> ()
    return
  }
}

</mosaic_0001>

<sc_bundles>
// kernel: kernel.3.cloned.1.call-start
scs
__scs_entry_jumppad:
0x0: {  	(pc) =	sbr.rel $0x88, $3  }
0x1: {  	(tag) =	ssettag $0x0;
	lr =	simm.s32 $0x1  }
0x2: {  	[smem:$0x3F9F] =	sst lr;
	_ =	strace $0xD0000000  }
0x3: {  	_ = 	snop  }
0x4: {  	_ = 	snop  }
0x5: {  	_ = 	snop  }
0x6: {  	_ = 	snop  }
0x7: {  	_ = 	snop  }
__scs_overlays_trampoline_lowered:
0x8: {  	[smem:$0x3FAE] =	sst s0  }
0x9: {  	[smem:$0x3FAF] =	sst s1  }
0xa: {  	[smem:$0x3FB0] =	sst s2  }
0xb: {  	[smem:$0x3FB1] =	sst s3  }
0xc: {  	[smem:$0x3FB2] =	sst s4  }
0xd: {  	[smem:$0x3FB3] =	sst s5  }
0xe: {  	[smem:$0x3FB4] =	sst s6  }
0xf: {  	[smem:$0x3FB5] =	sst s7  }
0x10: {  	[smem:$0x3FB6] =	sst s8  }
0x11: {  	[smem:$0x3FB7] =	sst s9;
	s0 =	simm.s32 @!p0 $0x0  }
0x12: {  	s1 =	sld [smem:$0x3F9D];
	s0 =	simm.s32 @p0 $0x1  }
0x13: {  	[smem:$0x3FB8] =	sst s0;
	s0 =	simm.s32 @!p1 $0x0  }
0x14: {  	s2 =	sld [smem:$0x3F9C];
	s0 =	simm.s32 @p1 $0x1  }
0x15: {  	[smem:$0x3FB9] =	sst s0;
	s0 =	simm.s32 @!p2 $0x0  }
0x16: {  	s3 =	sld [smem:$0x3FDB];
	s0 =	simm.s32 @p2 $0x1  }
0x17: {  	s4 =	simm.s32 $0x1BF5;
	[smem:$0x3FBB] =	sst s0  }
0x18: {  	s0 =	sld [smem:$0x3F9E];
	_ =	swait.ge [sflag:s4], $0x0  }
0x19: {  	s7 =	sld [smem:$0x3F9F]  }
0x1a: {  	s8 =	sadd.s32 $0xFFFFE003, lr  }
0x1b: {  	s9 =	sadd.s32 $0xFFFFFEF7, lr;
	s5 =	simm.s32 $0xFFFFFFFF;
	p2 =	slt.u32 s8, $0xFFFFF086  }
0x1c: {  	p1 =	slt.u32 s9, $0xF7A;
	s5 =	simm.s32 @!p2 $0x0  }
0x1d: {  	s5 =	simm.s32 @p1 $0x1;
	p0 =	seq.s32 s7, s2  }
0x1e: {  	s7 =	smul.u32 @!p0 $0xF7A, s2;
	p2 =	seq.s32 @!p0 s5, $0x0  }
0x1f: {  	s9 =	smul.u32 $0xF7A, s1;
	s8 =	simm.s32 @!p0 $0x1BF5;
	p2 =	por !p2, p0  }
0x20: {  	[sflag:s8] =	ssyncset.s32 @!p0 $0xFFFFF086;
	s6 =	sadd.s32 @!p0 s3, s7;
	s7 =	simm.s32 @!p0 $0x108  }
0x21: {  	s3 =	sadd.s32 s3, s9;
	s6 =	sadd.s32 @!p0 $0x88, s6;
	s7 =	simm.s32 @p2 $0x1082  }
0x22: {  	[simem:s7], [sflag:s8] =	dma.local @!p0 [hbm:s6], $0xF7A  }
0x23: {  	s9 =	sor.u32 $0xD0000000, s2;
	s6 =	simm.s32 $0x108;
	_ =	swait.ge @!p0 [sflag:s8], $0x0  }
0x24: {  	s3 =	sadd.s32 $0x88, s3;
	s6 =	simm.s32 @!p1 $0x1082;
	[sflag:s4] =	ssyncset.s32 $0xFFFFF086  }
0x25: {  	[simem:s6], [sflag:s4] =	dma.local [hbm:s3], $0xF7A  }
0x26: {  	[smem:$0x3F9F] =	sst s1;
	(tag) =	ssettag s2;
	_ =	strace s9  }
0x27: {  	s1 =	sld [smem:$0x3FAF]  }
0x28: {  	s2 =	sld [smem:$0x3FB0]  }
0x29: {  	s4 =	sld [smem:$0x3FB2]  }
0x2a: {  	p0 =	seq.s32 s5, $0x0;
	s5 =	sld [smem:$0x3FB3]  }
0x2b: {  	s6 =	sld [smem:$0x3FB4]  }
0x2c: {  	s7 =	sld [smem:$0x3FB5]  }
0x2d: {  	s3 =	simm.s32 $0x108;
	s8 =	sld [smem:$0x3FB6]  }
0x2e: {  	s3 =	simm.s32 @!p0 $0x1082;
	s9 =	sld [smem:$0x3FB7]  }
0x2f: {  	lr =	sadd.s32 s0, s3;
	s0 =	sld [smem:$0x3FAE]  }
0x30: {  	s3 =	sld [smem:$0x3FB1]  }
0x31: {  	[smem:$0x3FBA] =	sst s10  }
0x32: {  	s10 =	sld [smem:$0x3FB8];
	_ =	sdelay $0x3  }
0x33: {  	p0 =	seq.s32 s10, $0x1;
	s10 =	sld [smem:$0x3FBA];
	_ =	sdelay $0x3  }
0x34: {  	[smem:$0x3FBA] =	sst s10  }
0x35: {  	s10 =	sld [smem:$0x3FB9];
	_ =	sdelay $0x3  }
0x36: {  	p1 =	seq.s32 s10, $0x1;
	s10 =	sld [smem:$0x3FBA];
	_ =	sdelay $0x3  }
0x37: {  	[smem:$0x3FBA] =	sst s10  }
0x38: {  	s10 =	sld [smem:$0x3FBB]  }
0x39: {  	_ = 	snop;
	(pc) =	sbr.ind lr, $3  }
0x3a: {  	_ = 	snop  }
0x3b: {  	_ = 	snop  }
0x3c: {  	p2 =	seq.s32 s10, $0x1;
	s10 =	sld [smem:$0x3FBA]  }
0x3d: {  	_ =	shalt  }
0x3e: {  	_ =	shalt  }
0x3f: {  	_ =	shalt  }
0x40: {  	_ =	shalt  }
0x41: {  	_ =	shalt  }
0x42: {  	_ =	shalt  }
0x43: {  	_ =	shalt  }
0x44: {  	_ =	shalt  }
0x45: {  	_ =	shalt  }
0x46: {  	_ =	shalt  }
0x47: {  	_ =	shalt  }
0x48: {  	_ =	shalt  }
0x49: {  	_ =	shalt  }
0x4a: {  	_ =	shalt  }
0x4b: {  	_ =	shalt  }
0x4c: {  	_ =	shalt  }
0x4d: {  	_ =	shalt  }
0x4e: {  	_ =	shalt  }
0x4f: {  	_ =	shalt  }
0x50: {  	_ =	shalt  }
0x51: {  	_ =	shalt  }
0x52: {  	_ =	shalt  }
0x53: {  	_ =	shalt  }
0x54: {  	_ =	shalt  }
0x55: {  	_ =	shalt  }
0x56: {  	_ =	shalt  }
0x57: {  	_ =	shalt  }
0x58: {  	_ =	shalt  }
0x59: {  	_ =	shalt  }
0x5a: {  	_ =	shalt  }
0x5b: {  	_ =	shalt  }
0x5c: {  	_ =	shalt  }
0x5d: {  	_ =	shalt  }
0x5e: {  	_ =	shalt  }
0x5f: {  	_ =	shalt  }
0x60: {  	_ =	shalt  }
0x61: {  	_ =	shalt  }
0x62: {  	_ =	shalt  }
0x63: {  	_ =	shalt  }
0x64: {  	_ =	shalt  }
0x65: {  	_ =	shalt  }
0x66: {  	_ =	shalt  }
0x67: {  	_ =	shalt  }
0x68: {  	_ =	shalt  }
0x69: {  	_ =	shalt  }
0x6a: {  	_ =	shalt  }
0x6b: {  	_ =	shalt  }
0x6c: {  	_ =	shalt  }
0x6d: {  	_ =	shalt  }
0x6e: {  	_ =	shalt  }
0x6f: {  	_ =	shalt  }
0x70: {  	_ =	shalt  }
0x71: {  	_ =	shalt  }
0x72: {  	_ =	shalt  }
0x73: {  	_ =	shalt  }
0x74: {  	_ =	shalt  }
0x75: {  	_ =	shalt  }
0x76: {  	_ =	shalt  }
0x77: {  	_ =	shalt  }
0x78: {  	_ =	shalt  }
0x79: {  	_ =	shalt  }
0x7a: {  	_ =	shalt  }
0x7b: {  	_ =	shalt  }
0x7c: {  	_ =	shalt  }
0x7d: {  	_ =	shalt  }
0x7e: {  	_ =	shalt  }
0x7f: {  	_ =	shalt  }
0x80: {  	_ =	shalt  }
0x81: {  	_ =	shalt  }
0x82: {  	_ =	shalt  }
0x83: {  	_ =	shalt  }
0x84: {  	_ =	shalt  }
0x85: {  	_ =	shalt  }
0x86: {  	_ =	shalt  }
0x87: {  	_ =	shalt  }
.Lfunc_end0:
.L_simem_size_0:
called_computation_lowered:
.L_overlay_start_0:
0x88: {  	s2 =	sld [smem:$0x3FD9]  }
0x89: {  	s3 =	sld [smem:$0x3FFE];
	_ =	sdelay $0x1  }
0x8a: {  	s1 =	srdreg.scid  }
0x8b: {  	s0 =	sand.u32 $0x1, s1  }
0x8c: {  	s17 =	sshll.u32 s0, $0xA;
	s2 =	sadd.s32 s3, s2  }
0x8d: {  	s2 =	sadd.s32 s2, s17  }
0x8e: {  	[smem:$0x3FC6] =	sst s2  }
0x8f: {  	_ = 	snop  }
0x90: {  	s2 =	sld [smem:$0x3FC9]  }
0x91: {  	s18 =	sld [smem:$0x3FC8];
	(tm) =	ssettm $0x1  }
0x92: {  	s4 =	sld [smem:$0x3FFB];
	_ =	sdelay $0x3  }
0x93: {  	_ =	strace s4  }
0x94: {  	s4 =	sld [smem:$0x3FFC];
	_ =	sdelay $0x3  }
0x95: {  	_ =	strace s4  }
0x96: {  	s4 =	sld [smem:$0x3FFD];
	_ =	sdelay $0x3  }
0x97: {  	_ =	strace s4  }
0x98: {  	_ =	strace $0x8FFFFFFF  }
0x99: {  	s19 =	sld [smem:$0x3FDB];
	_ =	sdelay $0x1  }
0x9a: {  	s5 =	simm.s32 $_scs_section_size  }
0x9b: {  	s6 =	simm.s32 $_size__tile_overlayer_lowered;
	s7 =	simm.s32 $_tile_overlayer_lowered  }
0x9c: {  	s22 =	simm.s32 $0x1BFF;
	s21 =	sshll.u32 s7, $0x1;
	s4 =	sadd.s32 s5, s19  }
0x9d: {  	s8 =	simm.s32 $0x0;
	s20 =	sshll.u32 s6, $0x1;
	s6 =	sadd.s32 s21, s4  }
0x9e: {  	[timem:s8], [sflag:s22] =	dma.local [hbm:s6], s20  }
0x9f: {  	_ =	swait.ge [sflag:s22], s20  }
0xa0: {  	s5 =	ssub.s32 $0x0, s20;
	[sflag:s22] =	ssyncset.done $0x0  }
0xa1: {  	[sflag:s22] =	ssyncadd.s32 s5;
	_ =	sdelay $0x1  }
0xa2: {  	s23 =	simm.s32 $0x1B8B  }
0xa3: {  	_ =	swait.ge [sflag:s23], $0x1  }
0xa4: {  	[sflag:s23] =	ssyncset.done $0x0  }
0xa5: {  	s25 =	simm.s32 $0x1B8E;
	s24 =	sld [smem:$0x3FFE];
	[sflag:s23] =	ssyncadd.s32 $0xFFFFFFFF  }
0xa6: {  	s26 =	simm.s32 $execute0_lowered;
	[smem:$0x3FD2] =	sst s25  }
0xa7: {  	s6 =	sshll.u32 s26, $0x1;
	_ =	strace $0x80000046;
	[dreg:$0x1] =	wrdreg $0xFFFFFFFF  }
0xa8: {  	s28 =	simm.s32 $_size_execute0_lowered;
	s4 =	sadd.s32 s4, s6;
	[dreg:$0x0] =	wrdreg $0x0  }
0xa9: {  	s6 =	sshll.u32 s28, $0x1;
	[dreg:$0x2] =	wrdreg s4  }
0xaa: {  	[dreg:$0x3] =	wrdreg s6  }
0xab: {  	[dreg:$0x4] =	wrdreg $0xC0  }
0xac: {  	_ =	task [dreg:s8], $0x5FFFF  }
0xad: {  	[dreg:$0x1] =	wrdreg $0xFFFFFFFF  }
0xae: {  	[dreg:$0x0] =	wrdreg $0x60  }
0xaf: {  	[dreg:$0x2] =	wrdreg s2  }
0xb0: {  	[dreg:$0x3] =	wrdreg s18  }
0xb1: {  	[dreg:$0x4] =	wrdreg s24  }
0xb2: {  	[dreg:$0x5] =	wrdreg $0x9  }
0xb3: {  	_ =	task.clear_ibuf [dreg:s8], $0x6FFFF;
	_ =	strace $0x90000046  }
0xb4: {  	s29 =	simm.s32 $0x9;
	_ =	strace $0x80000048  }
0xb5: {  	_ =	swait.ge [sflag:s29], $0x1  }
0xb6: {  	[sflag:s29] =	ssyncadd.s32 $0xFFFFFFFF  }
0xb7: {  	_ =	strace $0x90000048  }
0xb8: {  	_ =	sfence  }
0xb9: {  	s30 =	sld [smem:$0x0];
	_ =	sdelay $0x2  }
0xba: {  	s31 =	sshll.u32 s1, $0xD;
	s1 =	sshrl.u32 s1, $0x2  }
0xbb: {  	s3 =	sand.u32 $0x4000, s31;
	s1 =	sadd.s32 s1, s30  }
0xbc: {  	s0 =	sor.u32 s3, s0;
	s1 =	sshll.u32 s1, $0x11  }
0xbd: {  	s0 =	sor.u32 s1, s0  }
0xbe: {  	s0 =	sadd.s32 $0x8F2B, s0  }
0xbf: {  	[sflag:s0] =	ssyncadd.remote.s32 $0x1  }
0xc0: {  	_ =	sfence.sel $0xFFFF  }
0xc1: {  	[dreg:$0x0] =	wrdreg $0xFFFFFFFF;
	(pc) =	sbr.abs _section_cstart, $3  }
0xc2: {  	[dreg:$0x1] =	wrdreg $0xFFFFFFFF  }
0xc3: {  	_ =	task.clear_ibuf [dreg:s8], $0x2FFFF;
	_ =	strace $0x9FFFFFFF  }
0xc4: {  	(tm) =	ssettm $0x7FFFFFFF  }
0xc5: {  	_ =	shalt  }
tec
execute0_lowered:
.L_overlay_start_1:
0x0: {  	(tag) =	ssettag $0x1  }
0x1: {  	s5 =	rddreg [dreg:$0x0]  }
0x2: {  	s0 =	rddreg [dreg:$0x2]  }
0x3: {  	s1 =	srdreg.scid;
	s4 =	stileid.u32;
	s6 =	simm.s32 $0x0  }
0x4: {  	s1 =	sand.u32 $0x1, s1;
	s3 =	sshrl.u32 s4, $0x3;
	[smem:$0x7FF] =	sst s6  }
0x5: {  	s23 =	sshll.u32 s4, $0x4;
	s2 =	sshll.u32 s1, $0x1;
	_ =	strace $0x80000047  }
0x6: {  	s1 =	ssub.s32 $0x2, s1;
	s2 =	sor.u32 s3, s2;
	s3 =	sand.u32 $0x70, s23  }
0x7: {  	s26 =	sshrl.u32 s1, $0x1;
	s24 =	sshll.u32 s2, $0x7;
	s2 =	sshll.u32 s2, $0xA  }
0x8: {  	s1 =	ssub.s32 s1, s26;
	s4 =	sor.u32 s3, s24;
	s3 =	sor.u32 s3, s2  }
0x9: {  	s31 =	smax.u32 s1, $0x1;
	[dreg:$0x4] =	wrdreg s3;
	s3 =	sshrl.u32 s3, $0x3  }
0xa: {  	s13 =	simm.s32 $0x10;
	[dreg:$0x9] =	wrdreg s31;
	s3 =	sadd.s32 s5, s3  }
.Ltmp0:
0xb: {  	s28 =	sadd.s32 $0x8000, s3;
	[dreg:$0x1a] =	wrdreg s3;
	(pc) =	sbr.rel .LBB2_1-.Ltmp0, $4  }
0xc: {  	s25 =	sshrl.u32 s4, $0x3;
	s29 =	sadd.s32 $0x10000, s3;
	[dreg:$0x5] =	wrdreg s28  }
0xd: {  	s0 =	sadd.s32 s25, s0;
	s30 =	sadd.s32 $0x18000, s3;
	[dreg:$0x6] =	wrdreg s29  }
0xe: {  	s14 =	simm.s32 $0x80;
	s0 =	sadd.s32 $0x400, s0;
	[dreg:$0x7] =	wrdreg s30  }
0xf: {  	v0 =	vimm.f32 $0.0e+00;
	s2 =	simm.s32 $0x5;
	s1 =	simm.s32 $0x0;
	[dreg:$0x8] =	wrdreg s0  }
.LBB2_46:
0x10: {  	s0 =	scvt.s32.f32 s16;
	s1 =	rddreg [dreg:$0x19]  }
0x11: {  	s11 =	rddreg [dreg:$0x18];
	s1 =	scvt.s32.f32 s1  }
0x12: {  	s12 =	rddreg [dreg:$0x17];
	v1 =	vmov s0;
	s0 =	scvt.s32.f32 s11  }
0x13: {  	s15 =	rddreg [dreg:$0x16];
	(erf) = vrcp.f32 v1;
	v1 =	vmov s1;
	s1 =	scvt.s32.f32 s12  }
0x14: {  	s16 =	rddreg [dreg:$0x15];
	(erf) = vrcp.f32 v1;
	v1 =	vmov s0;
	s0 =	scvt.s32.f32 s15  }
0x15: {  	s17 =	rddreg [dreg:$0x14];
	(erf) = vrcp.f32 v1;
	v1 =	vmov s1;
	s1 =	scvt.s32.f32 s16  }
0x16: {  	s18 =	rddreg [dreg:$0x13];
	(erf) = vrcp.f32 v1;
	v1 =	vmov s0;
	s0 =	scvt.s32.f32 s17  }
0x17: {  	s19 =	rddreg [dreg:$0x12];
	(erf) = vrcp.f32 v1;
	v1 =	vmov s1;
	s1 =	scvt.s32.f32 s18  }
0x18: {  	s20 =	rddreg [dreg:$0x11];
	(erf) = vrcp.f32 v1;
	v1 =	vmov s0;
	s0 =	scvt.s32.f32 s19  }
0x19: {  	v2 =	vld [tilespmem:$0x8010];
	s21 =	rddreg [dreg:$0x10];
	(erf) = vrcp.f32 v1;
	v1 =	vmov s1;
	s1 =	scvt.s32.f32 s20  }
0x1a: {  	v3 =	vld [tilespmem:$0x8020];
	s22 =	rddreg [dreg:$0xf];
	(erf) = vrcp.f32 v1;
	v1 =	vmov s0;
	s0 =	scvt.s32.f32 s21  }
0x1b: {  	v4 =	vld [tilespmem:$0x8030];
	s23 =	rddreg [dreg:$0xe];
	(erf) = vrcp.f32 v1;
	v1 =	vmov s1;
	s1 =	scvt.s32.f32 s22  }
0x1c: {  	v5 =	vld [tilespmem:$0x8040];
	s24 =	rddreg [dreg:$0xd];
	v6 =	vpop (erf);
	(erf) = vrcp.f32 v1;
	v1 =	vmov s0;
	s0 =	scvt.s32.f32 s23  }
0x1d: {  	v7 =	vld [tilespmem:$0x8050];
	s25 =	rddreg [dreg:$0xc];
	v44 =	vpop (erf);
	(erf) = vrcp.f32 v1;
	v1 =	vmov s1;
	s1 =	scvt.s32.f32 s24  }
0x1e: {  	v8 =	vld [tilespmem:$0x8060];
	s26 =	rddreg [dreg:$0xb];
	v2 =	vmul.f32 v2, v6;
	v45 =	vpop (erf);
	(erf) = vrcp.f32 v1;
	v1 =	vmov s0;
	s0 =	scvt.s32.f32 s25  }
0x1f: {  	v9 =	vld [tilespmem:$0x8070];
	v3 =	vmul.f32 v3, v44;
	v46 =	vpop (erf);
	(erf) = vrcp.f32 v1;
	v1 =	vmov s1;
	s1 =	scvt.s32.f32 s26  }
0x20: {  	v47 =	vld [tilespmem:$0x8080];
	[tilespmem:$0x8010] =	vst v2;
	v2 =	vmul.f32 v4, v45;
	v48 =	vpop (erf);
	(erf) = vrcp.f32 v1;
	v1 =	vmov s0  }
0x21: {  	v49 =	vld [tilespmem:$0x8090];
	[tilespmem:$0x8020] =	vst v3;
	v3 =	vmul.f32 v5, v46;
	v50 =	vpop (erf);
	(erf) = vrcp.f32 v1;
	v1 =	vmov s1  }
0x22: {  	v51 =	vld [tilespmem:$0x80A0];
	[tilespmem:$0x8030] =	vst v2;
	v2 =	vmul.f32 v7, v48  }
0x23: {  	v53 =	vld [tilespmem:$0x80B0];
	[tilespmem:$0x8040] =	vst v3;
	v3 =	vmul.f32 v8, v50;
	v52 =	vpop (erf);
	(erf) = vrcp.f32 v1  }
0x24: {  	v54 =	vld [tilespmem:$0x80C0];
	[tilespmem:$0x8050] =	vst v2;
	v2 =	vmul.f32 v9, v52;
	v1 =	vpop (erf)  }
0x25: {  	[tilespmem:$0x8060] =	vst v3;
	v3 =	vld [tilespmem:$0x80D0];
	v55 =	vpop (erf);
	v1 =	vmul.f32 v47, v1  }
0x26: {  	v57 =	vld [tilespmem:$0x80E0];
	[tilespmem:$0x8070] =	vst v2;
	v56 =	vpop (erf);
	v2 =	vmul.f32 v49, v55  }
0x27: {  	v59 =	vld [tilespmem:$0x80F0];
	v58 =	vpop (erf);
	[tilespmem:$0x8080] =	vst v1;
	v1 =	vmul.f32 v51, v56  }
0x28: {  	v61 =	vld [tilespmem:$0x8100];
	v60 =	vpop (erf);
	[tilespmem:$0x8090] =	vst v2;
	v2 =	vmul.f32 v53, v58  }
0x29: {  	v62 =	vpop (erf);
	[tilespmem:$0x80A0] =	vst v1;
	v1 =	vmul.f32 v54, v60  }
0x2a: {  	v63 =	vpop (erf);
	[tilespmem:$0x80B0] =	vst v2;
	v2 =	vmul.f32 v3, v62  }
0x2b: {  	v3 =	vpop (erf);
	[tilespmem:$0x80C0] =	vst v1;
	v1 =	vmul.f32 v57, v63  }
0x2c: {  	[tilespmem:$0x80D0] =	vst v2;
	v2 =	vmul.f32 v59, v3;
	v3 =	vpop (erf)  }
0x2d: {  	[tilespmem:$0x80E0] =	vst v1;
	v1 =	vmul.f32 v61, v3  }
0x2e: {  	[tilespmem:$0x80F0] =	vst v2  }
0x2f: {  	s28 =	rddreg [dreg:$0x8];
	s29 =	simm.s32 $0x200;
	s2 =	simm.s32 $0x8010;
	[tilespmem:$0x8100] =	vst v1  }
0x30: {  	[hbm4b:s28+s13] =	stream.strided.scatter [tilespmem:s2], [sflag:$0x5], $0x100, s29, s13, $0x38;
	[tilespmem:$0x8110] =	vst v63  }
0x31: {  	s2 =	simm.s32 $0x5  }
0x32: {  	_ =	swait.ge [sflag:s2], $0x100  }
0x33: {  	s30 =	rddreg [dreg:$0xa]  }
0x34: {  	s31 =	rddreg [dreg:$0x9];
	s1 =	sadd.s32 $0x1, s30  }
0x35: {  	p0 =	sne.s32 s1, s31  }
.Ltmp1:
0x36: {  	_ = 	snop;
	(pc) =	sbr.rel @!p0 .LBB2_47-.Ltmp1, $3  }
0x37: {  	_ =	sdelay $0x1  }
0x38: {  	[sflag:s2] =	ssyncset.done $0x0  }
0x39: {  	[sflag:s2] =	ssyncadd.s32 $0xFFFFFF00  }
.LBB2_1:
0x3a: {  	[dreg:$0xa] =	wrdreg s1  }
0x3b: {  	s0 =	rddreg [dreg:$0x1];
	s31 =	simm.s32 $0x0  }
0x3c: {  	[tilespmem:s31], [sflag:$0x5] =	stream.linear.gather [hbm4b:s0+s31], $0x10, $0x38;
	[tilespmem:$0x8110] =	vst v63  }
0x3d: {  	_ =	swait.ge [sflag:s2], $0x10  }
0x3e: {  	[sflag:s2] =	ssyncset.done $0x0  }
0x3f: {  	[sflag:s2] =	ssyncadd.s32 $0xFFFFFFF0  }
0x40: {  	v1 =	vld [tilespmem:$0x0];
	_ =	sdelay $0x4  }
0x41: {  	(v2sf) =	vpush v1, $0x0  }
0x42: {  	(v2sf) =	vpush v1, $0x1  }
0x43: {  	(v2sf) =	vpush v1, $0x2  }
0x44: {  	(v2sf) =	vpush v1, $0x3  }
0x45: {  	(v2sf) =	vpush v1, $0x4  }
0x46: {  	(v2sf) =	vpush v1, $0x5  }
0x47: {  	(v2sf) =	vpush v1, $0x6  }
0x48: {  	(v2sf) =	vpush v1, $0x7  }
0x49: {  	(v2sf) =	vpush v1, $0x8  }
0x4a: {  	(v2sf) =	vpush v1, $0x9  }
0x4b: {  	(v2sf) =	vpush v1, $0xA  }
0x4c: {  	(v2sf) =	vpush v1, $0xB  }
0x4d: {  	(v2sf) =	vpush v1, $0xC  }
0x4e: {  	(v2sf) =	vpush v1, $0xD  }
0x4f: {  	(v2sf) =	vpush v1, $0xE  }
0x50: {  	s16 =	spop (v2sf);
	(v2sf) =	vpush v1, $0xF  }
0x51: {  	s0 =	spop (v2sf)  }
0x52: {  	s2 =	spop (v2sf);
	s11 =	sadd.s32 s0, s16  }
0x53: {  	s3 =	spop (v2sf);
	s12 =	sadd.s32 s2, s11  }
0x54: {  	s4 =	spop (v2sf);
	s15 =	sadd.s32 s3, s12  }
0x55: {  	s5 =	spop (v2sf);
	s18 =	sadd.s32 s4, s15  }
0x56: {  	s6 =	spop (v2sf);
	s19 =	sadd.s32 s5, s18  }
0x57: {  	s7 =	spop (v2sf);
	s20 =	sadd.s32 s6, s19  }
0x58: {  	s8 =	spop (v2sf);
	s21 =	sadd.s32 s7, s20  }
0x59: {  	s9 =	spop (v2sf);
	s22 =	sadd.s32 s8, s21  }
0x5a: {  	s10 =	spop (v2sf);
	s23 =	sadd.s32 s9, s22  }
0x5b: {  	s17 =	spop (v2sf);
	s24 =	sadd.s32 s10, s23  }
0x5c: {  	[dreg:$0x14] =	wrdreg s6;
	s25 =	spop (v2sf);
	s6 =	sadd.s32 s17, s24  }
0x5d: {  	s26 =	spop (v2sf);
	[dreg:$0xe] =	wrdreg s25;
	s25 =	sadd.s32 s25, s6  }
0x5e: {  	[tilespmem:$0x8010] =	vst v0;
	[dreg:$0x18] =	wrdreg s2;
	s28 =	spop (v2sf);
	s2 =	sadd.s32 s26, s25  }
0x5f: {  	[tilespmem:$0x8020] =	vst v0;
	[dreg:$0x19] =	wrdreg s0;
	s1 =	sadd.s32 s28, s2;
	s29 =	spop (v2sf)  }
0x60: {  	[tilespmem:$0x8030] =	vst v0;
	[dreg:$0xf] =	wrdreg s17;
	s17 =	sadd.s32 s29, s1  }
0x61: {  	[tilespmem:$0x8040] =	vst v0;
	[dreg:$0x17] =	wrdreg s3;
	s0 =	sadd.s32 $0x1FF, s17  }
0x62: {  	[tilespmem:$0x8050] =	vst v0;
	[dreg:$0x16] =	wrdreg s4;
	s30 =	sand.u32 $0x1FF, s0  }
0x63: {  	[tilespmem:$0x8060] =	vst v0;
	p1 =	slt.s32 s0, $0x1;
	s31 =	sshra.s32 s0, $0x1F;
	p0 =	sne.s32 s30, $0x0  }
0x64: {  	[tilespmem:$0x8070] =	vst v0;
	[dreg:$0x1c] =	wrdreg s1;
	s1 =	sshrl.u32 s31, $0x17;
	p0 =	por !p1, !p0  }
0x65: {  	[tilespmem:$0x8080] =	vst v0;
	s0 =	sadd.s32 s1, s0;
	s1 =	simm.s32 $0x1;
	p0 =	por !p0, !p0  }
0x66: {  	[tilespmem:$0x8090] =	vst v0;
	[dreg:$0x15] =	wrdreg s5;
	s0 =	sshra.s32 s0, $0x9;
	s1 =	simm.s32 @!p0 $0x0  }
0x67: {  	[tilespmem:$0x80A0] =	vst v0;
	[dreg:$0x12] =	wrdreg s8;
	s8 =	ssub.s32 s0, s1  }
0x68: {  	[tilespmem:$0x80B0] =	vst v0;
	[dreg:$0x13] =	wrdreg s7;
	p0 =	slt.s32 s8, $0x1  }
.Ltmp2:
0x69: {  	[tilespmem:$0x80C0] =	vst v0;
	[dreg:$0x11] =	wrdreg s9;
	(pc) =	sbr.rel @p0 .LBB2_46-.Ltmp2, $4  }
0x6a: {  	[tilespmem:$0x80D0] =	vst v0;
	[dreg:$0x10] =	wrdreg s10  }
0x6b: {  	[tilespmem:$0x80E0] =	vst v0;
	[dreg:$0xd] =	wrdreg s26  }
0x6c: {  	[tilespmem:$0x80F0] =	vst v0;
	[dreg:$0xc] =	wrdreg s28  }
0x6d: {  	[tilespmem:$0x8100] =	vst v0;
	[dreg:$0xb] =	wrdreg s29  }
0x6e: {  	[dreg:$0x1b] =	wrdreg s2  }
0x6f: {  	s3 =	rddreg [dreg:$0x1a]  }
0x70: {  	s0 =	simm.s32 $0x200;
	s2 =	simm.s32 $0x10;
	s1 =	sadd.s32 $0x0, s3  }
.LBB2_3:
0x71: {  	[tilespmem:s2], [sflag:$0x1] =	stream.strided.gather [hbm4b:s1+s13], $0x80, s14, s13, $0x38;
	[tilespmem:$0x8110] =	vst v63  }
0x72: {  	s1 =	smov.u32 s0;
	p0 =	sne.s32 s0, $0x7E00  }
.Ltmp3:
0x73: {  	s0 =	sadd.s32 $0x200, s0;
	(pc) =	sbr.rel @p0 .LBB2_3-.Ltmp3, $3  }
0x74: {  	_ =	sdelay $0x1  }
0x75: {  	s2 =	sshra.s32 s1, $0x2  }
0x76: {  	s1 =	sadd.s32 s1, s3;
	s2 =	sadd.s32 $0x10, s2  }
0x77: {  	p0 =	seq.s32 s8, $0x1  }
.Ltmp4:
0x78: {  	_ = 	snop;
	(pc) =	sbr.rel @p0 .LBB2_14-.Ltmp4, $3  }
0x79: {  	_ =	sdelay $0x1  }
0x7a: {  	[tilespmem:s2], [sflag:$0x1] =	stream.strided.gather [hbm4b:s1+s13], $0x80, s14, s13, $0x38;
	[tilespmem:$0x8110] =	vst v63  }
0x7b: {  	s3 =	rddreg [dreg:$0x5]  }
0x7c: {  	s0 =	simm.s32 $0x200;
	s1 =	sadd.s32 $0x0, s3;
	s2 =	simm.s32 $0x2010  }
.LBB2_6:
0x7d: {  	[tilespmem:s2], [sflag:$0x2] =	stream.strided.gather [hbm4b:s1+s13], $0x80, s14, s13, $0x38;
	[tilespmem:$0x8110] =	vst v63  }
0x7e: {  	s1 =	smov.u32 s0;
	p0 =	sne.s32 s0, $0x7E00  }
.Ltmp5:
0x7f: {  	s0 =	sadd.s32 $0x200, s0;
	(pc) =	sbr.rel @p0 .LBB2_6-.Ltmp5, $3  }
0x80: {  	_ =	sdelay $0x1  }
0x81: {  	s2 =	sshra.s32 s1, $0x2  }
0x82: {  	s1 =	sadd.s32 s1, s3;
	s2 =	sadd.s32 $0x2010, s2  }
0x83: {  	p0 =	slt.u32 s8, $0x3  }
.Ltmp6:
0x84: {  	_ = 	snop;
	(pc) =	sbr.rel @p0 .LBB2_14-.Ltmp6, $2  }
0x85: {  	_ =	sdelay $0x2  }
0x86: {  	[tilespmem:s2], [sflag:$0x2] =	stream.strided.gather [hbm4b:s1+s13], $0x80, s14, s13, $0x38;
	[tilespmem:$0x8110] =	vst v63  }
0x87: {  	s3 =	rddreg [dreg:$0x6]  }
0x88: {  	s0 =	simm.s32 $0x200;
	s2 =	simm.s32 $0x4010;
	s1 =	sadd.s32 $0x0, s3  }
.LBB2_9:
0x89: {  	[tilespmem:s2], [sflag:$0x3] =	stream.strided.gather [hbm4b:s1+s13], $0x80, s14, s13, $0x38;
	[tilespmem:$0x8110] =	vst v63  }
0x8a: {  	s1 =	smov.u32 s0;
	p0 =	sne.s32 s0, $0x7E00  }
.Ltmp7:
0x8b: {  	s0 =	sadd.s32 $0x200, s0;
	(pc) =	sbr.rel @p0 .LBB2_9-.Ltmp7, $3  }
0x8c: {  	_ =	sdelay $0x1  }
0x8d: {  	s2 =	sshra.s32 s1, $0x2  }
0x8e: {  	s1 =	sadd.s32 s1, s3;
	s2 =	sadd.s32 $0x4010, s2  }
0x8f: {  	p0 =	seq.s32 s8, $0x3  }
.Ltmp8:
0x90: {  	_ = 	snop;
	(pc) =	sbr.rel @p0 .LBB2_14-.Ltmp8, $2  }
0x91: {  	_ =	sdelay $0x2  }
0x92: {  	[tilespmem:s2], [sflag:$0x3] =	stream.strided.gather [hbm4b:s1+s13], $0x80, s14, s13, $0x38;
	[tilespmem:$0x8110] =	vst v63  }
0x93: {  	s3 =	rddreg [dreg:$0x7]  }
0x94: {  	s0 =	simm.s32 $0x200;
	s2 =	simm.s32 $0x6010;
	s1 =	sadd.s32 $0x0, s3  }
.LBB2_12:
0x95: {  	[tilespmem:s2], [sflag:$0x4] =	stream.strided.gather [hbm4b:s1+s13], $0x80, s14, s13, $0x38;
	[tilespmem:$0x8110] =	vst v63  }
0x96: {  	s1 =	smov.u32 s0;
	p0 =	sne.s32 s0, $0x7E00  }
.Ltmp9:
0x97: {  	s0 =	sadd.s32 $0x200, s0;
	(pc) =	sbr.rel @p0 .LBB2_12-.Ltmp9, $3  }
0x98: {  	_ =	sdelay $0x1  }
0x99: {  	s2 =	sshra.s32 s1, $0x2  }
0x9a: {  	s1 =	sadd.s32 s1, s3;
	s2 =	sadd.s32 $0x6010, s2  }
0x9b: {  	[tilespmem:s2], [sflag:$0x4] =	stream.strided.gather [hbm4b:s1+s13], $0x80, s14, s13, $0x38;
	[tilespmem:$0x8110] =	vst v63  }
.LBB2_14:
.Ltmp10:
0x9c: {  	(pc) =	sbr.rel .LBB2_15-.Ltmp10, $4  }
0x9d: {  	s2 =	rddreg [dreg:$0x1b]  }
0x9e: {  	s0 =	simm.s32 $0x200;
	[dreg:$0x1d] =	wrdreg s8  }
0x9f: {  	s31 =	simm.s32 $0x0;
	[dreg:$0x1e] =	wrdreg s0  }
0xa0: {  	s10 =	simm.s32 $0x0;
	s9 =	simm.s32 $0x0;
	[smem:$0x7FD] =	sst s31  }
.LBB2_45:
0xa1: {  	s9 =	sadd.s32 $0x1, s9  }
0xa2: {  	p0 =	sne.s32 s9, s8  }
.Ltmp11:
0xa3: {  	s31 =	sld [smem:$0x7FD];
	(pc) =	sbr.rel @!p0 .LBB2_46-.Ltmp11, $4  }
0xa4: {  	s0 =	rddreg [dreg:$0x1e]  }
0xa5: {  	s0 =	sadd.s32 $0x200, s0  }
0xa6: {  	[dreg:$0x1e] =	wrdreg s0;
	s0 =	sadd.s32 $0xFFFFFFFF, s31  }
0xa7: {  	s10 =	sadd.s32 $0x1, s10;
	[smem:$0x7FD] =	sst s0  }
.LBB2_15:
0xa8: {  	s7 =	sshll.u32 s9, $0x9  }
0xa9: {  	s0 =	sadd.s32 $0x200, s7  }
0xaa: {  	s3 =	smov.u32 s17;
	p0 =	slt.s32 s0, s17  }
0xab: {  	s3 =	smov.u32 @p0 s0;
	p0 =	sle.s32 s16, s7;
	s0 =	simm.s32 $0x1  }
0xac: {  	s1 =	simm.s32 $0x1;
	s0 =	simm.s32 @!p0 $0x0;
	p0 =	slt.s32 s16, s3  }
0xad: {  	s4 =	simm.s32 $0x1;
	s1 =	simm.s32 @!p0 $0x0;
	p0 =	sle.s32 s11, s7  }
0xae: {  	s5 =	simm.s32 $0x1;
	s4 =	simm.s32 @!p0 $0x0;
	p0 =	slt.s32 s11, s3  }
0xaf: {  	s8 =	simm.s32 $0x1;
	s0 =	sadd.s32 s4, s0;
	s5 =	simm.s32 @!p0 $0x0  }
0xb0: {  	p0 =	sle.s32 s12, s7;
	s4 =	simm.s32 $0x1;
	s1 =	sadd.s32 s5, s1  }
0xb1: {  	s4 =	simm.s32 @!p0 $0x0;
	p0 =	slt.s32 s12, s3;
	s5 =	simm.s32 $0x1  }
0xb2: {  	s30 =	rddreg [dreg:$0x1c];
	s5 =	simm.s32 @!p0 $0x0;
	p0 =	sle.s32 s15, s7  }
0xb3: {  	s0 =	sadd.s32 s4, s0;
	s4 =	simm.s32 $0x1;
	s1 =	sadd.s32 s5, s1  }
0xb4: {  	s8 =	simm.s32 @!p0 $0x0;
	p0 =	slt.s32 s15, s3;
	s5 =	simm.s32 $0x1  }
0xb5: {  	s0 =	sadd.s32 s8, s0;
	s4 =	simm.s32 @!p0 $0x0;
	p0 =	sle.s32 s18, s7  }
0xb6: {  	s8 =	simm.s32 $0x1;
	s5 =	simm.s32 @!p0 $0x0;
	p0 =	slt.s32 s18, s3  }
0xb7: {  	s1 =	sadd.s32 s4, s1;
	s4 =	simm.s32 $0x1;
	s0 =	sadd.s32 s5, s0  }
0xb8: {  	s8 =	simm.s32 @!p0 $0x0;
	p0 =	sle.s32 s19, s7;
	s5 =	simm.s32 $0x1  }
0xb9: {  	s1 =	sadd.s32 s8, s1;
	s4 =	simm.s32 @!p0 $0x0;
	p0 =	slt.s32 s19, s3  }
0xba: {  	s8 =	simm.s32 $0x1;
	s5 =	simm.s32 @!p0 $0x0;
	p0 =	sle.s32 s20, s7  }
0xbb: {  	s0 =	sadd.s32 s4, s0;
	s4 =	simm.s32 $0x1;
	s1 =	sadd.s32 s5, s1  }
0xbc: {  	s8 =	simm.s32 @!p0 $0x0;
	p0 =	slt.s32 s20, s3;
	s5 =	simm.s32 $0x1  }
0xbd: {  	s0 =	sadd.s32 s8, s0;
	s4 =	simm.s32 @!p0 $0x0;
	p0 =	sle.s32 s21, s7  }
0xbe: {  	s8 =	simm.s32 $0x1;
	s5 =	simm.s32 @!p0 $0x0;
	p0 =	slt.s32 s21, s3  }
0xbf: {  	s1 =	sadd.s32 s4, s1;
	s4 =	simm.s32 $0x1;
	s0 =	sadd.s32 s5, s0  }
0xc0: {  	s8 =	simm.s32 @!p0 $0x0;
	p0 =	sle.s32 s22, s7;
	s5 =	simm.s32 $0x1  }
0xc1: {  	s1 =	sadd.s32 s8, s1;
	s4 =	simm.s32 @!p0 $0x0;
	p0 =	slt.s32 s22, s3  }
0xc2: {  	s8 =	simm.s32 $0x1;
	s5 =	simm.s32 @!p0 $0x0;
	p0 =	sle.s32 s23, s7  }
0xc3: {  	s0 =	sadd.s32 s4, s0;
	s4 =	simm.s32 $0x1;
	s1 =	sadd.s32 s5, s1  }
0xc4: {  	s8 =	simm.s32 @!p0 $0x0;
	p0 =	slt.s32 s23, s3;
	s5 =	simm.s32 $0x1  }
0xc5: {  	s0 =	sadd.s32 s8, s0;
	s4 =	simm.s32 @!p0 $0x0;
	p0 =	sle.s32 s24, s7  }
0xc6: {  	s8 =	simm.s32 $0x1;
	s5 =	simm.s32 @!p0 $0x0;
	p0 =	slt.s32 s24, s3  }
0xc7: {  	s1 =	sadd.s32 s4, s1;
	s4 =	simm.s32 $0x1;
	s0 =	sadd.s32 s5, s0  }
0xc8: {  	s8 =	simm.s32 @!p0 $0x0;
	p0 =	sle.s32 s6, s7;
	s5 =	simm.s32 $0x1  }
0xc9: {  	s1 =	sadd.s32 s8, s1;
	s4 =	simm.s32 @!p0 $0x0;
	p0 =	slt.s32 s6, s3  }
0xca: {  	s8 =	simm.s32 $0x1;
	s5 =	simm.s32 @!p0 $0x0;
	p0 =	sle.s32 s25, s7  }
0xcb: {  	s0 =	sadd.s32 s4, s0;
	s4 =	simm.s32 $0x1;
	s1 =	sadd.s32 s5, s1  }
0xcc: {  	s8 =	simm.s32 @!p0 $0x0;
	p0 =	slt.s32 s25, s3;
	s5 =	simm.s32 $0x1  }
0xcd: {  	s0 =	sadd.s32 s8, s0;
	s4 =	simm.s32 @!p0 $0x0;
	p0 =	sle.s32 s2, s7  }
0xce: {  	s8 =	simm.s32 $0x1;
	s5 =	simm.s32 @!p0 $0x0;
	p0 =	slt.s32 s2, s3  }
0xcf: {  	s1 =	sadd.s32 s4, s1;
	s0 =	sadd.s32 s5, s0;
	s8 =	simm.s32 @!p0 $0x0  }
0xd0: {  	p0 =	sle.s32 s30, s7;
	s4 =	sadd.s32 s8, s1;
	s1 =	simm.s32 $0x1  }
0xd1: {  	s5 =	simm.s32 $0x1;
	s1 =	simm.s32 @!p0 $0x0;
	p0 =	slt.s32 s30, s3  }
0xd2: {  	s8 =	simm.s32 $0x1;
	s5 =	simm.s32 @!p0 $0x0;
	p0 =	sle.s32 s17, s7  }
0xd3: {  	s0 =	sadd.s32 s1, s0;
	s8 =	simm.s32 @!p0 $0x0  }
0xd4: {  	s5 =	sadd.s32 s5, s4;
	s28 =	sadd.s32 s8, s0  }
0xd5: {  	p0 =	sgt.u32 s28, s5  }
.Ltmp12:
0xd6: {  	[smem:$0x7FB] =	sst s9;
	s9 =	sand.u32 $0x3, s9;
	(pc) =	sbr.rel @!p0 .LBB2_16-.Ltmp12, $4  }
0xd7: {  	s1 =	sadd.s32 $0x1, s9  }
0xd8: {  	_ =	swait.ge [sflag:s1], $0x2000  }
0xd9: {  	s31 =	sand.u32 $0x3, s10;
	[dreg:$0x1f] =	wrdreg s10;
	[sflag:s1] =	ssyncset.done $0x0  }
0xda: {  	[smem:$0x7FC] =	sst s31;
	[sflag:s1] =	ssyncadd.s32 $0xFFFFE000  }
.LBB2_41:
0xdb: {  	s9 =	sld [smem:$0x7FB];
	_ =	sdelay $0x2  }
0xdc: {  	s8 =	rddreg [dreg:$0x1d];
	s0 =	sadd.s32 $0x4, s9  }
0xdd: {  	p0 =	sge.s32 s0, s8  }
.Ltmp13:
0xde: {  	_ = 	snop;
	(pc) =	sbr.rel @p0 .LBB2_45-.Ltmp13, $2  }
0xdf: {  	_ =	sdelay $0x2  }
0xe0: {  	s10 =	rddreg [dreg:$0x1f]  }
0xe1: {  	s30 =	sld [smem:$0x7FC]  }
0xe2: {  	s0 =	sshll.u32 s0, $0x12;
	s3 =	rddreg [dreg:$0x4]  }
0xe3: {  	s0 =	sor.u32 s3, s0  }
0xe4: {  	s31 =	rddreg [dreg:$0x0];
	s4 =	sshrl.u32 s0, $0x3;
	s3 =	sshll.u32 s30, $0xD  }
0xe5: {  	s0 =	sor.u32 $0x10, s3;
	s3 =	sadd.s32 s31, s4  }
0xe6: {  	s4 =	simm.s32 $0x200;
	s5 =	sadd.s32 $0x0, s3;
	s7 =	sadd.s32 $0x0, s0  }
.LBB2_43:
0xe7: {  	[tilespmem:s7], [sflag:s1] =	stream.strided.gather [hbm4b:s5+s13], $0x80, s14, s13, $0x38;
	[tilespmem:$0x8110] =	vst v63  }
0xe8: {  	s5 =	smov.u32 s4;
	p0 =	sne.s32 s4, $0x7E00  }
.Ltmp14:
0xe9: {  	s4 =	sadd.s32 $0x200, s4;
	(pc) =	sbr.rel @p0 .LBB2_43-.Ltmp14, $3  }
0xea: {  	_ =	sdelay $0x1  }
0xeb: {  	s7 =	sshra.s32 s5, $0x2  }
0xec: {  	s5 =	sadd.s32 s5, s3;
	s7 =	sadd.s32 s7, s0  }
.Ltmp15:
0xed: {  	(pc) =	sbr.rel .LBB2_45-.Ltmp15, $2  }
0xee: {  	_ =	sdelay $0x2  }
0xef: {  	[tilespmem:s7], [sflag:s1] =	stream.strided.gather [hbm4b:s5+s13], $0x80, s14, s13, $0x38;
	[tilespmem:$0x8110] =	vst v63  }
.LBB2_16:
0xf0: {  	s0 =	sld [smem:$0x7FD]  }
0xf1: {  	s4 =	sld [smem:$0x7FC];
	_ =	sdelay $0x2  }
.Ltmp16:
0xf2: {  	s31 =	sld [smem:$0x7FB];
	s0 =	sadd.s32 s4, s0;
	(pc) =	sbr.rel .LBB2_17-.Ltmp16, $4  }
0xf3: {  	s0 =	sshll.u32 s0, $0xF  }
0xf4: {  	s0 =	sshra.s32 s0, $0x2  }
0xf5: {  	[smem:$0x7FA] =	sst s3;
	s4 =	ssub.s32 s9, s31;
	s0 =	sadd.s32 $0x50, s0  }
0xf6: {  	s9 =	sshll.u32 s4, $0x6;
	[smem:$0x7F9] =	sst s0  }
.LBB2_35:
0xf7: {  	v2 =	vmov v1  }
.LBB2_39:
0xf8: {  	s0 =	sor.u32 s8, s0  }
0xf9: {  	v4 =	vld [tilespmem:s0+$0x10];
	_ =	sdelay $0x1  }
0xfa: {  	v2 =	vadd.f32 @p0 v3, v2;
	_ =	sdelay $0x1  }
0xfb: {  	v1 =	vpsel p0, v2, v1  }
0xfc: {  	v1 =	vadd.f32 v4, v1  }
.LBB2_40:
0xfd: {  	s0 =	sshll.u32 s28, $0x6  }
0xfe: {  	s0 =	sshrl.u32 s0, $0x2  }
0xff: {  	v2 =	vld [tilespmem:s0+$0x8010];
	_ =	sdelay $0x1  }
0x100: {  	p0 =	sne.s32 s28, s5  }
.Ltmp17:
0x101: {  	_ = 	snop;
	(pc) =	sbr.rel @!p0 .LBB2_41-.Ltmp17, $4  }
0x102: {  	_ = 	snop  }
0x103: {  	v1 =	vadd.f32 v1, v2  }
0x104: {  	s4 =	sadd.s32 $0x1, s28  }
0x105: {  	s7 =	smov.u32 s26;
	s28 =	smov.u32 s4;
	[tilespmem:s0+$0x8010] =	vst v1  }
.LBB2_17:
0x106: {  	p0 =	seq.s32 s28, $0x1;
	s0 =	smov.u32 s16  }
0x107: {  	s0 =	smov.u32 @p0 s11;
	p0 =	seq.s32 s28, $0x2  }
0x108: {  	s0 =	smov.u32 @p0 s12;
	p0 =	seq.s32 s28, $0x3  }
0x109: {  	s0 =	smov.u32 @p0 s15;
	p0 =	seq.s32 s28, $0x4  }
0x10a: {  	s0 =	smov.u32 @p0 s18;
	p0 =	seq.s32 s28, $0x5  }
0x10b: {  	s0 =	smov.u32 @p0 s19;
	p0 =	seq.s32 s28, $0x6  }
0x10c: {  	s0 =	smov.u32 @p0 s20;
	p0 =	seq.s32 s28, $0x7  }
0x10d: {  	s0 =	smov.u32 @p0 s21;
	p0 =	seq.s32 s28, $0x8  }
0x10e: {  	s0 =	smov.u32 @p0 s22;
	p0 =	seq.s32 s28, $0x9  }
0x10f: {  	s0 =	smov.u32 @p0 s23;
	p0 =	seq.s32 s28, $0xA  }
0x110: {  	s0 =	smov.u32 @p0 s24;
	p0 =	seq.s32 s28, $0xB  }
0x111: {  	s0 =	smov.u32 @p0 s6;
	p0 =	seq.s32 s28, $0xC  }
0x112: {  	s0 =	smov.u32 @p0 s25;
	p0 =	seq.s32 s28, $0xD  }
0x113: {  	s4 =	rddreg [dreg:$0x1c];
	s0 =	smov.u32 @p0 s2;
	p0 =	seq.s32 s28, $0xE  }
0x114: {  	s0 =	smov.u32 @p0 s4;
	p0 =	seq.s32 s28, $0xF  }
0x115: {  	s0 =	smov.u32 @p0 s17  }
0x116: {  	s4 =	smov.u32 s7;
	p0 =	sgt.s32 s0, s7  }
0x117: {  	s4 =	smov.u32 @p0 s0  }
0x118: {  	s26 =	smov.u32 s3;
	s10 =	sadd.s32 $0x7, s7;
	p0 =	slt.s32 s4, s3  }
0x119: {  	s31 =	sand.u32 $0xFFFFFFF8, s10;
	s26 =	smov.u32 @p0 s4  }
0x11a: {  	p0 =	slt.s32 s31, s26;
	s30 =	smov.u32 s26  }
0x11b: {  	s30 =	smov.u32 @p0 s31  }
0x11c: {  	p0 =	sge.s32 s7, s30  }
.Ltmp18:
0x11d: {  	_ = 	snop;
	(pc) =	sbr.rel @p0 .LBB2_25-.Ltmp18, $4  }
0x11e: {  	_ = 	snop  }
0x11f: {  	s29 =	rddreg [dreg:$0x1e]  }
0x120: {  	p1 =	slt.s32 s4, s29  }
0x121: {  	v2 =	vimm.f32 $0.0e+00;
	v1 =	vimm.f32 $0.0e+00;
	s29 =	smov.u32 @p1 s4  }
0x122: {  	s8 =	smov.u32 s17  }
0x123: {  	s3 =	smov.u32 s5;
	s5 =	smov.u32 s6;
	s6 =	smov.u32 s24  }
0x124: {  	s24 =	smov.u32 s22;
	p0 =	slt.s32 s29, s31;
	s0 =	smov.u32 s31  }
0x125: {  	s22 =	smov.u32 s20;
	s20 =	smov.u32 s18;
	s0 =	smov.u32 @p0 s29  }
0x126: {  	s18 =	smov.u32 s12;
	s12 =	smov.u32 s11;
	p0 =	slt.s32 s0, s17  }
0x127: {  	s11 =	smov.u32 s16;
	s16 =	sadd.s32 $0x1, s7;
	s8 =	smov.u32 @p0 s0  }
0x128: {  	p1 =	sne.s32 s8, s16  }
.Ltmp19:
0x129: {  	s2 =	smov.u32 s25;
	(pc) =	sbr.rel @!p1 .LBB2_19-.Ltmp19, $4  }
0x12a: {  	s25 =	smov.u32 s23;
	s23 =	smov.u32 s21;
	s4 =	sshrl.u32 s7, $0x3  }
0x12b: {  	s21 =	smov.u32 s19;
	s19 =	smov.u32 s15;
	s15 =	sadd.s32 s9, s4  }
0x12c: {  	s4 =	sshll.u32 s7, $0x4;
	s0 =	sshll.u32 s15, $0x9  }
0x12d: {  	v1 =	vimm.f32 $0.0e+00;
	s15 =	sand.u32 $0x70, s4;
	p0 =	por $0x0, $0x0;
	s0 =	sshra.s32 s0, $0x2  }
0x12e: {  	s7 =	sadd.s32 $0x1, s16  }
0x12f: {  	p1 =	sne.s32 s8, s7  }
.Ltmp20:
0x130: {  	s0 =	sor.u32 s15, s0;
	(pc) =	sbr.rel @!p1 .LBB2_21-.Ltmp20, $4  }
0x131: {  	s10 =	sshrl.u32 s16, $0x3;
	v4 =	vld [tilespmem:s0+$0x10]  }
0x132: {  	s10 =	sadd.s32 s9, s10  }
0x133: {  	s4 =	sadd.s32 $0x10, s4;
	s10 =	sshll.u32 s10, $0x9  }
0x134: {  	p0 =	por $0x1, $0x1;
	v3 =	vimm.f32 $0.0e+00;
	s15 =	sand.u32 $0x70, s4;
	s0 =	sshra.s32 s10, $0x2  }
.LBB2_22:
0x135: {  	s10 =	smov.u32 s7;
	s7 =	sadd.s32 $0x1, s7  }
0x136: {  	s0 =	sor.u32 s15, s0;
	v3 =	vadd.f32 v4, v3;
	p1 =	sne.s32 s8, s7  }
.Ltmp21:
0x137: {  	v4 =	vld [tilespmem:s0+$0x10];
	(pc) =	sbr.rel @p1 .LBB2_22-.Ltmp21, $4  }
0x138: {  	s0 =	sshrl.u32 s10, $0x3  }
0x139: {  	s0 =	sadd.s32 s9, s0  }
0x13a: {  	s4 =	sadd.s32 $0x10, s4;
	s0 =	sshll.u32 s0, $0x9  }
0x13b: {  	s15 =	sand.u32 $0x70, s4;
	s0 =	sshra.s32 s0, $0x2  }
0x13c: {  	s16 =	smov.u32 s11  }
.LBB2_24:
0x13d: {  	s0 =	sor.u32 s15, s0  }
0x13e: {  	v5 =	vld [tilespmem:s0+$0x10]  }
0x13f: {  	s11 =	smov.u32 s12;
	s12 =	smov.u32 s18;
	s15 =	smov.u32 s19  }
0x140: {  	v3 =	vadd.f32 @p0 v4, v3;
	s18 =	smov.u32 s20;
	s19 =	smov.u32 s21;
	s20 =	smov.u32 s22  }
0x141: {  	s21 =	smov.u32 s23;
	s22 =	smov.u32 s24;
	s23 =	smov.u32 s25  }
0x142: {  	s24 =	smov.u32 s6;
	s25 =	smov.u32 s2;
	s2 =	rddreg [dreg:$0x1b];
	v1 =	vpsel p0, v3, v1  }
0x143: {  	s6 =	smov.u32 s5;
	s5 =	smov.u32 s3;
	s3 =	sld [smem:$0x7FA];
	v1 =	vadd.f32 v5, v1  }
.LBB2_25:
0x144: {  	s4 =	sand.u32 $0xFFFFFFF8, s26  }
0x145: {  	p0 =	sgt.s32 s4, s30  }
0x146: {  	s0 =	sshra.s32 s30, $0x3;
	s30 =	smov.u32 @p0 s4  }
0x147: {  	s4 =	sshra.s32 s30, $0x3  }
0x148: {  	p0 =	sle.s32 s4, s0  }
.Ltmp22:
0x149: {  	_ = 	snop;
	(pc) =	sbr.rel @p0 .LBB2_26-.Ltmp22, $1  }
0x14a: {  	_ =	sdelay $0x3  }
0x14b: {  	s7 =	sshll.u32 s0, $0x9;
	s0 =	ssub.s32 s4, s0  }
0x14c: {  	p1 =	sne.s32 s0, $0x1  }
.Ltmp23:
0x14d: {  	s10 =	sld [smem:$0x7F9];
	(pc) =	sbr.rel @!p1 .LBB2_28-.Ltmp23, $4  }
0x14e: {  	_ = 	snop  }
0x14f: {  	s8 =	sshra.s32 s7, $0x2  }
0x150: {  	s7 =	sadd.s32 s8, s10  }
0x151: {  	v2 =	vimm.f32 $0.0e+00;
	p0 =	por $0x0, $0x0;
	s0 =	sadd.s32 $0xFFFFFFFF, s0;
	v5 =	vld [tilespmem:s7+$0x30]  }
0x152: {  	v3 =	vld [tilespmem:s7+$0xFFFFFFD0]  }
0x153: {  	v6 =	vld [tilespmem:s7+$0xFFFFFFE0]  }
0x154: {  	v7 =	vld [tilespmem:s7+$0xFFFFFFF0];
	p1 =	sne.s32 s0, $0x1  }
.Ltmp24:
0x155: {  	v8 =	vld [tilespmem:s7+$0x0];
	(pc) =	sbr.rel @!p1 .LBB2_30-.Ltmp24, $4  }
0x156: {  	v9 =	vld [tilespmem:s7+$0x10]  }
0x157: {  	v10 =	vld [tilespmem:s7+$0x20];
	v11 =	vimm.f32 $0.0e+00  }
0x158: {  	v13 =	vld [tilespmem:s7+$0xFFFFFFC0];
	s7 =	sadd.s32 $0x80, s7;
	v12 =	vimm.f32 $0.0e+00;
	v4 =	vadd.f32 v5, v2;
	v3 =	vadd.f32 v3, v2  }
0x159: {  	s8 =	sadd.s32 $0xFFFFFFFF, s0;
	p0 =	por $0x1, $0x1;
	v14 =	vimm.f32 $0.0e+00;
	v15 =	vmovc v1;
	v5 =	vld [tilespmem:s7+$0x30];
	v6 =	vadd.f32 v6, v2;
	v7 =	vadd.f32 v7, v2  }
.LBB2_31:
0x15a: {  	p1 =	sne.s32 s8, $0x1;
	v16 =	vld [tilespmem:s7+$0xFFFFFFD0];
	v11 =	vadd.f32 v8, v11  }
0x15b: {  	v17 =	vld [tilespmem:s7+$0xFFFFFFE0];
	v12 =	vadd.f32 v9, v12  }
0x15c: {  	v18 =	vld [tilespmem:s7+$0xFFFFFFF0];
	v14 =	vadd.f32 v10, v14  }
.Ltmp25:
0x15d: {  	v8 =	vld [tilespmem:s7+$0x0];
	v15 =	vadd.f32 v13, v15;
	(pc) =	sbr.rel @p1 .LBB2_31-.Ltmp25, $4  }
0x15e: {  	v9 =	vld [tilespmem:s7+$0x10];
	v4 =	vadd.f32 v5, v4  }
0x15f: {  	v3 =	vadd.f32 v16, v3;
	v10 =	vld [tilespmem:s7+$0x20]  }
0x160: {  	v13 =	vld [tilespmem:s7+$0xFFFFFFC0];
	v6 =	vadd.f32 v17, v6;
	s7 =	sadd.s32 $0x80, s7  }
0x161: {  	s8 =	sadd.s32 $0xFFFFFFFF, s8;
	v5 =	vld [tilespmem:s7+$0x30];
	v7 =	vadd.f32 v18, v7  }
.LBB2_32:
0x162: {  	v16 =	vld [tilespmem:s7+$0xFFFFFFE0]  }
0x163: {  	v17 =	vld [tilespmem:s7+$0x0]  }
0x164: {  	v18 =	vld [tilespmem:s7+$0x10]  }
0x165: {  	v19 =	vld [tilespmem:s7+$0x20]  }
0x166: {  	v8 =	vadd.f32 @p0 v8, v11;
	v62 =	vld [tilespmem:s7+$0xFFFFFFF0];
	v9 =	vadd.f32 @p0 v9, v12  }
0x167: {  	v10 =	vadd.f32 @p0 v10, v14  }
0x168: {  	v63 =	vld [tilespmem:s7+$0xFFFFFFD0];
	v8 =	vpsel p0, v8, v2;
	v13 =	vadd.f32 @p0 v13, v15;
	v9 =	vpsel p0, v9, v2  }
0x169: {  	v4 =	vadd.f32 v5, v4;
	v5 =	vld [tilespmem:s7+$0xFFFFFFC0];
	v2 =	vpsel p0, v10, v2;
	v8 =	vadd.f32 v17, v8  }
.Ltmp26:
0x16a: {  	v9 =	vadd.f32 v18, v9;
	v2 =	vadd.f32 v19, v2;
	(pc) =	sbr.rel .LBB2_33-.Ltmp26, $4  }
0x16b: {  	v6 =	vadd.f32 v16, v6;
	v7 =	vadd.f32 v62, v7  }
0x16c: {  	v8 =	vadd.f32 v9, v8;
	v4 =	vadd.f32 v4, v2  }
0x16d: {  	v1 =	vpsel p0, v13, v1;
	v2 =	vadd.f32 v63, v3;
	v3 =	vadd.f32 v7, v6  }
0x16e: {  	v1 =	vadd.f32 v5, v1;
	v4 =	vadd.f32 v4, v8  }
.LBB2_26:
0x16f: {  	v3 =	vimm.f32 $0.0e+00;
	v4 =	vimm.f32 $0.0e+00  }
.LBB2_33:
0x170: {  	_ = 	snop  }
0x171: {  	p0 =	sge.s32 s30, s26;
	v1 =	vadd.f32 v2, v1  }
.Ltmp27:
0x172: {  	_ = 	snop;
	(pc) =	sbr.rel @p0 .LBB2_40-.Ltmp27, $2  }
0x173: {  	v1 =	vadd.f32 v3, v1;
	_ =	sdelay $0x1  }
0x174: {  	v1 =	vadd.f32 v4, v1;
	_ =	sdelay $0x1  }
0x175: {  	p0 =	slt.s32 s29, s17;
	s0 =	smov.u32 s17  }
0x176: {  	s7 =	sadd.s32 $0x1, s30;
	s0 =	smov.u32 @p0 s29  }
0x177: {  	p1 =	slt.s32 s7, s26;
	p0 =	slt.s32 s0, s31  }
.Ltmp28:
0x178: {  	s31 =	smov.u32 @p0 s0;
	s0 =	sand.u32 $0xFFFFFFF8, s0;
	(pc) =	sbr.rel @!p1 .LBB2_35-.Ltmp28, $4  }
0x179: {  	s4 =	sshrl.u32 s30, $0x3;
	p0 =	sgt.s32 s31, s0  }
0x17a: {  	s8 =	sadd.s32 s9, s4;
	s0 =	smov.u32 @p0 s31  }
0x17b: {  	s31 =	sshll.u32 s8, $0x9;
	s4 =	sshll.u32 s0, $0x4  }
0x17c: {  	p0 =	por $0x0, $0x0;
	s0 =	sshra.s32 s31, $0x2;
	s8 =	sand.u32 $0x70, s4  }
0x17d: {  	s10 =	sshrl.u32 s7, $0x3;
	s7 =	sadd.s32 $0x1, s7  }
0x17e: {  	p1 =	slt.s32 s7, s26  }
.Ltmp29:
0x17f: {  	s0 =	sor.u32 s8, s0;
	(pc) =	sbr.rel @!p1 .LBB2_37-.Ltmp29, $4  }
0x180: {  	v3 =	vld [tilespmem:s0+$0x10]  }
0x181: {  	s31 =	sadd.s32 s9, s10  }
0x182: {  	s4 =	sadd.s32 $0x10, s4;
	s10 =	sshll.u32 s31, $0x9  }
0x183: {  	p0 =	por $0x1, $0x1;
	v2 =	vmov v1;
	s8 =	sand.u32 $0x70, s4;
	s0 =	sshra.s32 s10, $0x2  }
.LBB2_38:
0x184: {  	s0 =	sor.u32 s8, s0;
	s8 =	smov.u32 s7;
	s7 =	sadd.s32 $0x1, s7  }
0x185: {  	v2 =	vadd.f32 v3, v2;
	p1 =	slt.s32 s7, s26  }
.Ltmp30:
0x186: {  	v3 =	vld [tilespmem:s0+$0x10];
	(pc) =	sbr.rel @p1 .LBB2_38-.Ltmp30, $4  }
0x187: {  	s0 =	sshrl.u32 s8, $0x3  }
0x188: {  	s0 =	sadd.s32 s9, s0  }
0x189: {  	s4 =	sadd.s32 $0x10, s4;
	s0 =	sshll.u32 s0, $0x9  }
0x18a: {  	s8 =	sand.u32 $0x70, s4;
	s0 =	sshra.s32 s0, $0x2  }
.Ltmp31:
0x18b: {  	_ = 	snop;
	(pc) =	sbr.rel .LBB2_39-.Ltmp31, $1  }
0x18c: {  	_ =	sdelay $0x3  }
.LBB2_19:
.Ltmp32:
0x18d: {  	(pc) =	sbr.rel .LBB2_24-.Ltmp32, $2  }
0x18e: {  	_ =	sdelay $0x2  }
0x18f: {  	v3 =	vimm.f32 $0.0e+00;
	s16 =	smov.u32 s11  }
.LBB2_28:
.Ltmp33:
0x190: {  	(pc) =	sbr.rel .LBB2_32-.Ltmp33, $4  }
0x191: {  	_ = 	snop  }
0x192: {  	v11 =	vimm.f32 $0.0e+00  }
0x193: {  	v12 =	vimm.f32 $0.0e+00;
	v14 =	vimm.f32 $0.0e+00;
	v4 =	vimm.f32 $0.0e+00  }
0x194: {  	v15 =	vmovc v1;
	v3 =	vimm.f32 $0.0e+00;
	v6 =	vimm.f32 $0.0e+00;
	v7 =	vimm.f32 $0.0e+00  }
.LBB2_21:
.Ltmp34:
0x195: {  	(pc) =	sbr.rel .LBB2_24-.Ltmp34, $2  }
0x196: {  	_ =	sdelay $0x2  }
0x197: {  	v3 =	vimm.f32 $0.0e+00;
	s16 =	smov.u32 s11  }
.LBB2_30:
.Ltmp35:
0x198: {  	(pc) =	sbr.rel .LBB2_32-.Ltmp35, $2  }
0x199: {  	_ =	sdelay $0x2  }
0x19a: {  	v11 =	vimm.f32 $0.0e+00;
	v12 =	vimm.f32 $0.0e+00;
	v14 =	vimm.f32 $0.0e+00;
	v15 =	vmovc v1  }
.LBB2_37:
.Ltmp36:
0x19b: {  	(pc) =	sbr.rel .LBB2_39-.Ltmp36, $2  }
0x19c: {  	_ =	sdelay $0x2  }
0x19d: {  	v2 =	vmov v1  }
.LBB2_47:
0x19e: {  	_ =	sfence.sel $0x180000  }
0x19f: {  	[bflag:$0x0] =	sbarrier.arrive $0xFFFF  }
0x1a0: {  	_ =	strace $0x90000047  }
0x1a1: {  	s0 =	stileid.u32;
	[bflag:$0x2] =	sbarrier.arrive $0xFFFF  }
0x1a2: {  	p0 =	sne.s32 s0, $0x0;
	s0 =	rddreg [dreg:$0x3]  }
0x1a3: {  	s0 =	sadd.s32 @!p0 $0x100000, s0  }
0x1a4: {  	[sflag:s0] =	ssyncadd.tile.s32 @!p0 $0x1;
	_ =	shalt  }
.Lfunc_end2:
_tile_overlayer_lowered:
.L_overlay_start_2:
0x1a5: {  	(tag) =	ssettag $0x2  }
0x1a6: {  	s0 =	rddreg [dreg:$0x0];
	s2 =	stileid.u32  }
0x1a7: {  	s1 =	rddreg [dreg:$0x1];
	p0 =	sne.s32 s2, $0x0  }
0x1a8: {  	s3 =	rddreg [dreg:$0x2];
	[bflag:$0x3] =	sbarrier.arrive $0xFFFF;
	s2 =	simm.s32 @!p0 $0x1C05  }
0x1a9: {  	[timem:s3], [sflag:s2] =	dma.local @!p0 [hbm:s0], s1  }
0x1aa: {  	s0 =	simm.s32 @!p0 $0x5  }
0x1ab: {  	_ =	swait.ge @!p0 [sflag:s0], s1  }
0x1ac: {  	s1 =	ssub.s32 @!p0 $0x0, s1;
	[sflag:s0] =	ssyncset.done @!p0 $0x0  }
0x1ad: {  	[sflag:s0] =	ssyncadd.s32 @!p0 s1  }
0x1ae: {  	[bflag:$0x3] =	sbarrier.arrive $0xFFFF  }
0x1af: {  	_ =	shalt  }

</sc_bundles>
